<compile_context>
chip_gen: v7x
topology: tpu7x:2x2x1
jax: 0.10.2.dev20260603
libtpu: 0.0.44.dev20260713+nightly
codegen_flags: <defaults>
</compile_context>

<pallas_src>
import jax
import jax.numpy as jnp
from jax import lax
from jax.experimental import pallas as pl
from jax.experimental.pallas import tpu as pltpu
from jax.experimental.pallas import tpu_sc as plsc

B = 32
V = 1000000
CB = 65536
NBT = 10
V0 = NBT * CB
W = V - V0
NCH = 10
CH = W // NCH
NV = CH // 16
U = 6
ITER = NV // U
CHW = (CH // 128 + 1) * 128
NC = 2
NS = 16


def _stream_body(x_ref, m_ref, s_ref, blk_ref):
    j = pl.program_id(0)

    @pl.when(j == 0)
    def _init():
        m_ref[...] = jnp.full((B, 1), -jnp.inf, jnp.float32)
        s_ref[...] = jnp.zeros((B, 1), jnp.float32)
        blk_ref[...] = jnp.zeros((B, 1), jnp.int32)

    x = x_ref[...]
    bmax = jnp.max(x, axis=1, keepdims=True)
    bsum = jnp.sum(jnp.exp(x - bmax), axis=1, keepdims=True)
    m = m_ref[...]
    mnew = jnp.maximum(m, bmax)
    s_ref[...] = s_ref[...] * jnp.exp(m - mnew) + bsum * jnp.exp(bmax - mnew)
    blk_ref[...] = jnp.where(bmax > m, j, blk_ref[...])
    m_ref[...] = mnew


def _sc_body(flat, aidx, m16o, s16o, it16o, cmino, g_o,
             buf, stagef, stagei, av, gv, sem):
    wid = lax.axis_index("s") * NC + lax.axis_index("c")
    base = wid * V + V0
    lanes = lax.iota(jnp.int32, 16)

    m16 = jnp.full((16,), -jnp.inf, jnp.float32)
    s16 = jnp.zeros((16,), jnp.float32)
    bc16 = jnp.zeros((16,), jnp.int32)

    for c in range(0):
        pltpu.sync_copy(flat.at[pl.ds(base + c * CH, CH)], buf)
        mprev = m16

        def p1(i, m):
            for u in range(U):
                m = jnp.maximum(m, buf[pl.ds((i * U + u) * 16, 16)])
            return m

        m16 = lax.fori_loop(0, ITER, p1, m16)
        s16 = s16 * jnp.exp(mprev - m16)
        bc16 = jnp.where(m16 > mprev, c, bc16)

        def p2(i, s):
            for u in range(U):
                s = s + jnp.exp(buf[pl.ds((i * U + u) * 16, 16)] - m16)
            return s

        s16 = lax.fori_loop(0, ITER, p2, s16)

    tail_base = V0 + (NCH - 1) * CH

    def p3(i, it):
        for u in range(U):
            k = i * U + u
            x = buf[pl.ds(k * 16, 16)]
            cand = jnp.where(x == m16, tail_base + k * 16 + lanes,
                             jnp.int32(V))
            it = jnp.minimum(it, cand)
        return it

    it16 = jnp.full((16,), V, jnp.int32)

    def lane_gather(v, idx):
        return lax.gather(
            v, idx[:, None],
            lax.GatherDimensionNumbers(offset_dims=(),
                                       collapsed_slice_dims=(0,),
                                       start_index_map=(0,)),
            slice_sizes=(1,),
            mode=lax.GatherScatterMode.PROMISE_IN_BOUNDS)

    def all_lanes(v, op):
        for sh in (1, 2, 4, 8):
            v = op(v, lane_gather(v, (lanes + sh) & 15))
        return v

    scm = all_lanes(m16, jnp.maximum)
    candc = jnp.where(m16 == scm, bc16, jnp.int32(NCH))
    cmin = all_lanes(candc, jnp.minimum)

    stagef[...] = m16
    pltpu.sync_copy(stagef, m16o.at[pl.ds(wid * 16, 16)])
    stagef[...] = s16
    pltpu.sync_copy(stagef, s16o.at[pl.ds(wid * 16, 16)])
    stagei[...] = it16
    pltpu.sync_copy(stagei, it16o.at[pl.ds(wid * 16, 16)])
    stagei[...] = cmin
    pltpu.sync_copy(stagei, cmino.at[pl.ds(wid * 16, 16)])

    @pl.when(wid == 0)
    def _gather():
        pltpu.sync_copy(aidx, av)
        pltpu.async_copy(flat.at[av], gv, sem).wait()
        pltpu.sync_copy(gv, g_o)


def _recover_body(blk_s, cmin_s, hbm_ref, mtc_ref, stc_ref, blkv_ref,
                  m16_ref, s16_ref, it16_ref, g_ref, cminv_ref,
                  lp_ref, mode_ref, xm_scr, xs_scr, sem):
    copies = []
    for i in range(B):
        o1 = blk_s[i] * CB
        c1 = pltpu.make_async_copy(
            hbm_ref.at[pl.ds(i, 1), pl.ds(o1, CB)],
            xm_scr.at[pl.ds(i, 1), :], sem)
        c1.start()
        copies.append(c1)
        o2 = (V0 + jnp.minimum(cmin_s[i], NCH - 2) * CH) // 128 * 128
        c2 = pltpu.make_async_copy(
            hbm_ref.at[pl.ds(i, 1), pl.ds(o2, CHW)],
            xs_scr.at[pl.ds(i, 1), :], sem)
        c2.start()
        copies.append(c2)
    for c in copies:
        c.wait()

    mtc = mtc_ref[...]
    stc = stc_ref[...]
    blkv = blkv_ref[...]
    m16 = m16_ref[...]
    s16 = s16_ref[...]
    it16 = it16_ref[...]
    cminv = cminv_ref[...]
    big = jnp.int32(V)

    scm = jnp.max(m16, axis=1, keepdims=True)
    gmax = jnp.maximum(mtc, scm)

    col_m = lax.broadcasted_iota(jnp.int32, (B, CB), 1) + blkv * CB
    idx_tc = jnp.min(jnp.where(xm_scr[...] == mtc, col_m, big), axis=1,
                     keepdims=True)

    o2v = (V0 + jnp.minimum(cminv, NCH - 2) * CH) // 128 * 128
    col_s = lax.broadcasted_iota(jnp.int32, (B, CHW), 1) + o2v
    idx_sc = jnp.min(jnp.where(xs_scr[...] == scm, col_s, big), axis=1,
                     keepdims=True)
    idx_tail = jnp.min(jnp.where(m16 == scm, it16, big), axis=1,
                       keepdims=True)
    idx_sc = jnp.where(cminv == NCH - 1, idx_tail, idx_sc)

    s_glob = (stc * jnp.exp(mtc - gmax)
              + jnp.sum(s16 * jnp.exp(m16 - gmax), axis=1, keepdims=True))

    lp_ref[...] = g_ref[...] - gmax - jnp.log(s_glob)
    mode_ref[...] = jnp.where(mtc >= scm, idx_tc, idx_sc)


def _sc_partials_sim(flat, aidx):
    xr = flat.reshape(B, V)[:, V0:].reshape(B, NCH, NV, 16)
    m16 = jnp.max(xr, axis=(1, 2))
    s16 = jnp.sum(jnp.exp(xr - m16[:, None, None, :]), axis=(1, 2))
    cmax = jnp.max(xr, axis=2)
    bc16 = jnp.argmax(cmax == m16[:, None, :], axis=1).astype(jnp.int32)
    tail = xr[:, NCH - 1]
    colt = (V0 + (NCH - 1) * CH
            + jnp.arange(NV)[:, None] * 16 + jnp.arange(16)[None, :])
    cand = jnp.where(tail == m16[:, None, :], colt[None], V)
    it16 = jnp.min(cand, axis=1).astype(jnp.int32)
    scm = jnp.max(m16, axis=1, keepdims=True)
    cmin = jnp.min(jnp.where(m16 == scm, bc16, NCH), axis=1)
    cmin16 = jnp.broadcast_to(cmin[:, None], (B, 16)).astype(jnp.int32)
    g = flat[aidx]
    return (m16.reshape(-1), s16.reshape(-1), it16.reshape(-1),
            cmin16.reshape(-1), g)


def _build(interpret=False):
    stream = pl.pallas_call(
        _stream_body,
        grid=(NBT,),
        in_specs=[pl.BlockSpec((B, CB), lambda j: (0, j))],
        out_specs=[pl.BlockSpec((B, 1), lambda j: (0, 0)),
                   pl.BlockSpec((B, 1), lambda j: (0, 0)),
                   pl.BlockSpec((B, 1), lambda j: (0, 0))],
        out_shape=[jax.ShapeDtypeStruct((B, 1), jnp.float32),
                   jax.ShapeDtypeStruct((B, 1), jnp.float32),
                   jax.ShapeDtypeStruct((B, 1), jnp.int32)],
        compiler_params=pltpu.CompilerParams(
            dimension_semantics=("arbitrary",)),
        interpret=interpret,
    )

    if interpret:
        sc_part = _sc_partials_sim
    else:
        sc_part = pl.kernel(
            _sc_body,
            out_type=[jax.ShapeDtypeStruct((B * 16,), jnp.float32),
                      jax.ShapeDtypeStruct((B * 16,), jnp.float32),
                      jax.ShapeDtypeStruct((B * 16,), jnp.int32),
                      jax.ShapeDtypeStruct((B * 16,), jnp.int32),
                      jax.ShapeDtypeStruct((B,), jnp.float32)],
            mesh=plsc.VectorSubcoreMesh(core_axis_name="c",
                                        subcore_axis_name="s"),
            scratch_types=[pltpu.VMEM((CH,), jnp.float32),
                           pltpu.VMEM((16,), jnp.float32),
                           pltpu.VMEM((16,), jnp.int32),
                           pltpu.VMEM((B,), jnp.int32),
                           pltpu.VMEM((B,), jnp.float32),
                           pltpu.SemaphoreType.DMA],
        )

    recover = pl.pallas_call(
        _recover_body,
        grid_spec=pltpu.PrefetchScalarGridSpec(
            num_scalar_prefetch=2,
            grid=(1,),
            in_specs=[
                pl.BlockSpec(memory_space=pl.ANY),
                pl.BlockSpec((B, 1), lambda i, bs, cs: (0, 0)),
                pl.BlockSpec((B, 1), lambda i, bs, cs: (0, 0)),
                pl.BlockSpec((B, 1), lambda i, bs, cs: (0, 0)),
                pl.BlockSpec((B, 16), lambda i, bs, cs: (0, 0)),
                pl.BlockSpec((B, 16), lambda i, bs, cs: (0, 0)),
                pl.BlockSpec((B, 16), lambda i, bs, cs: (0, 0)),
                pl.BlockSpec((B, 1), lambda i, bs, cs: (0, 0)),
                pl.BlockSpec((B, 1), lambda i, bs, cs: (0, 0)),
            ],
            out_specs=[pl.BlockSpec((B, 1), lambda i, bs, cs: (0, 0)),
                       pl.BlockSpec((B, 1), lambda i, bs, cs: (0, 0))],
            scratch_shapes=[pltpu.VMEM((B, CB), jnp.float32),
                            pltpu.VMEM((B, CHW), jnp.float32),
                            pltpu.SemaphoreType.DMA],
        ),
        out_shape=[jax.ShapeDtypeStruct((B, 1), jnp.float32),
                   jax.ShapeDtypeStruct((B, 1), jnp.int32)],
        interpret=interpret,
    )

    @jax.jit
    def run(logits, actions):
        a = actions.astype(jnp.int32).reshape(B)
        flat = logits.reshape(B * V)
        aidx = jnp.arange(B, dtype=jnp.int32) * V + a
        m_tc, s_tc, blk = stream(logits)
        m16f, s16f, it16f, cminf, g = sc_part(flat, aidx)
        m16 = m16f.reshape(B, 16)
        s16 = s16f.reshape(B, 16)
        it16 = it16f.reshape(B, 16)
        cmin = cminf.reshape(B, 16)[:, :1]
        lp, mode = recover(blk.reshape(B), cmin.reshape(B), logits,
                           m_tc, s_tc, blk, m16, s16, it16,
                           g.reshape(B, 1), cmin)
        return lp, mode

    return run


_run_cache = []


def kernel(logits, actions):
    if not _run_cache:
        _run_cache.append(_build())
    return _run_cache[0](logits, actions)

# --- scband reference (transcript-rebuilt; emitter-appended) ---
"""Pipeline reference for scband-fixed-categorical-1005022347746 (READ-ONLY COPY).

The authoritative reference and input builder live on the scoring server;
editing this copy changes nothing except your own understanding.
"""

import jax, jax.numpy as jnp
import numpy as np

B = 32
V = 1000000

def setup_inputs(seed: int = 0) -> dict:
    key = jax.random.key(seed)
    k1, k2 = jax.random.split(key)
    logits = jax.random.normal(k1, (B, V), dtype=jnp.float32)
    actions = jax.random.randint(k2, (B, 1), 0, V, dtype=jnp.int64)
    return {"logits": logits, "actions": actions}

def reference(logits, actions):
    # FixedCategorical(logits=logits)
    # log_probs(actions): Categorical.log_prob(actions.squeeze(-1)).view(B,-1).sum(-1).unsqueeze(-1)
    logp = jax.nn.log_softmax(logits, axis=-1)
    lp = jnp.take_along_axis(logp, actions, axis=-1)  # [B, 1]
    log_probs = lp.reshape(lp.shape[0], -1).sum(axis=-1)[:, None]  # [B, 1]
    # mode(): probs.argmax(dim=-1, keepdim=True); argmax of probs == argmax of logits
    probs = jax.nn.softmax(logits, axis=-1)
    mode = jnp.argmax(probs, axis=-1, keepdims=True)  # [B, 1] int
    return (log_probs, mode)

if __name__ == "__main__":
    import jax
    _d = setup_inputs()
    print(jax.jit(kernel)(*tuple(_d.values())))

</pallas_src>

<mosaic_0001>
#map = affine_map<(d0, d1) -> (0)>
module attributes {stable_mosaic.version = 14 : i64} {
  func.func @_sc_body(%arg0: i32, %arg1: i32, %arg2: memref<32000000xf32, #tpu.memory_space<hbm>>, %arg3: memref<32xi32, #tpu.memory_space<hbm>>, %arg4: memref<512xf32, #tpu.memory_space<hbm>>, %arg5: memref<512xf32, #tpu.memory_space<hbm>>, %arg6: memref<512xi32, #tpu.memory_space<hbm>>, %arg7: memref<512xi32, #tpu.memory_space<hbm>>, %arg8: memref<32xf32, #tpu.memory_space<hbm>>, %arg9: memref<34464xf32, #tpu.memory_space<vmem>>, %arg10: memref<16xf32, #tpu.memory_space<vmem>>, %arg11: memref<16xi32, #tpu.memory_space<vmem>>, %arg12: memref<32xi32, #tpu.memory_space<vmem>>, %arg13: memref<32xf32, #tpu.memory_space<vmem>>, %arg14: memref<!tpu.dma_semaphore, #tpu.memory_space<semaphore_mem>>) attributes {dimension_semantics = [#tpu.dimension_semantics<core_parallel>, #tpu.dimension_semantics<subcore_parallel>], iteration_bounds = array<i64: 2, 16>, scalar_prefetch = 0 : i64, scratch_operands = 6 : i64, tpu.core_type = #tpu.core_type<sc_vector_subcore>, window_params = [{transform_indices = #map}, {transform_indices = #map}, {transform_indices = #map}, {transform_indices = #map}, {transform_indices = #map}, {transform_indices = #map}, {transform_indices = #map}]} {
    %mul3A = arith.constant 2 : i32
    %mul3A_0 = arith.muli %arg1, %mul3A : i32
    %add3A = arith.addi %mul3A_0, %arg0 : i32
    %mul3A_1 = arith.constant 1000000 : i32
    %mul3A_2 = arith.muli %add3A, %mul3A_1 : i32
    %add3A_3 = arith.constant 655360 : i32
    %add3A_4 = arith.addi %mul3A_2, %add3A_3 : i32
    %iota3A = tpu.iota {dimensions = array<i32: 0>} : vector<16xi32>
    %broadcast_in_dim3A = arith.constant 0xFF800000 : f32
    %broadcast_in_dim3A_5 = vector.broadcast %broadcast_in_dim3A : f32 to vector<16xf32>
    %broadcast_in_dim3A_6 = arith.constant 0.000000e+00 : f32
    %broadcast_in_dim3A_7 = vector.broadcast %broadcast_in_dim3A_6 : f32 to vector<16xf32>
    %broadcast_in_dim3A_8 = arith.constant 0 : i32
    %broadcast_in_dim3A_9 = vector.broadcast %broadcast_in_dim3A_8 : i32 to vector<16xi32>
    %broadcast_in_dim3A_10 = arith.constant 1000000 : i32
    %broadcast_in_dim3A_11 = vector.broadcast %broadcast_in_dim3A_10 : i32 to vector<16xi32>
    %add3A_12 = arith.constant 1 : i32
    %add3A_13 = vector.broadcast %add3A_12 : i32 to vector<16xi32>
    %add3A_14 = arith.addi %iota3A, %add3A_13 : vector<16xi32>
    %and3A = arith.constant 15 : i32
    %and3A_15 = vector.broadcast %and3A : i32 to vector<16xi32>
    %and3A_16 = arith.andi %add3A_14, %and3A_15 : vector<16xi32>
    %broadcast_in_dim3A_17 = vector.shape_cast %and3A_16 : vector<16xi32> to vector<16x1xi32>
    %gather3A = vector.shape_cast %broadcast_in_dim3A_17 : vector<16x1xi32> to vector<16xi32>
    %gather3A_18 = tpu.dynamic_gather %broadcast_in_dim3A_5[%gather3A] in [0] : vector<16xf32>, vector<16xi32> -> vector<16xf32>
    %max3A = arith.maximumf %broadcast_in_dim3A_5, %gather3A_18 : vector<16xf32>
    %add3A_19 = arith.constant 2 : i32
    %add3A_20 = vector.broadcast %add3A_19 : i32 to vector<16xi32>
    %add3A_21 = arith.addi %iota3A, %add3A_20 : vector<16xi32>
    %and3A_22 = arith.constant 15 : i32
    %and3A_23 = vector.broadcast %and3A_22 : i32 to vector<16xi32>
    %and3A_24 = arith.andi %add3A_21, %and3A_23 : vector<16xi32>
    %broadcast_in_dim3A_25 = vector.shape_cast %and3A_24 : vector<16xi32> to vector<16x1xi32>
    %gather3A_26 = vector.shape_cast %broadcast_in_dim3A_25 : vector<16x1xi32> to vector<16xi32>
    %gather3A_27 = tpu.dynamic_gather %max3A[%gather3A_26] in [0] : vector<16xf32>, vector<16xi32> -> vector<16xf32>
    %max3A_28 = arith.maximumf %max3A, %gather3A_27 : vector<16xf32>
    %add3A_29 = arith.constant 4 : i32
    %add3A_30 = vector.broadcast %add3A_29 : i32 to vector<16xi32>
    %add3A_31 = arith.addi %iota3A, %add3A_30 : vector<16xi32>
    %and3A_32 = arith.constant 15 : i32
    %and3A_33 = vector.broadcast %and3A_32 : i32 to vector<16xi32>
    %and3A_34 = arith.andi %add3A_31, %and3A_33 : vector<16xi32>
    %broadcast_in_dim3A_35 = vector.shape_cast %and3A_34 : vector<16xi32> to vector<16x1xi32>
    %gather3A_36 = vector.shape_cast %broadcast_in_dim3A_35 : vector<16x1xi32> to vector<16xi32>
    %gather3A_37 = tpu.dynamic_gather %max3A_28[%gather3A_36] in [0] : vector<16xf32>, vector<16xi32> -> vector<16xf32>
    %max3A_38 = arith.maximumf %max3A_28, %gather3A_37 : vector<16xf32>
    %add3A_39 = arith.constant 8 : i32
    %add3A_40 = vector.broadcast %add3A_39 : i32 to vector<16xi32>
    %add3A_41 = arith.addi %iota3A, %add3A_40 : vector<16xi32>
    %and3A_42 = arith.constant 15 : i32
    %and3A_43 = vector.broadcast %and3A_42 : i32 to vector<16xi32>
    %and3A_44 = arith.andi %add3A_41, %and3A_43 : vector<16xi32>
    %broadcast_in_dim3A_45 = vector.shape_cast %and3A_44 : vector<16xi32> to vector<16x1xi32>
    %gather3A_46 = vector.shape_cast %broadcast_in_dim3A_45 : vector<16x1xi32> to vector<16xi32>
    %gather3A_47 = tpu.dynamic_gather %max3A_38[%gather3A_46] in [0] : vector<16xf32>, vector<16xi32> -> vector<16xf32>
    %max3A_48 = arith.maximumf %max3A_38, %gather3A_47 : vector<16xf32>
    %eq3A = arith.cmpf oeq, %broadcast_in_dim3A_5, %max3A_48 : vector<16xf32>
    %jit3A = arith.constant 10 : i32
    %broadcast_in_dim3A_49 = vector.broadcast %jit3A : i32 to vector<16xi32>
    %select_n3A = arith.select %eq3A, %broadcast_in_dim3A_9, %broadcast_in_dim3A_49 : vector<16xi1>, vector<16xi32>
    %add3A_50 = arith.constant 1 : i32
    %add3A_51 = vector.broadcast %add3A_50 : i32 to vector<16xi32>
    %add3A_52 = arith.addi %iota3A, %add3A_51 : vector<16xi32>
    %and3A_53 = arith.constant 15 : i32
    %and3A_54 = vector.broadcast %and3A_53 : i32 to vector<16xi32>
    %and3A_55 = arith.andi %add3A_52, %and3A_54 : vector<16xi32>
    %broadcast_in_dim3A_56 = vector.shape_cast %and3A_55 : vector<16xi32> to vector<16x1xi32>
    %gather3A_57 = vector.shape_cast %broadcast_in_dim3A_56 : vector<16x1xi32> to vector<16xi32>
    %gather3A_58 = tpu.dynamic_gather %select_n3A[%gather3A_57] in [0] : vector<16xi32>, vector<16xi32> -> vector<16xi32>
    %min3A = arith.minsi %select_n3A, %gather3A_58 : vector<16xi32>
    %add3A_59 = arith.constant 2 : i32
    %add3A_60 = vector.broadcast %add3A_59 : i32 to vector<16xi32>
    %add3A_61 = arith.addi %iota3A, %add3A_60 : vector<16xi32>
    %and3A_62 = arith.constant 15 : i32
    %and3A_63 = vector.broadcast %and3A_62 : i32 to vector<16xi32>
    %and3A_64 = arith.andi %add3A_61, %and3A_63 : vector<16xi32>
    %broadcast_in_dim3A_65 = vector.shape_cast %and3A_64 : vector<16xi32> to vector<16x1xi32>
    %gather3A_66 = vector.shape_cast %broadcast_in_dim3A_65 : vector<16x1xi32> to vector<16xi32>
    %gather3A_67 = tpu.dynamic_gather %min3A[%gather3A_66] in [0] : vector<16xi32>, vector<16xi32> -> vector<16xi32>
    %min3A_68 = arith.minsi %min3A, %gather3A_67 : vector<16xi32>
    %add3A_69 = arith.constant 4 : i32
    %add3A_70 = vector.broadcast %add3A_69 : i32 to vector<16xi32>
    %add3A_71 = arith.addi %iota3A, %add3A_70 : vector<16xi32>
    %and3A_72 = arith.constant 15 : i32
    %and3A_73 = vector.broadcast %and3A_72 : i32 to vector<16xi32>
    %and3A_74 = arith.andi %add3A_71, %and3A_73 : vector<16xi32>
    %broadcast_in_dim3A_75 = vector.shape_cast %and3A_74 : vector<16xi32> to vector<16x1xi32>
    %gather3A_76 = vector.shape_cast %broadcast_in_dim3A_75 : vector<16x1xi32> to vector<16xi32>
    %gather3A_77 = tpu.dynamic_gather %min3A_68[%gather3A_76] in [0] : vector<16xi32>, vector<16xi32> -> vector<16xi32>
    %min3A_78 = arith.minsi %min3A_68, %gather3A_77 : vector<16xi32>
    %add3A_79 = arith.constant 8 : i32
    %add3A_80 = vector.broadcast %add3A_79 : i32 to vector<16xi32>
    %add3A_81 = arith.addi %iota3A, %add3A_80 : vector<16xi32>
    %and3A_82 = arith.constant 15 : i32
    %and3A_83 = vector.broadcast %and3A_82 : i32 to vector<16xi32>
    %and3A_84 = arith.andi %add3A_81, %and3A_83 : vector<16xi32>
    %broadcast_in_dim3A_85 = vector.shape_cast %and3A_84 : vector<16xi32> to vector<16x1xi32>
    %gather3A_86 = vector.shape_cast %broadcast_in_dim3A_85 : vector<16x1xi32> to vector<16xi32>
    %gather3A_87 = tpu.dynamic_gather %min3A_78[%gather3A_86] in [0] : vector<16xi32>, vector<16xi32> -> vector<16xi32>
    %min3A_88 = arith.minsi %min3A_78, %gather3A_87 : vector<16xi32>
    %swap3A = arith.constant 0 : index
    %swap3A_89 = tpu.vector_load %arg10[%swap3A] {strides = array<i32>} : memref<16xf32, #tpu.memory_space<vmem>>, vector<16xf32>,
    %swap3A_90 = vector.shape_cast %swap3A_89 : vector<16xf32> to vector<16xf32>
    %swap3A_91 = vector.shape_cast %broadcast_in_dim3A_5 : vector<16xf32> to vector<16xf32>
    tpu.vector_store %arg10[%swap3A], %swap3A_91 {strides = array<i32>} : memref<16xf32, #tpu.memory_space<vmem>>, vector<16xf32>,
    %mul3A_92 = arith.constant 16 : i32
    %mul3A_93 = arith.muli %add3A, %mul3A_92 : i32
    "tpu.region"() ({
      %run_scoped3A = tpu.sem_alloc : memref<!tpu.dma_semaphore, #tpu.memory_space<semaphore_mem>>
      %dma_start3A = tpu.memref_slice %arg4[%mul3A_93] : memref<512xf32, #tpu.memory_space<hbm>> -> memref<16xf32, #tpu.memory_space<hbm>>
      %dma_start3A_115 = tpu.memref_slice %arg4[%mul3A_93] : memref<512xf32, #tpu.memory_space<hbm>> -> memref<16xf32, #tpu.memory_space<hbm>>
      tpu.enqueue_dma source(%arg10 : memref<16xf32, #tpu.memory_space<vmem>>) target(%dma_start3A_115 : memref<16xf32, #tpu.memory_space<hbm>>) target_semaphore(%run_scoped3A : memref<!tpu.dma_semaphore, #tpu.memory_space<semaphore_mem>>)
      %dma_wait3A = tpu.memref_slice %arg4[%mul3A_93] : memref<512xf32, #tpu.memory_space<hbm>> -> memref<16xf32, #tpu.memory_space<hbm>>
      %dma_wait3A_116 = tpu.memref_slice %arg4[%mul3A_93] : memref<512xf32, #tpu.memory_space<hbm>> -> memref<16xf32, #tpu.memory_space<hbm>>
      tpu.wait_dma2 semaphore(%run_scoped3A : memref<!tpu.dma_semaphore, #tpu.memory_space<semaphore_mem>>) src(%arg10 : memref<16xf32, #tpu.memory_space<vmem>>) dst(%dma_wait3A_116 : memref<16xf32, #tpu.memory_space<hbm>>)
      tpu.yield
    }) : () -> ()
    %swap3A_94 = arith.constant 0 : index
    %swap3A_95 = tpu.vector_load %arg10[%swap3A_94] {strides = array<i32>} : memref<16xf32, #tpu.memory_space<vmem>>, vector<16xf32>,
    %swap3A_96 = vector.shape_cast %swap3A_95 : vector<16xf32> to vector<16xf32>
    %swap3A_97 = vector.shape_cast %broadcast_in_dim3A_7 : vector<16xf32> to vector<16xf32>
    tpu.vector_store %arg10[%swap3A_94], %swap3A_97 {strides = array<i32>} : memref<16xf32, #tpu.memory_space<vmem>>, vector<16xf32>,
    %mul3A_98 = arith.constant 16 : i32
    %mul3A_99 = arith.muli %add3A, %mul3A_98 : i32
    "tpu.region"() ({
      %run_scoped3A = tpu.sem_alloc : memref<!tpu.dma_semaphore, #tpu.memory_space<semaphore_mem>>
      %dma_start3A = tpu.memref_slice %arg5[%mul3A_99] : memref<512xf32, #tpu.memory_space<hbm>> -> memref<16xf32, #tpu.memory_space<hbm>>
      %dma_start3A_115 = tpu.memref_slice %arg5[%mul3A_99] : memref<512xf32, #tpu.memory_space<hbm>> -> memref<16xf32, #tpu.memory_space<hbm>>
      tpu.enqueue_dma source(%arg10 : memref<16xf32, #tpu.memory_space<vmem>>) target(%dma_start3A_115 : memref<16xf32, #tpu.memory_space<hbm>>) target_semaphore(%run_scoped3A : memref<!tpu.dma_semaphore, #tpu.memory_space<semaphore_mem>>)
      %dma_wait3A = tpu.memref_slice %arg5[%mul3A_99] : memref<512xf32, #tpu.memory_space<hbm>> -> memref<16xf32, #tpu.memory_space<hbm>>
      %dma_wait3A_116 = tpu.memref_slice %arg5[%mul3A_99] : memref<512xf32, #tpu.memory_space<hbm>> -> memref<16xf32, #tpu.memory_space<hbm>>
      tpu.wait_dma2 semaphore(%run_scoped3A : memref<!tpu.dma_semaphore, #tpu.memory_space<semaphore_mem>>) src(%arg10 : memref<16xf32, #tpu.memory_space<vmem>>) dst(%dma_wait3A_116 : memref<16xf32, #tpu.memory_space<hbm>>)
      tpu.yield
    }) : () -> ()
    %swap3A_100 = arith.constant 0 : index
    %swap3A_101 = tpu.vector_load %arg11[%swap3A_100] {strides = array<i32>} : memref<16xi32, #tpu.memory_space<vmem>>, vector<16xi32>,
    %swap3A_102 = vector.shape_cast %swap3A_101 : vector<16xi32> to vector<16xi32>
    %swap3A_103 = vector.shape_cast %broadcast_in_dim3A_11 : vector<16xi32> to vector<16xi32>
    tpu.vector_store %arg11[%swap3A_100], %swap3A_103 {strides = array<i32>} : memref<16xi32, #tpu.memory_space<vmem>>, vector<16xi32>,
    %mul3A_104 = arith.constant 16 : i32
    %mul3A_105 = arith.muli %add3A, %mul3A_104 : i32
    "tpu.region"() ({
      %run_scoped3A = tpu.sem_alloc : memref<!tpu.dma_semaphore, #tpu.memory_space<semaphore_mem>>
      %dma_start3A = tpu.memref_slice %arg6[%mul3A_105] : memref<512xi32, #tpu.memory_space<hbm>> -> memref<16xi32, #tpu.memory_space<hbm>>
      %dma_start3A_115 = tpu.memref_slice %arg6[%mul3A_105] : memref<512xi32, #tpu.memory_space<hbm>> -> memref<16xi32, #tpu.memory_space<hbm>>
      tpu.enqueue_dma source(%arg11 : memref<16xi32, #tpu.memory_space<vmem>>) target(%dma_start3A_115 : memref<16xi32, #tpu.memory_space<hbm>>) target_semaphore(%run_scoped3A : memref<!tpu.dma_semaphore, #tpu.memory_space<semaphore_mem>>)
      %dma_wait3A = tpu.memref_slice %arg6[%mul3A_105] : memref<512xi32, #tpu.memory_space<hbm>> -> memref<16xi32, #tpu.memory_space<hbm>>
      %dma_wait3A_116 = tpu.memref_slice %arg6[%mul3A_105] : memref<512xi32, #tpu.memory_space<hbm>> -> memref<16xi32, #tpu.memory_space<hbm>>
      tpu.wait_dma2 semaphore(%run_scoped3A : memref<!tpu.dma_semaphore, #tpu.memory_space<semaphore_mem>>) src(%arg11 : memref<16xi32, #tpu.memory_space<vmem>>) dst(%dma_wait3A_116 : memref<16xi32, #tpu.memory_space<hbm>>)
      tpu.yield
    }) : () -> ()
    %swap3A_106 = arith.constant 0 : index
    %swap3A_107 = tpu.vector_load %arg11[%swap3A_106] {strides = array<i32>} : memref<16xi32, #tpu.memory_space<vmem>>, vector<16xi32>,
    %swap3A_108 = vector.shape_cast %swap3A_107 : vector<16xi32> to vector<16xi32>
    %swap3A_109 = vector.shape_cast %min3A_88 : vector<16xi32> to vector<16xi32>
    tpu.vector_store %arg11[%swap3A_106], %swap3A_109 {strides = array<i32>} : memref<16xi32, #tpu.memory_space<vmem>>, vector<16xi32>,
    %mul3A_110 = arith.constant 16 : i32
    %mul3A_111 = arith.muli %add3A, %mul3A_110 : i32
    "tpu.region"() ({
      %run_scoped3A = tpu.sem_alloc : memref<!tpu.dma_semaphore, #tpu.memory_space<semaphore_mem>>
      %dma_start3A = tpu.memref_slice %arg7[%mul3A_111] : memref<512xi32, #tpu.memory_space<hbm>> -> memref<16xi32, #tpu.memory_space<hbm>>
      %dma_start3A_115 = tpu.memref_slice %arg7[%mul3A_111] : memref<512xi32, #tpu.memory_space<hbm>> -> memref<16xi32, #tpu.memory_space<hbm>>
      tpu.enqueue_dma source(%arg11 : memref<16xi32, #tpu.memory_space<vmem>>) target(%dma_start3A_115 : memref<16xi32, #tpu.memory_space<hbm>>) target_semaphore(%run_scoped3A : memref<!tpu.dma_semaphore, #tpu.memory_space<semaphore_mem>>)
      %dma_wait3A = tpu.memref_slice %arg7[%mul3A_111] : memref<512xi32, #tpu.memory_space<hbm>> -> memref<16xi32, #tpu.memory_space<hbm>>
      %dma_wait3A_116 = tpu.memref_slice %arg7[%mul3A_111] : memref<512xi32, #tpu.memory_space<hbm>> -> memref<16xi32, #tpu.memory_space<hbm>>
      tpu.wait_dma2 semaphore(%run_scoped3A : memref<!tpu.dma_semaphore, #tpu.memory_space<semaphore_mem>>) src(%arg11 : memref<16xi32, #tpu.memory_space<vmem>>) dst(%dma_wait3A_116 : memref<16xi32, #tpu.memory_space<hbm>>)
      tpu.yield
    }) : () -> ()
    %eq3A_112 = arith.constant 0 : i32
    %eq3A_113 = arith.cmpi eq, %add3A, %eq3A_112 : i32
    %convert_element_type3A = arith.extui %eq3A_113 : i1 to i32
    %cond3A = arith.constant 0 : i32
    %cond3A_114 = arith.cmpi ne, %convert_element_type3A, %cond3A : i32
    scf.if %cond3A_114 {
      "tpu.region"() ({
        %run_scoped3A = tpu.sem_alloc : memref<!tpu.dma_semaphore, #tpu.memory_space<semaphore_mem>>
        tpu.enqueue_dma source(%arg3 : memref<32xi32, #tpu.memory_space<hbm>>) target(%arg12 : memref<32xi32, #tpu.memory_space<vmem>>) target_semaphore(%run_scoped3A : memref<!tpu.dma_semaphore, #tpu.memory_space<semaphore_mem>>)
        tpu.wait_dma2 semaphore(%run_scoped3A : memref<!tpu.dma_semaphore, #tpu.memory_space<semaphore_mem>>) src(%arg3 : memref<32xi32, #tpu.memory_space<hbm>>) dst(%arg12 : memref<32xi32, #tpu.memory_space<vmem>>)
        tpu.yield
      }) : () -> ()
      %dma_start3A = arith.constant 0 : i32
      %dma_start3A_115 = tpu.memref_slice %arg2[%dma_start3A] : memref<32000000xf32, #tpu.memory_space<hbm>> -> memref<32000000xf32, #tpu.memory_space<hbm>>
      tpu.enqueue_indirect_dma source(%dma_start3A_115 : memref<32000000xf32, #tpu.memory_space<hbm>>) target(%arg13 : memref<32xf32, #tpu.memory_space<vmem>>) offsets(%arg12 : memref<32xi32, #tpu.memory_space<vmem>>) semaphore(%arg14 : memref<!tpu.dma_semaphore, #tpu.memory_space<semaphore_mem>>)
      %dma_wait3A = arith.constant 0 : i32
      %dma_wait3A_116 = tpu.memref_slice %arg2[%dma_wait3A] : memref<32000000xf32, #tpu.memory_space<hbm>> -> memref<32000000xf32, #tpu.memory_space<hbm>>
      tpu.wait_indirect_dma semaphore(%arg14 : memref<!tpu.dma_semaphore, #tpu.memory_space<semaphore_mem>>) src(%dma_wait3A_116 : memref<32000000xf32, #tpu.memory_space<hbm>>) dst(%arg13 : memref<32xf32, #tpu.memory_space<vmem>>)
      "tpu.region"() ({
        %run_scoped3A = tpu.sem_alloc : memref<!tpu.dma_semaphore, #tpu.memory_space<semaphore_mem>>
        tpu.enqueue_dma source(%arg13 : memref<32xf32, #tpu.memory_space<vmem>>) target(%arg8 : memref<32xf32, #tpu.memory_space<hbm>>) target_semaphore(%run_scoped3A : memref<!tpu.dma_semaphore, #tpu.memory_space<semaphore_mem>>)
        tpu.wait_dma2 semaphore(%run_scoped3A : memref<!tpu.dma_semaphore, #tpu.memory_space<semaphore_mem>>) src(%arg13 : memref<32xf32, #tpu.memory_space<vmem>>) dst(%arg8 : memref<32xf32, #tpu.memory_space<hbm>>)
        tpu.yield
      }) : () -> ()
    } else {
    }
    return
  }
}

module attributes {stable_mosaic.version = 14 : i64} {
  func.func @_stream_body(%arg0: i32, %arg1: memref<32x65536xf32, #tpu.memory_space<vmem>>, %arg2: memref<32x1xf32, #tpu.memory_space<vmem>>, %arg3: memref<32x1xf32, #tpu.memory_space<vmem>>, %arg4: memref<32x1xi32, #tpu.memory_space<vmem>>) attributes {dimension_semantics = [#tpu.dimension_semantics<arbitrary>], iteration_bounds = array<i64: 10>, scalar_prefetch = 0 : i64, scratch_operands = 0 : i64, tpu.core_type = #tpu.core_type<tc>, window_params = [{transform_indices = @transform_0, window_bounds = array<i64: 32, 65536>}, {pipeline_mode = #tpu.pipeline_mode<synchronous>, transform_indices = @transform_1, window_bounds = array<i64: 32, 1>}, {pipeline_mode = #tpu.pipeline_mode<synchronous>, transform_indices = @transform_2, window_bounds = array<i64: 32, 1>}, {pipeline_mode = #tpu.pipeline_mode<synchronous>, transform_indices = @transform_3, window_bounds = array<i64: 32, 1>}]} {
    %eq3A = arith.constant 0 : i32
    %eq3A_0 = arith.cmpi eq, %arg0, %eq3A : i32
    %convert_element_type3A = arith.extui %eq3A_0 : i1 to i32
    %cond3A = arith.constant 0 : i32
    %cond3A_1 = arith.cmpi ne, %convert_element_type3A, %cond3A : i32
    scf.if %cond3A_1 {
      %broadcast_in_dim3A_31 = arith.constant 0xFF800000 : f32
      %broadcast_in_dim3A_32 = vector.broadcast %broadcast_in_dim3A_31 : f32 to vector<32x1xf32>
      %swap3A_33 = arith.constant 0 : index
      %swap3A_34 = arith.constant 0 : index
      %swap3A_35 = vector.load %arg2[%swap3A_33, %swap3A_34] : memref<32x1xf32, #tpu.memory_space<vmem>>, vector<32x1xf32>
      tpu.vector_store %arg2[%swap3A_33, %swap3A_34], %broadcast_in_dim3A_32 {strides = array<i32>} : memref<32x1xf32, #tpu.memory_space<vmem>>, vector<32x1xf32>,
      %broadcast_in_dim3A_36 = arith.constant 0.000000e+00 : f32
      %broadcast_in_dim3A_37 = vector.broadcast %broadcast_in_dim3A_36 : f32 to vector<32x1xf32>
      %swap3A_38 = arith.constant 0 : index
      %swap3A_39 = arith.constant 0 : index
      %swap3A_40 = vector.load %arg3[%swap3A_38, %swap3A_39] : memref<32x1xf32, #tpu.memory_space<vmem>>, vector<32x1xf32>
      tpu.vector_store %arg3[%swap3A_38, %swap3A_39], %broadcast_in_dim3A_37 {strides = array<i32>} : memref<32x1xf32, #tpu.memory_space<vmem>>, vector<32x1xf32>,
      %broadcast_in_dim3A_41 = arith.constant 0 : i32
      %broadcast_in_dim3A_42 = vector.broadcast %broadcast_in_dim3A_41 : i32 to vector<32x1xi32>
      %swap3A_43 = arith.constant 0 : index
      %swap3A_44 = arith.constant 0 : index
      %swap3A_45 = vector.load %arg4[%swap3A_43, %swap3A_44] : memref<32x1xi32, #tpu.memory_space<vmem>>, vector<32x1xi32>
      tpu.vector_store %arg4[%swap3A_43, %swap3A_44], %broadcast_in_dim3A_42 {strides = array<i32>} : memref<32x1xi32, #tpu.memory_space<vmem>>, vector<32x1xi32>,
    } else {
    }
    %get3A = arith.constant 0 : index
    %get3A_2 = arith.constant 0 : index
    %get3A_3 = vector.load %arg1[%get3A, %get3A_2] : memref<32x65536xf32, #tpu.memory_space<vmem>>, vector<32x65536xf32>
    %reduce_max3A = arith.constant dense<0xFF800000> : vector<32xf32>
    %reduce_max3A_4 = vector.multi_reduction <maximumf>, %get3A_3, %reduce_max3A [1] : vector<32x65536xf32> to vector<32xf32>
    %broadcast_in_dim3A = vector.shape_cast %reduce_max3A_4 : vector<32xf32> to vector<32x1xf32>
    %sub3A = vector.broadcast %broadcast_in_dim3A : vector<32x1xf32> to vector<32x65536xf32>
    %sub3A_5 = arith.subf %get3A_3, %sub3A : vector<32x65536xf32>
    %exp3A = math.exp %sub3A_5 : vector<32x65536xf32>
    %reduce_sum3A = arith.constant dense<0.000000e+00> : vector<32xf32>
    %reduce_sum3A_6 = vector.multi_reduction <add>, %exp3A, %reduce_sum3A [1] : vector<32x65536xf32> to vector<32xf32>
    %broadcast_in_dim3A_7 = vector.shape_cast %reduce_sum3A_6 : vector<32xf32> to vector<32x1xf32>
    %get3A_8 = arith.constant 0 : index
    %get3A_9 = arith.constant 0 : index
    %get3A_10 = vector.load %arg2[%get3A_8, %get3A_9] : memref<32x1xf32, #tpu.memory_space<vmem>>, vector<32x1xf32>
    %max3A = arith.maximumf %get3A_10, %broadcast_in_dim3A : vector<32x1xf32>
    %get3A_11 = arith.constant 0 : index
    %get3A_12 = arith.constant 0 : index
    %get3A_13 = vector.load %arg3[%get3A_11, %get3A_12] : memref<32x1xf32, #tpu.memory_space<vmem>>, vector<32x1xf32>
    %sub3A_14 = arith.subf %get3A_10, %max3A : vector<32x1xf32>
    %exp3A_15 = math.exp %sub3A_14 : vector<32x1xf32>
    %mul3A = arith.mulf %get3A_13, %exp3A_15 : vector<32x1xf32>
    %sub3A_16 = arith.subf %broadcast_in_dim3A, %max3A : vector<32x1xf32>
    %exp3A_17 = math.exp %sub3A_16 : vector<32x1xf32>
    %mul3A_18 = arith.mulf %broadcast_in_dim3A_7, %exp3A_17 : vector<32x1xf32>
    %add3A = arith.addf %mul3A, %mul3A_18 : vector<32x1xf32>
    %swap3A = arith.constant 0 : index
    %swap3A_19 = arith.constant 0 : index
    %swap3A_20 = vector.load %arg3[%swap3A, %swap3A_19] : memref<32x1xf32, #tpu.memory_space<vmem>>, vector<32x1xf32>
    tpu.vector_store %arg3[%swap3A, %swap3A_19], %add3A {strides = array<i32>} : memref<32x1xf32, #tpu.memory_space<vmem>>, vector<32x1xf32>,
    %gt3A = arith.cmpf ogt, %broadcast_in_dim3A, %get3A_10 : vector<32x1xf32>
    %get3A_21 = arith.constant 0 : index
    %get3A_22 = arith.constant 0 : index
    %get3A_23 = vector.load %arg4[%get3A_21, %get3A_22] : memref<32x1xi32, #tpu.memory_space<vmem>>, vector<32x1xi32>
    %broadcast_in_dim3A_24 = vector.broadcast %arg0 : i32 to vector<32x1xi32>
    %select_n3A = arith.select %gt3A, %broadcast_in_dim3A_24, %get3A_23 : vector<32x1xi1>, vector<32x1xi32>
    %swap3A_25 = arith.constant 0 : index
    %swap3A_26 = arith.constant 0 : index
    %swap3A_27 = vector.load %arg4[%swap3A_25, %swap3A_26] : memref<32x1xi32, #tpu.memory_space<vmem>>, vector<32x1xi32>
    tpu.vector_store %arg4[%swap3A_25, %swap3A_26], %select_n3A {strides = array<i32>} : memref<32x1xi32, #tpu.memory_space<vmem>>, vector<32x1xi32>,
    %swap3A_28 = arith.constant 0 : index
    %swap3A_29 = arith.constant 0 : index
    %swap3A_30 = vector.load %arg2[%swap3A_28, %swap3A_29] : memref<32x1xf32, #tpu.memory_space<vmem>>, vector<32x1xf32>
    tpu.vector_store %arg2[%swap3A_28, %swap3A_29], %max3A {strides = array<i32>} : memref<32x1xf32, #tpu.memory_space<vmem>>, vector<32x1xf32>,
    return
  }
  func.func @transform_0(%arg0: i32) -> (i32, i32) {
    %c0_i32 = arith.constant 0 : i32
    %c0_i32_0 = arith.constant 0 : i32
    return %c0_i32, %arg0 : i32, i32
  }
  func.func @transform_1(%arg0: i32) -> (i32, i32) {
    %c0_i32 = arith.constant 0 : i32
    %c0_i32_0 = arith.constant 0 : i32
    %c0_i32_1 = arith.constant 0 : i32
    return %c0_i32, %c0_i32_0 : i32, i32
  }
  func.func @transform_2(%arg0: i32) -> (i32, i32) {
    %c0_i32 = arith.constant 0 : i32
    %c0_i32_0 = arith.constant 0 : i32
    %c0_i32_1 = arith.constant 0 : i32
    return %c0_i32, %c0_i32_0 : i32, i32
  }
  func.func @transform_3(%arg0: i32) -> (i32, i32) {
    %c0_i32 = arith.constant 0 : i32
    %c0_i32_0 = arith.constant 0 : i32
    %c0_i32_1 = arith.constant 0 : i32
    return %c0_i32, %c0_i32_0 : i32, i32
  }
}

module attributes {stable_mosaic.version = 14 : i64} {
  func.func @_recover_body(%arg0: i32, %arg1: memref<32xi32, #tpu.memory_space<smem>>, %arg2: memref<32xi32, #tpu.memory_space<smem>>, %arg3: memref<32x1000000xf32, #tpu.memory_space<any>>, %arg4: memref<32x1xf32, #tpu.memory_space<vmem>>, %arg5: memref<32x1xf32, #tpu.memory_space<vmem>>, %arg6: memref<32x1xi32, #tpu.memory_space<vmem>>, %arg7: memref<32x16xf32, #tpu.memory_space<vmem>>, %arg8: memref<32x16xf32, #tpu.memory_space<vmem>>, %arg9: memref<32x16xi32, #tpu.memory_space<vmem>>, %arg10: memref<32x1xf32, #tpu.memory_space<vmem>>, %arg11: memref<32x1xi32, #tpu.memory_space<vmem>>, %arg12: memref<32x1xf32, #tpu.memory_space<vmem>>, %arg13: memref<32x1xi32, #tpu.memory_space<vmem>>, %arg14: memref<32x65536xf32, #tpu.memory_space<vmem>>, %arg15: memref<32x34560xf32, #tpu.memory_space<vmem>>, %arg16: memref<!tpu.dma_semaphore, #tpu.memory_space<semaphore_mem>>) attributes {dimension_semantics = [#tpu.dimension_semantics<arbitrary>], iteration_bounds = array<i64: 1>, scalar_prefetch = 2 : i64, scratch_operands = 3 : i64, tpu.core_type = #tpu.core_type<tc>, window_params = [{}, {pipeline_mode = #tpu.pipeline_mode<synchronous>, transform_indices = @transform_1, window_bounds = array<i64: 32, 1>}, {pipeline_mode = #tpu.pipeline_mode<synchronous>, transform_indices = @transform_2, window_bounds = array<i64: 32, 1>}, {pipeline_mode = #tpu.pipeline_mode<synchronous>, transform_indices = @transform_3, window_bounds = array<i64: 32, 1>}, {pipeline_mode = #tpu.pipeline_mode<synchronous>, transform_indices = @transform_4, window_bounds = array<i64: 32, 16>}, {pipeline_mode = #tpu.pipeline_mode<synchronous>, transform_indices = @transform_5, window_bounds = array<i64: 32, 16>}, {pipeline_mode = #tpu.pipeline_mode<synchronous>, transform_indices = @transform_6, window_bounds = array<i64: 32, 16>}, {pipeline_mode = #tpu.pipeline_mode<synchronous>, transform_indices = @transform_7, window_bounds = array<i64: 32, 1>}, {pipeline_mode = #tpu.pipeline_mode<synchronous>, transform_indices = @transform_8, window_bounds = array<i64: 32, 1>}, {pipeline_mode = #tpu.pipeline_mode<synchronous>, transform_indices = @transform_9, window_bounds = array<i64: 32, 1>}, {pipeline_mode = #tpu.pipeline_mode<synchronous>, transform_indices = @transform_10, window_bounds = array<i64: 32, 1>}]} {
    %get3A = arith.constant 0 : index
    %get3A_0 = memref.load %arg1[%get3A] : memref<32xi32, #tpu.memory_space<smem>>
    %mul3A = arith.constant 65536 : i32
    %mul3A_1 = arith.muli %get3A_0, %mul3A : i32
    %dma_start3A = arith.constant 0 : i32
    %dma_start3A_2 = arith.constant 0 : i32
    %dma_start3A_3 = tpu.memref_slice %arg14[%dma_start3A, %dma_start3A_2] : memref<32x65536xf32, #tpu.memory_space<vmem>> -> memref<1x65536xf32, #tpu.memory_space<vmem>>
    %dma_start3A_4 = arith.constant 0 : i32
    %dma_start3A_5 = tpu.memref_slice %arg3[%dma_start3A_4, %mul3A_1] : memref<32x1000000xf32, #tpu.memory_space<any>> -> memref<1x65536xf32, #tpu.memory_space<any>>
    tpu.enqueue_dma source(%dma_start3A_5 : memref<1x65536xf32, #tpu.memory_space<any>>) target(%dma_start3A_3 : memref<1x65536xf32, #tpu.memory_space<vmem>>) target_semaphore(%arg16 : memref<!tpu.dma_semaphore, #tpu.memory_space<semaphore_mem>>)
    %get3A_6 = arith.constant 0 : index
    %get3A_7 = memref.load %arg2[%get3A_6] : memref<32xi32, #tpu.memory_space<smem>>
    %min3A = arith.constant 8 : i32
    %min3A_8 = arith.minsi %get3A_7, %min3A : i32
    %mul3A_9 = arith.constant 34464 : i32
    %mul3A_10 = arith.muli %min3A_8, %mul3A_9 : i32
    %add3A = arith.constant 655360 : i32
    %add3A_11 = arith.addi %add3A, %mul3A_10 : i32
    %jit3A = arith.constant 128 : i32
    %div3A = arith.divsi %add3A_11, %jit3A : i32
    %sign3A = arith.constant 0 : i32
    %sign3A_12 = arith.cmpi sgt, %add3A_11, %sign3A : i32
    %sign3A_13 = arith.extui %sign3A_12 : i1 to i32
    %sign3A_14 = arith.constant 0 : i32
    %sign3A_15 = arith.cmpi slt, %add3A_11, %sign3A_14 : i32
    %sign3A_16 = arith.extui %sign3A_15 : i1 to i32
    %sign3A_17 = arith.subi %sign3A_13, %sign3A_16 : i32
    %sign3A_18 = arith.constant 0 : i32
    %sign3A_19 = arith.cmpi sgt, %jit3A, %sign3A_18 : i32
    %sign3A_20 = arith.extui %sign3A_19 : i1 to i32
    %sign3A_21 = arith.constant 0 : i32
    %sign3A_22 = arith.cmpi slt, %jit3A, %sign3A_21 : i32
    %sign3A_23 = arith.extui %sign3A_22 : i1 to i32
    %sign3A_24 = arith.subi %sign3A_20, %sign3A_23 : i32
    %ne3A = arith.cmpi ne, %sign3A_17, %sign3A_24 : i32
    %rem3A = arith.remsi %add3A_11, %jit3A : i32
    %ne3A_25 = arith.constant 0 : i32
    %ne3A_26 = arith.cmpi ne, %rem3A, %ne3A_25 : i32
    %and3A = arith.andi %ne3A, %ne3A_26 : i1
    %sub3A = arith.constant 1 : i32
    %sub3A_27 = arith.subi %div3A, %sub3A : i32
    %select_n3A = arith.select %and3A, %sub3A_27, %div3A : i32
    %mul3A_28 = arith.constant 128 : i32
    %mul3A_29 = arith.muli %select_n3A, %mul3A_28 : i32
    %dma_start3A_30 = arith.constant 0 : i32
    %dma_start3A_31 = arith.constant 0 : i32
    %dma_start3A_32 = tpu.memref_slice %arg15[%dma_start3A_30, %dma_start3A_31] : memref<32x34560xf32, #tpu.memory_space<vmem>> -> memref<1x34560xf32, #tpu.memory_space<vmem>>
    %dma_start3A_33 = arith.constant 0 : i32
    %dma_start3A_34 = tpu.memref_slice %arg3[%dma_start3A_33, %mul3A_29] : memref<32x1000000xf32, #tpu.memory_space<any>> -> memref<1x34560xf32, #tpu.memory_space<any>>
    tpu.enqueue_dma source(%dma_start3A_34 : memref<1x34560xf32, #tpu.memory_space<any>>) target(%dma_start3A_32 : memref<1x34560xf32, #tpu.memory_space<vmem>>) target_semaphore(%arg16 : memref<!tpu.dma_semaphore, #tpu.memory_space<semaphore_mem>>)
    %get3A_35 = arith.constant 1 : index
    %get3A_36 = memref.load %arg1[%get3A_35] : memref<32xi32, #tpu.memory_space<smem>>
    %mul3A_37 = arith.constant 65536 : i32
    %mul3A_38 = arith.muli %get3A_36, %mul3A_37 : i32
    %dma_start3A_39 = arith.constant 1 : i32
    %dma_start3A_40 = arith.constant 0 : i32
    %dma_start3A_41 = tpu.memref_slice %arg14[%dma_start3A_39, %dma_start3A_40] : memref<32x65536xf32, #tpu.memory_space<vmem>> -> memref<1x65536xf32, #tpu.memory_space<vmem>>
    %dma_start3A_42 = arith.constant 1 : i32
    %dma_start3A_43 = tpu.memref_slice %arg3[%dma_start3A_42, %mul3A_38] : memref<32x1000000xf32, #tpu.memory_space<any>> -> memref<1x65536xf32, #tpu.memory_space<any>>
    tpu.enqueue_dma source(%dma_start3A_43 : memref<1x65536xf32, #tpu.memory_space<any>>) target(%dma_start3A_41 : memref<1x65536xf32, #tpu.memory_space<vmem>>) target_semaphore(%arg16 : memref<!tpu.dma_semaphore, #tpu.memory_space<semaphore_mem>>)
    %get3A_44 = arith.constant 1 : index
    %get3A_45 = memref.load %arg2[%get3A_44] : memref<32xi32, #tpu.memory_space<smem>>
    %min3A_46 = arith.constant 8 : i32
    %min3A_47 = arith.minsi %get3A_45, %min3A_46 : i32
    %mul3A_48 = arith.constant 34464 : i32
    %mul3A_49 = arith.muli %min3A_47, %mul3A_48 : i32
    %add3A_50 = arith.constant 655360 : i32
    %add3A_51 = arith.addi %add3A_50, %mul3A_49 : i32
    %jit3A_52 = arith.constant 128 : i32
    %div3A_53 = arith.divsi %add3A_51, %jit3A_52 : i32
    %sign3A_54 = arith.constant 0 : i32
    %sign3A_55 = arith.cmpi sgt, %add3A_51, %sign3A_54 : i32
    %sign3A_56 = arith.extui %sign3A_55 : i1 to i32
    %sign3A_57 = arith.constant 0 : i32
    %sign3A_58 = arith.cmpi slt, %add3A_51, %sign3A_57 : i32
    %sign3A_59 = arith.extui %sign3A_58 : i1 to i32
    %sign3A_60 = arith.subi %sign3A_56, %sign3A_59 : i32
    %sign3A_61 = arith.constant 0 : i32
    %sign3A_62 = arith.cmpi sgt, %jit3A_52, %sign3A_61 : i32
    %sign3A_63 = arith.extui %sign3A_62 : i1 to i32
    %sign3A_64 = arith.constant 0 : i32
    %sign3A_65 = arith.cmpi slt, %jit3A_52, %sign3A_64 : i32
    %sign3A_66 = arith.extui %sign3A_65 : i1 to i32
    %sign3A_67 = arith.subi %sign3A_63, %sign3A_66 : i32
    %ne3A_68 = arith.cmpi ne, %sign3A_60, %sign3A_67 : i32
    %rem3A_69 = arith.remsi %add3A_51, %jit3A_52 : i32
    %ne3A_70 = arith.constant 0 : i32
    %ne3A_71 = arith.cmpi ne, %rem3A_69, %ne3A_70 : i32
    %and3A_72 = arith.andi %ne3A_68, %ne3A_71 : i1
    %sub3A_73 = arith.constant 1 : i32
    %sub3A_74 = arith.subi %div3A_53, %sub3A_73 : i32
    %select_n3A_75 = arith.select %and3A_72, %sub3A_74, %div3A_53 : i32
    %mul3A_76 = arith.constant 128 : i32
    %mul3A_77 = arith.muli %select_n3A_75, %mul3A_76 : i32
    %dma_start3A_78 = arith.constant 1 : i32
    %dma_start3A_79 = arith.constant 0 : i32
    %dma_start3A_80 = tpu.memref_slice %arg15[%dma_start3A_78, %dma_start3A_79] : memref<32x34560xf32, #tpu.memory_space<vmem>> -> memref<1x34560xf32, #tpu.memory_space<vmem>>
    %dma_start3A_81 = arith.constant 1 : i32
    %dma_start3A_82 = tpu.memref_slice %arg3[%dma_start3A_81, %mul3A_77] : memref<32x1000000xf32, #tpu.memory_space<any>> -> memref<1x34560xf32, #tpu.memory_space<any>>
    tpu.enqueue_dma source(%dma_start3A_82 : memref<1x34560xf32, #tpu.memory_space<any>>) target(%dma_start3A_80 : memref<1x34560xf32, #tpu.memory_space<vmem>>) target_semaphore(%arg16 : memref<!tpu.dma_semaphore, #tpu.memory_space<semaphore_mem>>)
    %get3A_83 = arith.constant 2 : index
    %get3A_84 = memref.load %arg1[%get3A_83] : memref<32xi32, #tpu.memory_space<smem>>
    %mul3A_85 = arith.constant 65536 : i32
    %mul3A_86 = arith.muli %get3A_84, %mul3A_85 : i32
    %dma_start3A_87 = arith.constant 2 : i32
    %dma_start3A_88 = arith.constant 0 : i32
    %dma_start3A_89 = tpu.memref_slice %arg14[%dma_start3A_87, %dma_start3A_88] : memref<32x65536xf32, #tpu.memory_space<vmem>> -> memref<1x65536xf32, #tpu.memory_space<vmem>>
    %dma_start3A_90 = arith.constant 2 : i32
    %dma_start3A_91 = tpu.memref_slice %arg3[%dma_start3A_90, %mul3A_86] : memref<32x1000000xf32, #tpu.memory_space<any>> -> memref<1x65536xf32, #tpu.memory_space<any>>
    tpu.enqueue_dma source(%dma_start3A_91 : memref<1x65536xf32, #tpu.memory_space<any>>) target(%dma_start3A_89 : memref<1x65536xf32, #tpu.memory_space<vmem>>) target_semaphore(%arg16 : memref<!tpu.dma_semaphore, #tpu.memory_space<semaphore_mem>>)
    %get3A_92 = arith.constant 2 : index
    %get3A_93 = memref.load %arg2[%get3A_92] : memref<32xi32, #tpu.memory_space<smem>>
    %min3A_94 = arith.constant 8 : i32
    %min3A_95 = arith.minsi %get3A_93, %min3A_94 : i32
    %mul3A_96 = arith.constant 34464 : i32
    %mul3A_97 = arith.muli %min3A_95, %mul3A_96 : i32
    %add3A_98 = arith.constant 655360 : i32
    %add3A_99 = arith.addi %add3A_98, %mul3A_97 : i32
    %jit3A_100 = arith.constant 128 : i32
    %div3A_101 = arith.divsi %add3A_99, %jit3A_100 : i32
    %sign3A_102 = arith.constant 0 : i32
    %sign3A_103 = arith.cmpi sgt, %add3A_99, %sign3A_102 : i32
    %sign3A_104 = arith.extui %sign3A_103 : i1 to i32
    %sign3A_105 = arith.constant 0 : i32
    %sign3A_106 = arith.cmpi slt, %add3A_99, %sign3A_105 : i32
    %sign3A_107 = arith.extui %sign3A_106 : i1 to i32
    %sign3A_108 = arith.subi %sign3A_104, %sign3A_107 : i32
    %sign3A_109 = arith.constant 0 : i32
    %sign3A_110 = arith.cmpi sgt, %jit3A_100, %sign3A_109 : i32
    %sign3A_111 = arith.extui %sign3A_110 : i1 to i32
    %sign3A_112 = arith.constant 0 : i32
    %sign3A_113 = arith.cmpi slt, %jit3A_100, %sign3A_112 : i32
    %sign3A_114 = arith.extui %sign3A_113 : i1 to i32
    %sign3A_115 = arith.subi %sign3A_111, %sign3A_114 : i32
    %ne3A_116 = arith.cmpi ne, %sign3A_108, %sign3A_115 : i32
    %rem3A_117 = arith.remsi %add3A_99, %jit3A_100 : i32
    %ne3A_118 = arith.constant 0 : i32
    %ne3A_119 = arith.cmpi ne, %rem3A_117, %ne3A_118 : i32
    %and3A_120 = arith.andi %ne3A_116, %ne3A_119 : i1
    %sub3A_121 = arith.constant 1 : i32
    %sub3A_122 = arith.subi %div3A_101, %sub3A_121 : i32
    %select_n3A_123 = arith.select %and3A_120, %sub3A_122, %div3A_101 : i32
    %mul3A_124 = arith.constant 128 : i32
    %mul3A_125 = arith.muli %select_n3A_123, %mul3A_124 : i32
    %dma_start3A_126 = arith.constant 2 : i32
    %dma_start3A_127 = arith.constant 0 : i32
    %dma_start3A_128 = tpu.memref_slice %arg15[%dma_start3A_126, %dma_start3A_127] : memref<32x34560xf32, #tpu.memory_space<vmem>> -> memref<1x34560xf32, #tpu.memory_space<vmem>>
    %dma_start3A_129 = arith.constant 2 : i32
    %dma_start3A_130 = tpu.memref_slice %arg3[%dma_start3A_129, %mul3A_125] : memref<32x1000000xf32, #tpu.memory_space<any>> -> memref<1x34560xf32, #tpu.memory_space<any>>
    tpu.enqueue_dma source(%dma_start3A_130 : memref<1x34560xf32, #tpu.memory_space<any>>) target(%dma_start3A_128 : memref<1x34560xf32, #tpu.memory_space<vmem>>) target_semaphore(%arg16 : memref<!tpu.dma_semaphore, #tpu.memory_space<semaphore_mem>>)
    %get3A_131 = arith.constant 3 : index
    %get3A_132 = memref.load %arg1[%get3A_131] : memref<32xi32, #tpu.memory_space<smem>>
    %mul3A_133 = arith.constant 65536 : i32
    %mul3A_134 = arith.muli %get3A_132, %mul3A_133 : i32
    %dma_start3A_135 = arith.constant 3 : i32
    %dma_start3A_136 = arith.constant 0 : i32
    %dma_start3A_137 = tpu.memref_slice %arg14[%dma_start3A_135, %dma_start3A_136] : memref<32x65536xf32, #tpu.memory_space<vmem>> -> memref<1x65536xf32, #tpu.memory_space<vmem>>
    %dma_start3A_138 = arith.constant 3 : i32
    %dma_start3A_139 = tpu.memref_slice %arg3[%dma_start3A_138, %mul3A_134] : memref<32x1000000xf32, #tpu.memory_space<any>> -> memref<1x65536xf32, #tpu.memory_space<any>>
    tpu.enqueue_dma source(%dma_start3A_139 : memref<1x65536xf32, #tpu.memory_space<any>>) target(%dma_start3A_137 : memref<1x65536xf32, #tpu.memory_space<vmem>>) target_semaphore(%arg16 : memref<!tpu.dma_semaphore, #tpu.memory_space<semaphore_mem>>)
    %get3A_140 = arith.constant 3 : index
    %get3A_141 = memref.load %arg2[%get3A_140] : memref<32xi32, #tpu.memory_space<smem>>
    %min3A_142 = arith.constant 8 : i32
    %min3A_143 = arith.minsi %get3A_141, %min3A_142 : i32
    %mul3A_144 = arith.constant 34464 : i32
    %mul3A_145 = arith.muli %min3A_143, %mul3A_144 : i32
    %add3A_146 = arith.constant 655360 : i32
    %add3A_147 = arith.addi %add3A_146, %mul3A_145 : i32
    %jit3A_148 = arith.constant 128 : i32
    %div3A_149 = arith.divsi %add3A_147, %jit3A_148 : i32
    %sign3A_150 = arith.constant 0 : i32
    %sign3A_151 = arith.cmpi sgt, %add3A_147, %sign3A_150 : i32
    %sign3A_152 = arith.extui %sign3A_151 : i1 to i32
    %sign3A_153 = arith.constant 0 : i32
    %sign3A_154 = arith.cmpi slt, %add3A_147, %sign3A_153 : i32
    %sign3A_155 = arith.extui %sign3A_154 : i1 to i32
    %sign3A_156 = arith.subi %sign3A_152, %sign3A_155 : i32
    %sign3A_157 = arith.constant 0 : i32
    %sign3A_158 = arith.cmpi sgt, %jit3A_148, %sign3A_157 : i32
    %sign3A_159 = arith.extui %sign3A_158 : i1 to i32
    %sign3A_160 = arith.constant 0 : i32
    %sign3A_161 = arith.cmpi slt, %jit3A_148, %sign3A_160 : i32
    %sign3A_162 = arith.extui %sign3A_161 : i1 to i32
    %sign3A_163 = arith.subi %sign3A_159, %sign3A_162 : i32
    %ne3A_164 = arith.cmpi ne, %sign3A_156, %sign3A_163 : i32
    %rem3A_165 = arith.remsi %add3A_147, %jit3A_148 : i32
    %ne3A_166 = arith.constant 0 : i32
    %ne3A_167 = arith.cmpi ne, %rem3A_165, %ne3A_166 : i32
    %and3A_168 = arith.andi %ne3A_164, %ne3A_167 : i1
    %sub3A_169 = arith.constant 1 : i32
    %sub3A_170 = arith.subi %div3A_149, %sub3A_169 : i32
    %select_n3A_171 = arith.select %and3A_168, %sub3A_170, %div3A_149 : i32
    %mul3A_172 = arith.constant 128 : i32
    %mul3A_173 = arith.muli %select_n3A_171, %mul3A_172 : i32
    %dma_start3A_174 = arith.constant 3 : i32
    %dma_start3A_175 = arith.constant 0 : i32
    %dma_start3A_176 = tpu.memref_slice %arg15[%dma_start3A_174, %dma_start3A_175] : memref<32x34560xf32, #tpu.memory_space<vmem>> -> memref<1x34560xf32, #tpu.memory_space<vmem>>
    %dma_start3A_177 = arith.constant 3 : i32
    %dma_start3A_178 = tpu.memref_slice %arg3[%dma_start3A_177, %mul3A_173] : memref<32x1000000xf32, #tpu.memory_space<any>> -> memref<1x34560xf32, #tpu.memory_space<any>>
    tpu.enqueue_dma source(%dma_start3A_178 : memref<1x34560xf32, #tpu.memory_space<any>>) target(%dma_start3A_176 : memref<1x34560xf32, #tpu.memory_space<vmem>>) target_semaphore(%arg16 : memref<!tpu.dma_semaphore, #tpu.memory_space<semaphore_mem>>)
    %get3A_179 = arith.constant 4 : index
    %get3A_180 = memref.load %arg1[%get3A_179] : memref<32xi32, #tpu.memory_space<smem>>
    %mul3A_181 = arith.constant 65536 : i32
    %mul3A_182 = arith.muli %get3A_180, %mul3A_181 : i32
    %dma_start3A_183 = arith.constant 4 : i32
    %dma_start3A_184 = arith.constant 0 : i32
    %dma_start3A_185 = tpu.memref_slice %arg14[%dma_start3A_183, %dma_start3A_184] : memref<32x65536xf32, #tpu.memory_space<vmem>> -> memref<1x65536xf32, #tpu.memory_space<vmem>>
    %dma_start3A_186 = arith.constant 4 : i32
    %dma_start3A_187 = tpu.memref_slice %arg3[%dma_start3A_186, %mul3A_182] : memref<32x1000000xf32, #tpu.memory_space<any>> -> memref<1x65536xf32, #tpu.memory_space<any>>
    tpu.enqueue_dma source(%dma_start3A_187 : memref<1x65536xf32, #tpu.memory_space<any>>) target(%dma_start3A_185 : memref<1x65536xf32, #tpu.memory_space<vmem>>) target_semaphore(%arg16 : memref<!tpu.dma_semaphore, #tpu.memory_space<semaphore_mem>>)
    %get3A_188 = arith.constant 4 : index
    %get3A_189 = memref.load %arg2[%get3A_188] : memref<32xi32, #tpu.memory_space<smem>>
    %min3A_190 = arith.constant 8 : i32
    %min3A_191 = arith.minsi %get3A_189, %min3A_190 : i32
    %mul3A_192 = arith.constant 34464 : i32
    %mul3A_193 = arith.muli %min3A_191, %mul3A_192 : i32
    %add3A_194 = arith.constant 655360 : i32
    %add3A_195 = arith.addi %add3A_194, %mul3A_193 : i32
    %jit3A_196 = arith.constant 128 : i32
    %div3A_197 = arith.divsi %add3A_195, %jit3A_196 : i32
    %sign3A_198 = arith.constant 0 : i32
    %sign3A_199 = arith.cmpi sgt, %add3A_195, %sign3A_198 : i32
    %sign3A_200 = arith.extui %sign3A_199 : i1 to i32
    %sign3A_201 = arith.constant 0 : i32
    %sign3A_202 = arith.cmpi slt, %add3A_195, %sign3A_201 : i32
    %sign3A_203 = arith.extui %sign3A_202 : i1 to i32
    %sign3A_204 = arith.subi %sign3A_200, %sign3A_203 : i32
    %sign3A_205 = arith.constant 0 : i32
    %sign3A_206 = arith.cmpi sgt, %jit3A_196, %sign3A_205 : i32
    %sign3A_207 = arith.extui %sign3A_206 : i1 to i32
    %sign3A_208 = arith.constant 0 : i32
    %sign3A_209 = arith.cmpi slt, %jit3A_196, %sign3A_208 : i32
    %sign3A_210 = arith.extui %sign3A_209 : i1 to i32
    %sign3A_211 = arith.subi %sign3A_207, %sign3A_210 : i32
    %ne3A_212 = arith.cmpi ne, %sign3A_204, %sign3A_211 : i32
    %rem3A_213 = arith.remsi %add3A_195, %jit3A_196 : i32
    %ne3A_214 = arith.constant 0 : i32
    %ne3A_215 = arith.cmpi ne, %rem3A_213, %ne3A_214 : i32
    %and3A_216 = arith.andi %ne3A_212, %ne3A_215 : i1
    %sub3A_217 = arith.constant 1 : i32
    %sub3A_218 = arith.subi %div3A_197, %sub3A_217 : i32
    %select_n3A_219 = arith.select %and3A_216, %sub3A_218, %div3A_197 : i32
    %mul3A_220 = arith.constant 128 : i32
    %mul3A_221 = arith.muli %select_n3A_219, %mul3A_220 : i32
    %dma_start3A_222 = arith.constant 4 : i32
    %dma_start3A_223 = arith.constant 0 : i32
    %dma_start3A_224 = tpu.memref_slice %arg15[%dma_start3A_222, %dma_start3A_223] : memref<32x34560xf32, #tpu.memory_space<vmem>> -> memref<1x34560xf32, #tpu.memory_space<vmem>>
    %dma_start3A_225 = arith.constant 4 : i32
    %dma_start3A_226 = tpu.memref_slice %arg3[%dma_start3A_225, %mul3A_221] : memref<32x1000000xf32, #tpu.memory_space<any>> -> memref<1x34560xf32, #tpu.memory_space<any>>
    tpu.enqueue_dma source(%dma_start3A_226 : memref<1x34560xf32, #tpu.memory_space<any>>) target(%dma_start3A_224 : memref<1x34560xf32, #tpu.memory_space<vmem>>) target_semaphore(%arg16 : memref<!tpu.dma_semaphore, #tpu.memory_space<semaphore_mem>>)
    %get3A_227 = arith.constant 5 : index
    %get3A_228 = memref.load %arg1[%get3A_227] : memref<32xi32, #tpu.memory_space<smem>>
    %mul3A_229 = arith.constant 65536 : i32
    %mul3A_230 = arith.muli %get3A_228, %mul3A_229 : i32
    %dma_start3A_231 = arith.constant 5 : i32
    %dma_start3A_232 = arith.constant 0 : i32
    %dma_start3A_233 = tpu.memref_slice %arg14[%dma_start3A_231, %dma_start3A_232] : memref<32x65536xf32, #tpu.memory_space<vmem>> -> memref<1x65536xf32, #tpu.memory_space<vmem>>
    %dma_start3A_234 = arith.constant 5 : i32
    %dma_start3A_235 = tpu.memref_slice %arg3[%dma_start3A_234, %mul3A_230] : memref<32x1000000xf32, #tpu.memory_space<any>> -> memref<1x65536xf32, #tpu.memory_space<any>>
    tpu.enqueue_dma source(%dma_start3A_235 : memref<1x65536xf32, #tpu.memory_space<any>>) target(%dma_start3A_233 : memref<1x65536xf32, #tpu.memory_space<vmem>>) target_semaphore(%arg16 : memref<!tpu.dma_semaphore, #tpu.memory_space<semaphore_mem>>)
    %get3A_236 = arith.constant 5 : index
    %get3A_237 = memref.load %arg2[%get3A_236] : memref<32xi32, #tpu.memory_space<smem>>
    %min3A_238 = arith.constant 8 : i32
    %min3A_239 = arith.minsi %get3A_237, %min3A_238 : i32
    %mul3A_240 = arith.constant 34464 : i32
    %mul3A_241 = arith.muli %min3A_239, %mul3A_240 : i32
    %add3A_242 = arith.constant 655360 : i32
    %add3A_243 = arith.addi %add3A_242, %mul3A_241 : i32
    %jit3A_244 = arith.constant 128 : i32
    %div3A_245 = arith.divsi %add3A_243, %jit3A_244 : i32
    %sign3A_246 = arith.constant 0 : i32
    %sign3A_247 = arith.cmpi sgt, %add3A_243, %sign3A_246 : i32
    %sign3A_248 = arith.extui %sign3A_247 : i1 to i32
    %sign3A_249 = arith.constant 0 : i32
    %sign3A_250 = arith.cmpi slt, %add3A_243, %sign3A_249 : i32
    %sign3A_251 = arith.extui %sign3A_250 : i1 to i32
    %sign3A_252 = arith.subi %sign3A_248, %sign3A_251 : i32
    %sign3A_253 = arith.constant 0 : i32
    %sign3A_254 = arith.cmpi sgt, %jit3A_244, %sign3A_253 : i32
    %sign3A_255 = arith.extui %sign3A_254 : i1 to i32
    %sign3A_256 = arith.constant 0 : i32
    %sign3A_257 = arith.cmpi slt, %jit3A_244, %sign3A_256 : i32
    %sign3A_258 = arith.extui %sign3A_257 : i1 to i32
    %sign3A_259 = arith.subi %sign3A_255, %sign3A_258 : i32
    %ne3A_260 = arith.cmpi ne, %sign3A_252, %sign3A_259 : i32
    %rem3A_261 = arith.remsi %add3A_243, %jit3A_244 : i32
    %ne3A_262 = arith.constant 0 : i32
    %ne3A_263 = arith.cmpi ne, %rem3A_261, %ne3A_262 : i32
    %and3A_264 = arith.andi %ne3A_260, %ne3A_263 : i1
    %sub3A_265 = arith.constant 1 : i32
    %sub3A_266 = arith.subi %div3A_245, %sub3A_265 : i32
    %select_n3A_267 = arith.select %and3A_264, %sub3A_266, %div3A_245 : i32
    %mul3A_268 = arith.constant 128 : i32
    %mul3A_269 = arith.muli %select_n3A_267, %mul3A_268 : i32
    %dma_start3A_270 = arith.constant 5 : i32
    %dma_start3A_271 = arith.constant 0 : i32
    %dma_start3A_272 = tpu.memref_slice %arg15[%dma_start3A_270, %dma_start3A_271] : memref<32x34560xf32, #tpu.memory_space<vmem>> -> memref<1x34560xf32, #tpu.memory_space<vmem>>
    %dma_start3A_273 = arith.constant 5 : i32
    %dma_start3A_274 = tpu.memref_slice %arg3[%dma_start3A_273, %mul3A_269] : memref<32x1000000xf32, #tpu.memory_space<any>> -> memref<1x34560xf32, #tpu.memory_space<any>>
    tpu.enqueue_dma source(%dma_start3A_274 : memref<1x34560xf32, #tpu.memory_space<any>>) target(%dma_start3A_272 : memref<1x34560xf32, #tpu.memory_space<vmem>>) target_semaphore(%arg16 : memref<!tpu.dma_semaphore, #tpu.memory_space<semaphore_mem>>)
    %get3A_275 = arith.constant 6 : index
    %get3A_276 = memref.load %arg1[%get3A_275] : memref<32xi32, #tpu.memory_space<smem>>
    %mul3A_277 = arith.constant 65536 : i32
    %mul3A_278 = arith.muli %get3A_276, %mul3A_277 : i32
    %dma_start3A_279 = arith.constant 6 : i32
    %dma_start3A_280 = arith.constant 0 : i32
    %dma_start3A_281 = tpu.memref_slice %arg14[%dma_start3A_279, %dma_start3A_280] : memref<32x65536xf32, #tpu.memory_space<vmem>> -> memref<1x65536xf32, #tpu.memory_space<vmem>>
    %dma_start3A_282 = arith.constant 6 : i32
    %dma_start3A_283 = tpu.memref_slice %arg3[%dma_start3A_282, %mul3A_278] : memref<32x1000000xf32, #tpu.memory_space<any>> -> memref<1x65536xf32, #tpu.memory_space<any>>
    tpu.enqueue_dma source(%dma_start3A_283 : memref<1x65536xf32, #tpu.memory_space<any>>) target(%dma_start3A_281 : memref<1x65536xf32, #tpu.memory_space<vmem>>) target_semaphore(%arg16 : memref<!tpu.dma_semaphore, #tpu.memory_space<semaphore_mem>>)
    %get3A_284 = arith.constant 6 : index
    %get3A_285 = memref.load %arg2[%get3A_284] : memref<32xi32, #tpu.memory_space<smem>>
    %min3A_286 = arith.constant 8 : i32
    %min3A_287 = arith.minsi %get3A_285, %min3A_286 : i32
    %mul3A_288 = arith.constant 34464 : i32
    %mul3A_289 = arith.muli %min3A_287, %mul3A_288 : i32
    %add3A_290 = arith.constant 655360 : i32
    %add3A_291 = arith.addi %add3A_290, %mul3A_289 : i32
    %jit3A_292 = arith.constant 128 : i32
    %div3A_293 = arith.divsi %add3A_291, %jit3A_292 : i32
    %sign3A_294 = arith.constant 0 : i32
    %sign3A_295 = arith.cmpi sgt, %add3A_291, %sign3A_294 : i32
    %sign3A_296 = arith.extui %sign3A_295 : i1 to i32
    %sign3A_297 = arith.constant 0 : i32
    %sign3A_298 = arith.cmpi slt, %add3A_291, %sign3A_297 : i32
    %sign3A_299 = arith.extui %sign3A_298 : i1 to i32
    %sign3A_300 = arith.subi %sign3A_296, %sign3A_299 : i32
    %sign3A_301 = arith.constant 0 : i32
    %sign3A_302 = arith.cmpi sgt, %jit3A_292, %sign3A_301 : i32
    %sign3A_303 = arith.extui %sign3A_302 : i1 to i32
    %sign3A_304 = arith.constant 0 : i32
    %sign3A_305 = arith.cmpi slt, %jit3A_292, %sign3A_304 : i32
    %sign3A_306 = arith.extui %sign3A_305 : i1 to i32
    %sign3A_307 = arith.subi %sign3A_303, %sign3A_306 : i32
    %ne3A_308 = arith.cmpi ne, %sign3A_300, %sign3A_307 : i32
    %rem3A_309 = arith.remsi %add3A_291, %jit3A_292 : i32
    %ne3A_310 = arith.constant 0 : i32
    %ne3A_311 = arith.cmpi ne, %rem3A_309, %ne3A_310 : i32
    %and3A_312 = arith.andi %ne3A_308, %ne3A_311 : i1
    %sub3A_313 = arith.constant 1 : i32
    %sub3A_314 = arith.subi %div3A_293, %sub3A_313 : i32
    %select_n3A_315 = arith.select %and3A_312, %sub3A_314, %div3A_293 : i32
    %mul3A_316 = arith.constant 128 : i32
    %mul3A_317 = arith.muli %select_n3A_315, %mul3A_316 : i32
    %dma_start3A_318 = arith.constant 6 : i32
    %dma_start3A_319 = arith.constant 0 : i32
    %dma_start3A_320 = tpu.memref_slice %arg15[%dma_start3A_318, %dma_start3A_319] : memref<32x34560xf32, #tpu.memory_space<vmem>> -> memref<1x34560xf32, #tpu.memory_space<vmem>>
    %dma_start3A_321 = arith.constant 6 : i32
    %dma_start3A_322 = tpu.memref_slice %arg3[%dma_start3A_321, %mul3A_317] : memref<32x1000000xf32, #tpu.memory_space<any>> -> memref<1x34560xf32, #tpu.memory_space<any>>
    tpu.enqueue_dma source(%dma_start3A_322 : memref<1x34560xf32, #tpu.memory_space<any>>) target(%dma_start3A_320 : memref<1x34560xf32, #tpu.memory_space<vmem>>) target_semaphore(%arg16 : memref<!tpu.dma_semaphore, #tpu.memory_space<semaphore_mem>>)
    %get3A_323 = arith.constant 7 : index
    %get3A_324 = memref.load %arg1[%get3A_323] : memref<32xi32, #tpu.memory_space<smem>>
    %mul3A_325 = arith.constant 65536 : i32
    %mul3A_326 = arith.muli %get3A_324, %mul3A_325 : i32
    %dma_start3A_327 = arith.constant 7 : i32
    %dma_start3A_328 = arith.constant 0 : i32
    %dma_start3A_329 = tpu.memref_slice %arg14[%dma_start3A_327, %dma_start3A_328] : memref<32x65536xf32, #tpu.memory_space<vmem>> -> memref<1x65536xf32, #tpu.memory_space<vmem>>
    %dma_start3A_330 = arith.constant 7 : i32
    %dma_start3A_331 = tpu.memref_slice %arg3[%dma_start3A_330, %mul3A_326] : memref<32x1000000xf32, #tpu.memory_space<any>> -> memref<1x65536xf32, #tpu.memory_space<any>>
    tpu.enqueue_dma source(%dma_start3A_331 : memref<1x65536xf32, #tpu.memory_space<any>>) target(%dma_start3A_329 : memref<1x65536xf32, #tpu.memory_space<vmem>>) target_semaphore(%arg16 : memref<!tpu.dma_semaphore, #tpu.memory_space<semaphore_mem>>)
    %get3A_332 = arith.constant 7 : index
    %get3A_333 = memref.load %arg2[%get3A_332] : memref<32xi32, #tpu.memory_space<smem>>
    %min3A_334 = arith.constant 8 : i32
    %min3A_335 = arith.minsi %get3A_333, %min3A_334 : i32
    %mul3A_336 = arith.constant 34464 : i32
    %mul3A_337 = arith.muli %min3A_335, %mul3A_336 : i32
    %add3A_338 = arith.constant 655360 : i32
    %add3A_339 = arith.addi %add3A_338, %mul3A_337 : i32
    %jit3A_340 = arith.constant 128 : i32
    %div3A_341 = arith.divsi %add3A_339, %jit3A_340 : i32
    %sign3A_342 = arith.constant 0 : i32
    %sign3A_343 = arith.cmpi sgt, %add3A_339, %sign3A_342 : i32
    %sign3A_344 = arith.extui %sign3A_343 : i1 to i32
    %sign3A_345 = arith.constant 0 : i32
    %sign3A_346 = arith.cmpi slt, %add3A_339, %sign3A_345 : i32
    %sign3A_347 = arith.extui %sign3A_346 : i1 to i32
    %sign3A_348 = arith.subi %sign3A_344, %sign3A_347 : i32
    %sign3A_349 = arith.constant 0 : i32
    %sign3A_350 = arith.cmpi sgt, %jit3A_340, %sign3A_349 : i32
    %sign3A_351 = arith.extui %sign3A_350 : i1 to i32
    %sign3A_352 = arith.constant 0 : i32
    %sign3A_353 = arith.cmpi slt, %jit3A_340, %sign3A_352 : i32
    %sign3A_354 = arith.extui %sign3A_353 : i1 to i32
    %sign3A_355 = arith.subi %sign3A_351, %sign3A_354 : i32
    %ne3A_356 = arith.cmpi ne, %sign3A_348, %sign3A_355 : i32
    %rem3A_357 = arith.remsi %add3A_339, %jit3A_340 : i32
    %ne3A_358 = arith.constant 0 : i32
    %ne3A_359 = arith.cmpi ne, %rem3A_357, %ne3A_358 : i32
    %and3A_360 = arith.andi %ne3A_356, %ne3A_359 : i1
    %sub3A_361 = arith.constant 1 : i32
    %sub3A_362 = arith.subi %div3A_341, %sub3A_361 : i32
    %select_n3A_363 = arith.select %and3A_360, %sub3A_362, %div3A_341 : i32
    %mul3A_364 = arith.constant 128 : i32
    %mul3A_365 = arith.muli %select_n3A_363, %mul3A_364 : i32
    %dma_start3A_366 = arith.constant 7 : i32
    %dma_start3A_367 = arith.constant 0 : i32
    %dma_start3A_368 = tpu.memref_slice %arg15[%dma_start3A_366, %dma_start3A_367] : memref<32x34560xf32, #tpu.memory_space<vmem>> -> memref<1x34560xf32, #tpu.memory_space<vmem>>
    %dma_start3A_369 = arith.constant 7 : i32
    %dma_start3A_370 = tpu.memref_slice %arg3[%dma_start3A_369, %mul3A_365] : memref<32x1000000xf32, #tpu.memory_space<any>> -> memref<1x34560xf32, #tpu.memory_space<any>>
    tpu.enqueue_dma source(%dma_start3A_370 : memref<1x34560xf32, #tpu.memory_space<any>>) target(%dma_start3A_368 : memref<1x34560xf32, #tpu.memory_space<vmem>>) target_semaphore(%arg16 : memref<!tpu.dma_semaphore, #tpu.memory_space<semaphore_mem>>)
    %get3A_371 = arith.constant 8 : index
    %get3A_372 = memref.load %arg1[%get3A_371] : memref<32xi32, #tpu.memory_space<smem>>
    %mul3A_373 = arith.constant 65536 : i32
    %mul3A_374 = arith.muli %get3A_372, %mul3A_373 : i32
    %dma_start3A_375 = arith.constant 8 : i32
    %dma_start3A_376 = arith.constant 0 : i32
    %dma_start3A_377 = tpu.memref_slice %arg14[%dma_start3A_375, %dma_start3A_376] : memref<32x65536xf32, #tpu.memory_space<vmem>> -> memref<1x65536xf32, #tpu.memory_space<vmem>>
    %dma_start3A_378 = arith.constant 8 : i32
    %dma_start3A_379 = tpu.memref_slice %arg3[%dma_start3A_378, %mul3A_374] : memref<32x1000000xf32, #tpu.memory_space<any>> -> memref<1x65536xf32, #tpu.memory_space<any>>
    tpu.enqueue_dma source(%dma_start3A_379 : memref<1x65536xf32, #tpu.memory_space<any>>) target(%dma_start3A_377 : memref<1x65536xf32, #tpu.memory_space<vmem>>) target_semaphore(%arg16 : memref<!tpu.dma_semaphore, #tpu.memory_space<semaphore_mem>>)
    %get3A_380 = arith.constant 8 : index
    %get3A_381 = memref.load %arg2[%get3A_380] : memref<32xi32, #tpu.memory_space<smem>>
    %min3A_382 = arith.constant 8 : i32
    %min3A_383 = arith.minsi %get3A_381, %min3A_382 : i32
    %mul3A_384 = arith.constant 34464 : i32
    %mul3A_385 = arith.muli %min3A_383, %mul3A_384 : i32
    %add3A_386 = arith.constant 655360 : i32
    %add3A_387 = arith.addi %add3A_386, %mul3A_385 : i32
    %jit3A_388 = arith.constant 128 : i32
    %div3A_389 = arith.divsi %add3A_387, %jit3A_388 : i32
    %sign3A_390 = arith.constant 0 : i32
    %sign3A_391 = arith.cmpi sgt, %add3A_387, %sign3A_390 : i32
    %sign3A_392 = arith.extui %sign3A_391 : i1 to i32
    %sign3A_393 = arith.constant 0 : i32
    %sign3A_394 = arith.cmpi slt, %add3A_387, %sign3A_393 : i32
    %sign3A_395 = arith.extui %sign3A_394 : i1 to i32
    %sign3A_396 = arith.subi %sign3A_392, %sign3A_395 : i32
    %sign3A_397 = arith.constant 0 : i32
    %sign3A_398 = arith.cmpi sgt, %jit3A_388, %sign3A_397 : i32
    %sign3A_399 = arith.extui %sign3A_398 : i1 to i32
    %sign3A_400 = arith.constant 0 : i32
    %sign3A_401 = arith.cmpi slt, %jit3A_388, %sign3A_400 : i32
    %sign3A_402 = arith.extui %sign3A_401 : i1 to i32
    %sign3A_403 = arith.subi %sign3A_399, %sign3A_402 : i32
    %ne3A_404 = arith.cmpi ne, %sign3A_396, %sign3A_403 : i32
    %rem3A_405 = arith.remsi %add3A_387, %jit3A_388 : i32
    %ne3A_406 = arith.constant 0 : i32
    %ne3A_407 = arith.cmpi ne, %rem3A_405, %ne3A_406 : i32
    %and3A_408 = arith.andi %ne3A_404, %ne3A_407 : i1
    %sub3A_409 = arith.constant 1 : i32
    %sub3A_410 = arith.subi %div3A_389, %sub3A_409 : i32
    %select_n3A_411 = arith.select %and3A_408, %sub3A_410, %div3A_389 : i32
    %mul3A_412 = arith.constant 128 : i32
    %mul3A_413 = arith.muli %select_n3A_411, %mul3A_412 : i32
    %dma_start3A_414 = arith.constant 8 : i32
    %dma_start3A_415 = arith.constant 0 : i32
    %dma_start3A_416 = tpu.memref_slice %arg15[%dma_start3A_414, %dma_start3A_415] : memref<32x34560xf32, #tpu.memory_space<vmem>> -> memref<1x34560xf32, #tpu.memory_space<vmem>>
    %dma_start3A_417 = arith.constant 8 : i32
    %dma_start3A_418 = tpu.memref_slice %arg3[%dma_start3A_417, %mul3A_413] : memref<32x1000000xf32, #tpu.memory_space<any>> -> memref<1x34560xf32, #tpu.memory_space<any>>
    tpu.enqueue_dma source(%dma_start3A_418 : memref<1x34560xf32, #tpu.memory_space<any>>) target(%dma_start3A_416 : memref<1x34560xf32, #tpu.memory_space<vmem>>) target_semaphore(%arg16 : memref<!tpu.dma_semaphore, #tpu.memory_space<semaphore_mem>>)
    %get3A_419 = arith.constant 9 : index
    %get3A_420 = memref.load %arg1[%get3A_419] : memref<32xi32, #tpu.memory_space<smem>>
    %mul3A_421 = arith.constant 65536 : i32
    %mul3A_422 = arith.muli %get3A_420, %mul3A_421 : i32
    %dma_start3A_423 = arith.constant 9 : i32
    %dma_start3A_424 = arith.constant 0 : i32
    %dma_start3A_425 = tpu.memref_slice %arg14[%dma_start3A_423, %dma_start3A_424] : memref<32x65536xf32, #tpu.memory_space<vmem>> -> memref<1x65536xf32, #tpu.memory_space<vmem>>
    %dma_start3A_426 = arith.constant 9 : i32
    %dma_start3A_427 = tpu.memref_slice %arg3[%dma_start3A_426, %mul3A_422] : memref<32x1000000xf32, #tpu.memory_space<any>> -> memref<1x65536xf32, #tpu.memory_space<any>>
    tpu.enqueue_dma source(%dma_start3A_427 : memref<1x65536xf32, #tpu.memory_space<any>>) target(%dma_start3A_425 : memref<1x65536xf32, #tpu.memory_space<vmem>>) target_semaphore(%arg16 : memref<!tpu.dma_semaphore, #tpu.memory_space<semaphore_mem>>)
    %get3A_428 = arith.constant 9 : index
    %get3A_429 = memref.load %arg2[%get3A_428] : memref<32xi32, #tpu.memory_space<smem>>
    %min3A_430 = arith.constant 8 : i32
    %min3A_431 = arith.minsi %get3A_429, %min3A_430 : i32
    %mul3A_432 = arith.constant 34464 : i32
    %mul3A_433 = arith.muli %min3A_431, %mul3A_432 : i32
    %add3A_434 = arith.constant 655360 : i32
    %add3A_435 = arith.addi %add3A_434, %mul3A_433 : i32
    %jit3A_436 = arith.constant 128 : i32
    %div3A_437 = arith.divsi %add3A_435, %jit3A_436 : i32
    %sign3A_438 = arith.constant 0 : i32
    %sign3A_439 = arith.cmpi sgt, %add3A_435, %sign3A_438 : i32
    %sign3A_440 = arith.extui %sign3A_439 : i1 to i32
    %sign3A_441 = arith.constant 0 : i32
    %sign3A_442 = arith.cmpi slt, %add3A_435, %sign3A_441 : i32
    %sign3A_443 = arith.extui %sign3A_442 : i1 to i32
    %sign3A_444 = arith.subi %sign3A_440, %sign3A_443 : i32
    %sign3A_445 = arith.constant 0 : i32
    %sign3A_446 = arith.cmpi sgt, %jit3A_436, %sign3A_445 : i32
    %sign3A_447 = arith.extui %sign3A_446 : i1 to i32
    %sign3A_448 = arith.constant 0 : i32
    %sign3A_449 = arith.cmpi slt, %jit3A_436, %sign3A_448 : i32
    %sign3A_450 = arith.extui %sign3A_449 : i1 to i32
    %sign3A_451 = arith.subi %sign3A_447, %sign3A_450 : i32
    %ne3A_452 = arith.cmpi ne, %sign3A_444, %sign3A_451 : i32
    %rem3A_453 = arith.remsi %add3A_435, %jit3A_436 : i32
    %ne3A_454 = arith.constant 0 : i32
    %ne3A_455 = arith.cmpi ne, %rem3A_453, %ne3A_454 : i32
    %and3A_456 = arith.andi %ne3A_452, %ne3A_455 : i1
    %sub3A_457 = arith.constant 1 : i32
    %sub3A_458 = arith.subi %div3A_437, %sub3A_457 : i32
    %select_n3A_459 = arith.select %and3A_456, %sub3A_458, %div3A_437 : i32
    %mul3A_460 = arith.constant 128 : i32
    %mul3A_461 = arith.muli %select_n3A_459, %mul3A_460 : i32
    %dma_start3A_462 = arith.constant 9 : i32
    %dma_start3A_463 = arith.constant 0 : i32
    %dma_start3A_464 = tpu.memref_slice %arg15[%dma_start3A_462, %dma_start3A_463] : memref<32x34560xf32, #tpu.memory_space<vmem>> -> memref<1x34560xf32, #tpu.memory_space<vmem>>
    %dma_start3A_465 = arith.constant 9 : i32
    %dma_start3A_466 = tpu.memref_slice %arg3[%dma_start3A_465, %mul3A_461] : memref<32x1000000xf32, #tpu.memory_space<any>> -> memref<1x34560xf32, #tpu.memory_space<any>>
    tpu.enqueue_dma source(%dma_start3A_466 : memref<1x34560xf32, #tpu.memory_space<any>>) target(%dma_start3A_464 : memref<1x34560xf32, #tpu.memory_space<vmem>>) target_semaphore(%arg16 : memref<!tpu.dma_semaphore, #tpu.memory_space<semaphore_mem>>)
    %get3A_467 = arith.constant 10 : index
    %get3A_468 = memref.load %arg1[%get3A_467] : memref<32xi32, #tpu.memory_space<smem>>
    %mul3A_469 = arith.constant 65536 : i32
    %mul3A_470 = arith.muli %get3A_468, %mul3A_469 : i32
    %dma_start3A_471 = arith.constant 10 : i32
    %dma_start3A_472 = arith.constant 0 : i32
    %dma_start3A_473 = tpu.memref_slice %arg14[%dma_start3A_471, %dma_start3A_472] : memref<32x65536xf32, #tpu.memory_space<vmem>> -> memref<1x65536xf32, #tpu.memory_space<vmem>>
    %dma_start3A_474 = arith.constant 10 : i32
    %dma_start3A_475 = tpu.memref_slice %arg3[%dma_start3A_474, %mul3A_470] : memref<32x1000000xf32, #tpu.memory_space<any>> -> memref<1x65536xf32, #tpu.memory_space<any>>
    tpu.enqueue_dma source(%dma_start3A_475 : memref<1x65536xf32, #tpu.memory_space<any>>) target(%dma_start3A_473 : memref<1x65536xf32, #tpu.memory_space<vmem>>) target_semaphore(%arg16 : memref<!tpu.dma_semaphore, #tpu.memory_space<semaphore_mem>>)
    %get3A_476 = arith.constant 10 : index
    %get3A_477 = memref.load %arg2[%get3A_476] : memref<32xi32, #tpu.memory_space<smem>>
    %min3A_478 = arith.constant 8 : i32
    %min3A_479 = arith.minsi %get3A_477, %min3A_478 : i32
    %mul3A_480 = arith.constant 34464 : i32
    %mul3A_481 = arith.muli %min3A_479, %mul3A_480 : i32
    %add3A_482 = arith.constant 655360 : i32
    %add3A_483 = arith.addi %add3A_482, %mul3A_481 : i32
    %jit3A_484 = arith.constant 128 : i32
    %div3A_485 = arith.divsi %add3A_483, %jit3A_484 : i32
    %sign3A_486 = arith.constant 0 : i32
    %sign3A_487 = arith.cmpi sgt, %add3A_483, %sign3A_486 : i32
    %sign3A_488 = arith.extui %sign3A_487 : i1 to i32
    %sign3A_489 = arith.constant 0 : i32
    %sign3A_490 = arith.cmpi slt, %add3A_483, %sign3A_489 : i32
    %sign3A_491 = arith.extui %sign3A_490 : i1 to i32
    %sign3A_492 = arith.subi %sign3A_488, %sign3A_491 : i32
    %sign3A_493 = arith.constant 0 : i32
    %sign3A_494 = arith.cmpi sgt, %jit3A_484, %sign3A_493 : i32
    %sign3A_495 = arith.extui %sign3A_494 : i1 to i32
    %sign3A_496 = arith.constant 0 : i32
    %sign3A_497 = arith.cmpi slt, %jit3A_484, %sign3A_496 : i32
    %sign3A_498 = arith.extui %sign3A_497 : i1 to i32
    %sign3A_499 = arith.subi %sign3A_495, %sign3A_498 : i32
    %ne3A_500 = arith.cmpi ne, %sign3A_492, %sign3A_499 : i32
    %rem3A_501 = arith.remsi %add3A_483, %jit3A_484 : i32
    %ne3A_502 = arith.constant 0 : i32
    %ne3A_503 = arith.cmpi ne, %rem3A_501, %ne3A_502 : i32
    %and3A_504 = arith.andi %ne3A_500, %ne3A_503 : i1
    %sub3A_505 = arith.constant 1 : i32
    %sub3A_506 = arith.subi %div3A_485, %sub3A_505 : i32
    %select_n3A_507 = arith.select %and3A_504, %sub3A_506, %div3A_485 : i32
    %mul3A_508 = arith.constant 128 : i32
    %mul3A_509 = arith.muli %select_n3A_507, %mul3A_508 : i32
    %dma_start3A_510 = arith.constant 10 : i32
    %dma_start3A_511 = arith.constant 0 : i32
    %dma_start3A_512 = tpu.memref_slice %arg15[%dma_start3A_510, %dma_start3A_511] : memref<32x34560xf32, #tpu.memory_space<vmem>> -> memref<1x34560xf32, #tpu.memory_space<vmem>>
    %dma_start3A_513 = arith.constant 10 : i32
    %dma_start3A_514 = tpu.memref_slice %arg3[%dma_start3A_513, %mul3A_509] : memref<32x1000000xf32, #tpu.memory_space<any>> -> memref<1x34560xf32, #tpu.memory_space<any>>
    tpu.enqueue_dma source(%dma_start3A_514 : memref<1x34560xf32, #tpu.memory_space<any>>) target(%dma_start3A_512 : memref<1x34560xf32, #tpu.memory_space<vmem>>) target_semaphore(%arg16 : memref<!tpu.dma_semaphore, #tpu.memory_space<semaphore_mem>>)
    %get3A_515 = arith.constant 11 : index
    %get3A_516 = memref.load %arg1[%get3A_515] : memref<32xi32, #tpu.memory_space<smem>>
    %mul3A_517 = arith.constant 65536 : i32
    %mul3A_518 = arith.muli %get3A_516, %mul3A_517 : i32
    %dma_start3A_519 = arith.constant 11 : i32
    %dma_start3A_520 = arith.constant 0 : i32
    %dma_start3A_521 = tpu.memref_slice %arg14[%dma_start3A_519, %dma_start3A_520] : memref<32x65536xf32, #tpu.memory_space<vmem>> -> memref<1x65536xf32, #tpu.memory_space<vmem>>
    %dma_start3A_522 = arith.constant 11 : i32
    %dma_start3A_523 = tpu.memref_slice %arg3[%dma_start3A_522, %mul3A_518] : memref<32x1000000xf32, #tpu.memory_space<any>> -> memref<1x65536xf32, #tpu.memory_space<any>>
    tpu.enqueue_dma source(%dma_start3A_523 : memref<1x65536xf32, #tpu.memory_space<any>>) target(%dma_start3A_521 : memref<1x65536xf32, #tpu.memory_space<vmem>>) target_semaphore(%arg16 : memref<!tpu.dma_semaphore, #tpu.memory_space<semaphore_mem>>)
    %get3A_524 = arith.constant 11 : index
    %get3A_525 = memref.load %arg2[%get3A_524] : memref<32xi32, #tpu.memory_space<smem>>
    %min3A_526 = arith.constant 8 : i32
    %min3A_527 = arith.minsi %get3A_525, %min3A_526 : i32
    %mul3A_528 = arith.constant 34464 : i32
    %mul3A_529 = arith.muli %min3A_527, %mul3A_528 : i32
    %add3A_530 = arith.constant 655360 : i32
    %add3A_531 = arith.addi %add3A_530, %mul3A_529 : i32
    %jit3A_532 = arith.constant 128 : i32
    %div3A_533 = arith.divsi %add3A_531, %jit3A_532 : i32
    %sign3A_534 = arith.constant 0 : i32
    %sign3A_535 = arith.cmpi sgt, %add3A_531, %sign3A_534 : i32
    %sign3A_536 = arith.extui %sign3A_535 : i1 to i32
    %sign3A_537 = arith.constant 0 : i32
    %sign3A_538 = arith.cmpi slt, %add3A_531, %sign3A_537 : i32
    %sign3A_539 = arith.extui %sign3A_538 : i1 to i32
    %sign3A_540 = arith.subi %sign3A_536, %sign3A_539 : i32
    %sign3A_541 = arith.constant 0 : i32
    %sign3A_542 = arith.cmpi sgt, %jit3A_532, %sign3A_541 : i32
    %sign3A_543 = arith.extui %sign3A_542 : i1 to i32
    %sign3A_544 = arith.constant 0 : i32
    %sign3A_545 = arith.cmpi slt, %jit3A_532, %sign3A_544 : i32
    %sign3A_546 = arith.extui %sign3A_545 : i1 to i32
    %sign3A_547 = arith.subi %sign3A_543, %sign3A_546 : i32
    %ne3A_548 = arith.cmpi ne, %sign3A_540, %sign3A_547 : i32
    %rem3A_549 = arith.remsi %add3A_531, %jit3A_532 : i32
    %ne3A_550 = arith.constant 0 : i32
    %ne3A_551 = arith.cmpi ne, %rem3A_549, %ne3A_550 : i32
    %and3A_552 = arith.andi %ne3A_548, %ne3A_551 : i1
    %sub3A_553 = arith.constant 1 : i32
    %sub3A_554 = arith.subi %div3A_533, %sub3A_553 : i32
    %select_n3A_555 = arith.select %and3A_552, %sub3A_554, %div3A_533 : i32
    %mul3A_556 = arith.constant 128 : i32
    %mul3A_557 = arith.muli %select_n3A_555, %mul3A_556 : i32
    %dma_start3A_558 = arith.constant 11 : i32
    %dma_start3A_559 = arith.constant 0 : i32
    %dma_start3A_560 = tpu.memref_slice %arg15[%dma_start3A_558, %dma_start3A_559] : memref<32x34560xf32, #tpu.memory_space<vmem>> -> memref<1x34560xf32, #tpu.memory_space<vmem>>
    %dma_start3A_561 = arith.constant 11 : i32
    %dma_start3A_562 = tpu.memref_slice %arg3[%dma_start3A_561, %mul3A_557] : memref<32x1000000xf32, #tpu.memory_space<any>> -> memref<1x34560xf32, #tpu.memory_space<any>>
    tpu.enqueue_dma source(%dma_start3A_562 : memref<1x34560xf32, #tpu.memory_space<any>>) target(%dma_start3A_560 : memref<1x34560xf32, #tpu.memory_space<vmem>>) target_semaphore(%arg16 : memref<!tpu.dma_semaphore, #tpu.memory_space<semaphore_mem>>)
    %get3A_563 = arith.constant 12 : index
    %get3A_564 = memref.load %arg1[%get3A_563] : memref<32xi32, #tpu.memory_space<smem>>
    %mul3A_565 = arith.constant 65536 : i32
    %mul3A_566 = arith.muli %get3A_564, %mul3A_565 : i32
    %dma_start3A_567 = arith.constant 12 : i32
    %dma_start3A_568 = arith.constant 0 : i32
    %dma_start3A_569 = tpu.memref_slice %arg14[%dma_start3A_567, %dma_start3A_568] : memref<32x65536xf32, #tpu.memory_space<vmem>> -> memref<1x65536xf32, #tpu.memory_space<vmem>>
    %dma_start3A_570 = arith.constant 12 : i32
    %dma_start3A_571 = tpu.memref_slice %arg3[%dma_start3A_570, %mul3A_566] : memref<32x1000000xf32, #tpu.memory_space<any>> -> memref<1x65536xf32, #tpu.memory_space<any>>
    tpu.enqueue_dma source(%dma_start3A_571 : memref<1x65536xf32, #tpu.memory_space<any>>) target(%dma_start3A_569 : memref<1x65536xf32, #tpu.memory_space<vmem>>) target_semaphore(%arg16 : memref<!tpu.dma_semaphore, #tpu.memory_space<semaphore_mem>>)
    %get3A_572 = arith.constant 12 : index
    %get3A_573 = memref.load %arg2[%get3A_572] : memref<32xi32, #tpu.memory_space<smem>>
    %min3A_574 = arith.constant 8 : i32
    %min3A_575 = arith.minsi %get3A_573, %min3A_574 : i32
    %mul3A_576 = arith.constant 34464 : i32
    %mul3A_577 = arith.muli %min3A_575, %mul3A_576 : i32
    %add3A_578 = arith.constant 655360 : i32
    %add3A_579 = arith.addi %add3A_578, %mul3A_577 : i32
    %jit3A_580 = arith.constant 128 : i32
    %div3A_581 = arith.divsi %add3A_579, %jit3A_580 : i32
    %sign3A_582 = arith.constant 0 : i32
    %sign3A_583 = arith.cmpi sgt, %add3A_579, %sign3A_582 : i32
    %sign3A_584 = arith.extui %sign3A_583 : i1 to i32
    %sign3A_585 = arith.constant 0 : i32
    %sign3A_586 = arith.cmpi slt, %add3A_579, %sign3A_585 : i32
    %sign3A_587 = arith.extui %sign3A_586 : i1 to i32
    %sign3A_588 = arith.subi %sign3A_584, %sign3A_587 : i32
    %sign3A_589 = arith.constant 0 : i32
    %sign3A_590 = arith.cmpi sgt, %jit3A_580, %sign3A_589 : i32
    %sign3A_591 = arith.extui %sign3A_590 : i1 to i32
    %sign3A_592 = arith.constant 0 : i32
    %sign3A_593 = arith.cmpi slt, %jit3A_580, %sign3A_592 : i32
    %sign3A_594 = arith.extui %sign3A_593 : i1 to i32
    %sign3A_595 = arith.subi %sign3A_591, %sign3A_594 : i32
    %ne3A_596 = arith.cmpi ne, %sign3A_588, %sign3A_595 : i32
    %rem3A_597 = arith.remsi %add3A_579, %jit3A_580 : i32
    %ne3A_598 = arith.constant 0 : i32
    %ne3A_599 = arith.cmpi ne, %rem3A_597, %ne3A_598 : i32
    %and3A_600 = arith.andi %ne3A_596, %ne3A_599 : i1
    %sub3A_601 = arith.constant 1 : i32
    %sub3A_602 = arith.subi %div3A_581, %sub3A_601 : i32
    %select_n3A_603 = arith.select %and3A_600, %sub3A_602, %div3A_581 : i32
    %mul3A_604 = arith.constant 128 : i32
    %mul3A_605 = arith.muli %select_n3A_603, %mul3A_604 : i32
    %dma_start3A_606 = arith.constant 12 : i32
    %dma_start3A_607 = arith.constant 0 : i32
    %dma_start3A_608 = tpu.memref_slice %arg15[%dma_start3A_606, %dma_start3A_607] : memref<32x34560xf32, #tpu.memory_space<vmem>> -> memref<1x34560xf32, #tpu.memory_space<vmem>>
    %dma_start3A_609 = arith.constant 12 : i32
    %dma_start3A_610 = tpu.memref_slice %arg3[%dma_start3A_609, %mul3A_605] : memref<32x1000000xf32, #tpu.memory_space<any>> -> memref<1x34560xf32, #tpu.memory_space<any>>
    tpu.enqueue_dma source(%dma_start3A_610 : memref<1x34560xf32, #tpu.memory_space<any>>) target(%dma_start3A_608 : memref<1x34560xf32, #tpu.memory_space<vmem>>) target_semaphore(%arg16 : memref<!tpu.dma_semaphore, #tpu.memory_space<semaphore_mem>>)
    %get3A_611 = arith.constant 13 : index
    %get3A_612 = memref.load %arg1[%get3A_611] : memref<32xi32, #tpu.memory_space<smem>>
    %mul3A_613 = arith.constant 65536 : i32
    %mul3A_614 = arith.muli %get3A_612, %mul3A_613 : i32
    %dma_start3A_615 = arith.constant 13 : i32
    %dma_start3A_616 = arith.constant 0 : i32
    %dma_start3A_617 = tpu.memref_slice %arg14[%dma_start3A_615, %dma_start3A_616] : memref<32x65536xf32, #tpu.memory_space<vmem>> -> memref<1x65536xf32, #tpu.memory_space<vmem>>
    %dma_start3A_618 = arith.constant 13 : i32
    %dma_start3A_619 = tpu.memref_slice %arg3[%dma_start3A_618, %mul3A_614] : memref<32x1000000xf32, #tpu.memory_space<any>> -> memref<1x65536xf32, #tpu.memory_space<any>>
    tpu.enqueue_dma source(%dma_start3A_619 : memref<1x65536xf32, #tpu.memory_space<any>>) target(%dma_start3A_617 : memref<1x65536xf32, #tpu.memory_space<vmem>>) target_semaphore(%arg16 : memref<!tpu.dma_semaphore, #tpu.memory_space<semaphore_mem>>)
    %get3A_620 = arith.constant 13 : index
    %get3A_621 = memref.load %arg2[%get3A_620] : memref<32xi32, #tpu.memory_space<smem>>
    %min3A_622 = arith.constant 8 : i32
    %min3A_623 = arith.minsi %get3A_621, %min3A_622 : i32
    %mul3A_624 = arith.constant 34464 : i32
    %mul3A_625 = arith.muli %min3A_623, %mul3A_624 : i32
    %add3A_626 = arith.constant 655360 : i32
    %add3A_627 = arith.addi %add3A_626, %mul3A_625 : i32
    %jit3A_628 = arith.constant 128 : i32
    %div3A_629 = arith.divsi %add3A_627, %jit3A_628 : i32
    %sign3A_630 = arith.constant 0 : i32
    %sign3A_631 = arith.cmpi sgt, %add3A_627, %sign3A_630 : i32
    %sign3A_632 = arith.extui %sign3A_631 : i1 to i32
    %sign3A_633 = arith.constant 0 : i32
    %sign3A_634 = arith.cmpi slt, %add3A_627, %sign3A_633 : i32
    %sign3A_635 = arith.extui %sign3A_634 : i1 to i32
    %sign3A_636 = arith.subi %sign3A_632, %sign3A_635 : i32
    %sign3A_637 = arith.constant 0 : i32
    %sign3A_638 = arith.cmpi sgt, %jit3A_628, %sign3A_637 : i32
    %sign3A_639 = arith.extui %sign3A_638 : i1 to i32
    %sign3A_640 = arith.constant 0 : i32
    %sign3A_641 = arith.cmpi slt, %jit3A_628, %sign3A_640 : i32
    %sign3A_642 = arith.extui %sign3A_641 : i1 to i32
    %sign3A_643 = arith.subi %sign3A_639, %sign3A_642 : i32
    %ne3A_644 = arith.cmpi ne, %sign3A_636, %sign3A_643 : i32
    %rem3A_645 = arith.remsi %add3A_627, %jit3A_628 : i32
    %ne3A_646 = arith.constant 0 : i32
    %ne3A_647 = arith.cmpi ne, %rem3A_645, %ne3A_646 : i32
    %and3A_648 = arith.andi %ne3A_644, %ne3A_647 : i1
    %sub3A_649 = arith.constant 1 : i32
    %sub3A_650 = arith.subi %div3A_629, %sub3A_649 : i32
    %select_n3A_651 = arith.select %and3A_648, %sub3A_650, %div3A_629 : i32
    %mul3A_652 = arith.constant 128 : i32
    %mul3A_653 = arith.muli %select_n3A_651, %mul3A_652 : i32
    %dma_start3A_654 = arith.constant 13 : i32
    %dma_start3A_655 = arith.constant 0 : i32
    %dma_start3A_656 = tpu.memref_slice %arg15[%dma_start3A_654, %dma_start3A_655] : memref<32x34560xf32, #tpu.memory_space<vmem>> -> memref<1x34560xf32, #tpu.memory_space<vmem>>
    %dma_start3A_657 = arith.constant 13 : i32
    %dma_start3A_658 = tpu.memref_slice %arg3[%dma_start3A_657, %mul3A_653] : memref<32x1000000xf32, #tpu.memory_space<any>> -> memref<1x34560xf32, #tpu.memory_space<any>>
    tpu.enqueue_dma source(%dma_start3A_658 : memref<1x34560xf32, #tpu.memory_space<any>>) target(%dma_start3A_656 : memref<1x34560xf32, #tpu.memory_space<vmem>>) target_semaphore(%arg16 : memref<!tpu.dma_semaphore, #tpu.memory_space<semaphore_mem>>)
    %get3A_659 = arith.constant 14 : index
    %get3A_660 = memref.load %arg1[%get3A_659] : memref<32xi32, #tpu.memory_space<smem>>
    %mul3A_661 = arith.constant 65536 : i32
    %mul3A_662 = arith.muli %get3A_660, %mul3A_661 : i32
    %dma_start3A_663 = arith.constant 14 : i32
    %dma_start3A_664 = arith.constant 0 : i32
    %dma_start3A_665 = tpu.memref_slice %arg14[%dma_start3A_663, %dma_start3A_664] : memref<32x65536xf32, #tpu.memory_space<vmem>> -> memref<1x65536xf32, #tpu.memory_space<vmem>>
    %dma_start3A_666 = arith.constant 14 : i32
    %dma_start3A_667 = tpu.memref_slice %arg3[%dma_start3A_666, %mul3A_662] : memref<32x1000000xf32, #tpu.memory_space<any>> -> memref<1x65536xf32, #tpu.memory_space<any>>
    tpu.enqueue_dma source(%dma_start3A_667 : memref<1x65536xf32, #tpu.memory_space<any>>) target(%dma_start3A_665 : memref<1x65536xf32, #tpu.memory_space<vmem>>) target_semaphore(%arg16 : memref<!tpu.dma_semaphore, #tpu.memory_space<semaphore_mem>>)
    %get3A_668 = arith.constant 14 : index
    %get3A_669 = memref.load %arg2[%get3A_668] : memref<32xi32, #tpu.memory_space<smem>>
    %min3A_670 = arith.constant 8 : i32
    %min3A_671 = arith.minsi %get3A_669, %min3A_670 : i32
    %mul3A_672 = arith.constant 34464 : i32
    %mul3A_673 = arith.muli %min3A_671, %mul3A_672 : i32
    %add3A_674 = arith.constant 655360 : i32
    %add3A_675 = arith.addi %add3A_674, %mul3A_673 : i32
    %jit3A_676 = arith.constant 128 : i32
    %div3A_677 = arith.divsi %add3A_675, %jit3A_676 : i32
    %sign3A_678 = arith.constant 0 : i32
    %sign3A_679 = arith.cmpi sgt, %add3A_675, %sign3A_678 : i32
    %sign3A_680 = arith.extui %sign3A_679 : i1 to i32
    %sign3A_681 = arith.constant 0 : i32
    %sign3A_682 = arith.cmpi slt, %add3A_675, %sign3A_681 : i32
    %sign3A_683 = arith.extui %sign3A_682 : i1 to i32
    %sign3A_684 = arith.subi %sign3A_680, %sign3A_683 : i32
    %sign3A_685 = arith.constant 0 : i32
    %sign3A_686 = arith.cmpi sgt, %jit3A_676, %sign3A_685 : i32
    %sign3A_687 = arith.extui %sign3A_686 : i1 to i32
    %sign3A_688 = arith.constant 0 : i32
    %sign3A_689 = arith.cmpi slt, %jit3A_676, %sign3A_688 : i32
    %sign3A_690 = arith.extui %sign3A_689 : i1 to i32
    %sign3A_691 = arith.subi %sign3A_687, %sign3A_690 : i32
    %ne3A_692 = arith.cmpi ne, %sign3A_684, %sign3A_691 : i32
    %rem3A_693 = arith.remsi %add3A_675, %jit3A_676 : i32
    %ne3A_694 = arith.constant 0 : i32
    %ne3A_695 = arith.cmpi ne, %rem3A_693, %ne3A_694 : i32
    %and3A_696 = arith.andi %ne3A_692, %ne3A_695 : i1
    %sub3A_697 = arith.constant 1 : i32
    %sub3A_698 = arith.subi %div3A_677, %sub3A_697 : i32
    %select_n3A_699 = arith.select %and3A_696, %sub3A_698, %div3A_677 : i32
    %mul3A_700 = arith.constant 128 : i32
    %mul3A_701 = arith.muli %select_n3A_699, %mul3A_700 : i32
    %dma_start3A_702 = arith.constant 14 : i32
    %dma_start3A_703 = arith.constant 0 : i32
    %dma_start3A_704 = tpu.memref_slice %arg15[%dma_start3A_702, %dma_start3A_703] : memref<32x34560xf32, #tpu.memory_space<vmem>> -> memref<1x34560xf32, #tpu.memory_space<vmem>>
    %dma_start3A_705 = arith.constant 14 : i32
    %dma_start3A_706 = tpu.memref_slice %arg3[%dma_start3A_705, %mul3A_701] : memref<32x1000000xf32, #tpu.memory_space<any>> -> memref<1x34560xf32, #tpu.memory_space<any>>
    tpu.enqueue_dma source(%dma_start3A_706 : memref<1x34560xf32, #tpu.memory_space<any>>) target(%dma_start3A_704 : memref<1x34560xf32, #tpu.memory_space<vmem>>) target_semaphore(%arg16 : memref<!tpu.dma_semaphore, #tpu.memory_space<semaphore_mem>>)
    %get3A_707 = arith.constant 15 : index
    %get3A_708 = memref.load %arg1[%get3A_707] : memref<32xi32, #tpu.memory_space<smem>>
    %mul3A_709 = arith.constant 65536 : i32
    %mul3A_710 = arith.muli %get3A_708, %mul3A_709 : i32
    %dma_start3A_711 = arith.constant 15 : i32
    %dma_start3A_712 = arith.constant 0 : i32
    %dma_start3A_713 = tpu.memref_slice %arg14[%dma_start3A_711, %dma_start3A_712] : memref<32x65536xf32, #tpu.memory_space<vmem>> -> memref<1x65536xf32, #tpu.memory_space<vmem>>
    %dma_start3A_714 = arith.constant 15 : i32
    %dma_start3A_715 = tpu.memref_slice %arg3[%dma_start3A_714, %mul3A_710] : memref<32x1000000xf32, #tpu.memory_space<any>> -> memref<1x65536xf32, #tpu.memory_space<any>>
    tpu.enqueue_dma source(%dma_start3A_715 : memref<1x65536xf32, #tpu.memory_space<any>>) target(%dma_start3A_713 : memref<1x65536xf32, #tpu.memory_space<vmem>>) target_semaphore(%arg16 : memref<!tpu.dma_semaphore, #tpu.memory_space<semaphore_mem>>)
    %get3A_716 = arith.constant 15 : index
    %get3A_717 = memref.load %arg2[%get3A_716] : memref<32xi32, #tpu.memory_space<smem>>
    %min3A_718 = arith.constant 8 : i32
    %min3A_719 = arith.minsi %get3A_717, %min3A_718 : i32
    %mul3A_720 = arith.constant 34464 : i32
    %mul3A_721 = arith.muli %min3A_719, %mul3A_720 : i32
    %add3A_722 = arith.constant 655360 : i32
    %add3A_723 = arith.addi %add3A_722, %mul3A_721 : i32
    %jit3A_724 = arith.constant 128 : i32
    %div3A_725 = arith.divsi %add3A_723, %jit3A_724 : i32
    %sign3A_726 = arith.constant 0 : i32
    %sign3A_727 = arith.cmpi sgt, %add3A_723, %sign3A_726 : i32
    %sign3A_728 = arith.extui %sign3A_727 : i1 to i32
    %sign3A_729 = arith.constant 0 : i32
    %sign3A_730 = arith.cmpi slt, %add3A_723, %sign3A_729 : i32
    %sign3A_731 = arith.extui %sign3A_730 : i1 to i32
    %sign3A_732 = arith.subi %sign3A_728, %sign3A_731 : i32
    %sign3A_733 = arith.constant 0 : i32
    %sign3A_734 = arith.cmpi sgt, %jit3A_724, %sign3A_733 : i32
    %sign3A_735 = arith.extui %sign3A_734 : i1 to i32
    %sign3A_736 = arith.constant 0 : i32
    %sign3A_737 = arith.cmpi slt, %jit3A_724, %sign3A_736 : i32
    %sign3A_738 = arith.extui %sign3A_737 : i1 to i32
    %sign3A_739 = arith.subi %sign3A_735, %sign3A_738 : i32
    %ne3A_740 = arith.cmpi ne, %sign3A_732, %sign3A_739 : i32
    %rem3A_741 = arith.remsi %add3A_723, %jit3A_724 : i32
    %ne3A_742 = arith.constant 0 : i32
    %ne3A_743 = arith.cmpi ne, %rem3A_741, %ne3A_742 : i32
    %and3A_744 = arith.andi %ne3A_740, %ne3A_743 : i1
    %sub3A_745 = arith.constant 1 : i32
    %sub3A_746 = arith.subi %div3A_725, %sub3A_745 : i32
    %select_n3A_747 = arith.select %and3A_744, %sub3A_746, %div3A_725 : i32
    %mul3A_748 = arith.constant 128 : i32
    %mul3A_749 = arith.muli %select_n3A_747, %mul3A_748 : i32
    %dma_start3A_750 = arith.constant 15 : i32
    %dma_start3A_751 = arith.constant 0 : i32
    %dma_start3A_752 = tpu.memref_slice %arg15[%dma_start3A_750, %dma_start3A_751] : memref<32x34560xf32, #tpu.memory_space<vmem>> -> memref<1x34560xf32, #tpu.memory_space<vmem>>
    %dma_start3A_753 = arith.constant 15 : i32
    %dma_start3A_754 = tpu.memref_slice %arg3[%dma_start3A_753, %mul3A_749] : memref<32x1000000xf32, #tpu.memory_space<any>> -> memref<1x34560xf32, #tpu.memory_space<any>>
    tpu.enqueue_dma source(%dma_start3A_754 : memref<1x34560xf32, #tpu.memory_space<any>>) target(%dma_start3A_752 : memref<1x34560xf32, #tpu.memory_space<vmem>>) target_semaphore(%arg16 : memref<!tpu.dma_semaphore, #tpu.memory_space<semaphore_mem>>)
    %get3A_755 = arith.constant 16 : index
    %get3A_756 = memref.load %arg1[%get3A_755] : memref<32xi32, #tpu.memory_space<smem>>
    %mul3A_757 = arith.constant 65536 : i32
    %mul3A_758 = arith.muli %get3A_756, %mul3A_757 : i32
    %dma_start3A_759 = arith.constant 16 : i32
    %dma_start3A_760 = arith.constant 0 : i32
    %dma_start3A_761 = tpu.memref_slice %arg14[%dma_start3A_759, %dma_start3A_760] : memref<32x65536xf32, #tpu.memory_space<vmem>> -> memref<1x65536xf32, #tpu.memory_space<vmem>>
    %dma_start3A_762 = arith.constant 16 : i32
    %dma_start3A_763 = tpu.memref_slice %arg3[%dma_start3A_762, %mul3A_758] : memref<32x1000000xf32, #tpu.memory_space<any>> -> memref<1x65536xf32, #tpu.memory_space<any>>
    tpu.enqueue_dma source(%dma_start3A_763 : memref<1x65536xf32, #tpu.memory_space<any>>) target(%dma_start3A_761 : memref<1x65536xf32, #tpu.memory_space<vmem>>) target_semaphore(%arg16 : memref<!tpu.dma_semaphore, #tpu.memory_space<semaphore_mem>>)
    %get3A_764 = arith.constant 16 : index
    %get3A_765 = memref.load %arg2[%get3A_764] : memref<32xi32, #tpu.memory_space<smem>>
    %min3A_766 = arith.constant 8 : i32
    %min3A_767 = arith.minsi %get3A_765, %min3A_766 : i32
    %mul3A_768 = arith.constant 34464 : i32
    %mul3A_769 = arith.muli %min3A_767, %mul3A_768 : i32
    %add3A_770 = arith.constant 655360 : i32
    %add3A_771 = arith.addi %add3A_770, %mul3A_769 : i32
    %jit3A_772 = arith.constant 128 : i32
    %div3A_773 = arith.divsi %add3A_771, %jit3A_772 : i32
    %sign3A_774 = arith.constant 0 : i32
    %sign3A_775 = arith.cmpi sgt, %add3A_771, %sign3A_774 : i32
    %sign3A_776 = arith.extui %sign3A_775 : i1 to i32
    %sign3A_777 = arith.constant 0 : i32
    %sign3A_778 = arith.cmpi slt, %add3A_771, %sign3A_777 : i32
    %sign3A_779 = arith.extui %sign3A_778 : i1 to i32
    %sign3A_780 = arith.subi %sign3A_776, %sign3A_779 : i32
    %sign3A_781 = arith.constant 0 : i32
    %sign3A_782 = arith.cmpi sgt, %jit3A_772, %sign3A_781 : i32
    %sign3A_783 = arith.extui %sign3A_782 : i1 to i32
    %sign3A_784 = arith.constant 0 : i32
    %sign3A_785 = arith.cmpi slt, %jit3A_772, %sign3A_784 : i32
    %sign3A_786 = arith.extui %sign3A_785 : i1 to i32
    %sign3A_787 = arith.subi %sign3A_783, %sign3A_786 : i32
    %ne3A_788 = arith.cmpi ne, %sign3A_780, %sign3A_787 : i32
    %rem3A_789 = arith.remsi %add3A_771, %jit3A_772 : i32
    %ne3A_790 = arith.constant 0 : i32
    %ne3A_791 = arith.cmpi ne, %rem3A_789, %ne3A_790 : i32
    %and3A_792 = arith.andi %ne3A_788, %ne3A_791 : i1
    %sub3A_793 = arith.constant 1 : i32
    %sub3A_794 = arith.subi %div3A_773, %sub3A_793 : i32
    %select_n3A_795 = arith.select %and3A_792, %sub3A_794, %div3A_773 : i32
    %mul3A_796 = arith.constant 128 : i32
    %mul3A_797 = arith.muli %select_n3A_795, %mul3A_796 : i32
    %dma_start3A_798 = arith.constant 16 : i32
    %dma_start3A_799 = arith.constant 0 : i32
    %dma_start3A_800 = tpu.memref_slice %arg15[%dma_start3A_798, %dma_start3A_799] : memref<32x34560xf32, #tpu.memory_space<vmem>> -> memref<1x34560xf32, #tpu.memory_space<vmem>>
    %dma_start3A_801 = arith.constant 16 : i32
    %dma_start3A_802 = tpu.memref_slice %arg3[%dma_start3A_801, %mul3A_797] : memref<32x1000000xf32, #tpu.memory_space<any>> -> memref<1x34560xf32, #tpu.memory_space<any>>
    tpu.enqueue_dma source(%dma_start3A_802 : memref<1x34560xf32, #tpu.memory_space<any>>) target(%dma_start3A_800 : memref<1x34560xf32, #tpu.memory_space<vmem>>) target_semaphore(%arg16 : memref<!tpu.dma_semaphore, #tpu.memory_space<semaphore_mem>>)
    %get3A_803 = arith.constant 17 : index
    %get3A_804 = memref.load %arg1[%get3A_803] : memref<32xi32, #tpu.memory_space<smem>>
    %mul3A_805 = arith.constant 65536 : i32
    %mul3A_806 = arith.muli %get3A_804, %mul3A_805 : i32
    %dma_start3A_807 = arith.constant 17 : i32
    %dma_start3A_808 = arith.constant 0 : i32
    %dma_start3A_809 = tpu.memref_slice %arg14[%dma_start3A_807, %dma_start3A_808] : memref<32x65536xf32, #tpu.memory_space<vmem>> -> memref<1x65536xf32, #tpu.memory_space<vmem>>
    %dma_start3A_810 = arith.constant 17 : i32
    %dma_start3A_811 = tpu.memref_slice %arg3[%dma_start3A_810, %mul3A_806] : memref<32x1000000xf32, #tpu.memory_space<any>> -> memref<1x65536xf32, #tpu.memory_space<any>>
    tpu.enqueue_dma source(%dma_start3A_811 : memref<1x65536xf32, #tpu.memory_space<any>>) target(%dma_start3A_809 : memref<1x65536xf32, #tpu.memory_space<vmem>>) target_semaphore(%arg16 : memref<!tpu.dma_semaphore, #tpu.memory_space<semaphore_mem>>)
    %get3A_812 = arith.constant 17 : index
    %get3A_813 = memref.load %arg2[%get3A_812] : memref<32xi32, #tpu.memory_space<smem>>
    %min3A_814 = arith.constant 8 : i32
    %min3A_815 = arith.minsi %get3A_813, %min3A_814 : i32
    %mul3A_816 = arith.constant 34464 : i32
    %mul3A_817 = arith.muli %min3A_815, %mul3A_816 : i32
    %add3A_818 = arith.constant 655360 : i32
    %add3A_819 = arith.addi %add3A_818, %mul3A_817 : i32
    %jit3A_820 = arith.constant 128 : i32
    %div3A_821 = arith.divsi %add3A_819, %jit3A_820 : i32
    %sign3A_822 = arith.constant 0 : i32
    %sign3A_823 = arith.cmpi sgt, %add3A_819, %sign3A_822 : i32
    %sign3A_824 = arith.extui %sign3A_823 : i1 to i32
    %sign3A_825 = arith.constant 0 : i32
    %sign3A_826 = arith.cmpi slt, %add3A_819, %sign3A_825 : i32
    %sign3A_827 = arith.extui %sign3A_826 : i1 to i32
    %sign3A_828 = arith.subi %sign3A_824, %sign3A_827 : i32
    %sign3A_829 = arith.constant 0 : i32
    %sign3A_830 = arith.cmpi sgt, %jit3A_820, %sign3A_829 : i32
    %sign3A_831 = arith.extui %sign3A_830 : i1 to i32
    %sign3A_832 = arith.constant 0 : i32
    %sign3A_833 = arith.cmpi slt, %jit3A_820, %sign3A_832 : i32
    %sign3A_834 = arith.extui %sign3A_833 : i1 to i32
    %sign3A_835 = arith.subi %sign3A_831, %sign3A_834 : i32
    %ne3A_836 = arith.cmpi ne, %sign3A_828, %sign3A_835 : i32
    %rem3A_837 = arith.remsi %add3A_819, %jit3A_820 : i32
    %ne3A_838 = arith.constant 0 : i32
    %ne3A_839 = arith.cmpi ne, %rem3A_837, %ne3A_838 : i32
    %and3A_840 = arith.andi %ne3A_836, %ne3A_839 : i1
    %sub3A_841 = arith.constant 1 : i32
    %sub3A_842 = arith.subi %div3A_821, %sub3A_841 : i32
    %select_n3A_843 = arith.select %and3A_840, %sub3A_842, %div3A_821 : i32
    %mul3A_844 = arith.constant 128 : i32
    %mul3A_845 = arith.muli %select_n3A_843, %mul3A_844 : i32
    %dma_start3A_846 = arith.constant 17 : i32
    %dma_start3A_847 = arith.constant 0 : i32
    %dma_start3A_848 = tpu.memref_slice %arg15[%dma_start3A_846, %dma_start3A_847] : memref<32x34560xf32, #tpu.memory_space<vmem>> -> memref<1x34560xf32, #tpu.memory_space<vmem>>
    %dma_start3A_849 = arith.constant 17 : i32
    %dma_start3A_850 = tpu.memref_slice %arg3[%dma_start3A_849, %mul3A_845] : memref<32x1000000xf32, #tpu.memory_space<any>> -> memref<1x34560xf32, #tpu.memory_space<any>>
    tpu.enqueue_dma source(%dma_start3A_850 : memref<1x34560xf32, #tpu.memory_space<any>>) target(%dma_start3A_848 : memref<1x34560xf32, #tpu.memory_space<vmem>>) target_semaphore(%arg16 : memref<!tpu.dma_semaphore, #tpu.memory_space<semaphore_mem>>)
    %get3A_851 = arith.constant 18 : index
    %get3A_852 = memref.load %arg1[%get3A_851] : memref<32xi32, #tpu.memory_space<smem>>
    %mul3A_853 = arith.constant 65536 : i32
    %mul3A_854 = arith.muli %get3A_852, %mul3A_853 : i32
    %dma_start3A_855 = arith.constant 18 : i32
    %dma_start3A_856 = arith.constant 0 : i32
    %dma_start3A_857 = tpu.memref_slice %arg14[%dma_start3A_855, %dma_start3A_856] : memref<32x65536xf32, #tpu.memory_space<vmem>> -> memref<1x65536xf32, #tpu.memory_space<vmem>>
    %dma_start3A_858 = arith.constant 18 : i32
    %dma_start3A_859 = tpu.memref_slice %arg3[%dma_start3A_858, %mul3A_854] : memref<32x1000000xf32, #tpu.memory_space<any>> -> memref<1x65536xf32, #tpu.memory_space<any>>
    tpu.enqueue_dma source(%dma_start3A_859 : memref<1x65536xf32, #tpu.memory_space<any>>) target(%dma_start3A_857 : memref<1x65536xf32, #tpu.memory_space<vmem>>) target_semaphore(%arg16 : memref<!tpu.dma_semaphore, #tpu.memory_space<semaphore_mem>>)
    %get3A_860 = arith.constant 18 : index
    %get3A_861 = memref.load %arg2[%get3A_860] : memref<32xi32, #tpu.memory_space<smem>>
    %min3A_862 = arith.constant 8 : i32
    %min3A_863 = arith.minsi %get3A_861, %min3A_862 : i32
    %mul3A_864 = arith.constant 34464 : i32
    %mul3A_865 = arith.muli %min3A_863, %mul3A_864 : i32
    %add3A_866 = arith.constant 655360 : i32
    %add3A_867 = arith.addi %add3A_866, %mul3A_865 : i32
    %jit3A_868 = arith.constant 128 : i32
    %div3A_869 = arith.divsi %add3A_867, %jit3A_868 : i32
    %sign3A_870 = arith.constant 0 : i32
    %sign3A_871 = arith.cmpi sgt, %add3A_867, %sign3A_870 : i32
    %sign3A_872 = arith.extui %sign3A_871 : i1 to i32
    %sign3A_873 = arith.constant 0 : i32
    %sign3A_874 = arith.cmpi slt, %add3A_867, %sign3A_873 : i32
    %sign3A_875 = arith.extui %sign3A_874 : i1 to i32
    %sign3A_876 = arith.subi %sign3A_872, %sign3A_875 : i32
    %sign3A_877 = arith.constant 0 : i32
    %sign3A_878 = arith.cmpi sgt, %jit3A_868, %sign3A_877 : i32
    %sign3A_879 = arith.extui %sign3A_878 : i1 to i32
    %sign3A_880 = arith.constant 0 : i32
    %sign3A_881 = arith.cmpi slt, %jit3A_868, %sign3A_880 : i32
    %sign3A_882 = arith.extui %sign3A_881 : i1 to i32
    %sign3A_883 = arith.subi %sign3A_879, %sign3A_882 : i32
    %ne3A_884 = arith.cmpi ne, %sign3A_876, %sign3A_883 : i32
    %rem3A_885 = arith.remsi %add3A_867, %jit3A_868 : i32
    %ne3A_886 = arith.constant 0 : i32
    %ne3A_887 = arith.cmpi ne, %rem3A_885, %ne3A_886 : i32
    %and3A_888 = arith.andi %ne3A_884, %ne3A_887 : i1
    %sub3A_889 = arith.constant 1 : i32
    %sub3A_890 = arith.subi %div3A_869, %sub3A_889 : i32
    %select_n3A_891 = arith.select %and3A_888, %sub3A_890, %div3A_869 : i32
    %mul3A_892 = arith.constant 128 : i32
    %mul3A_893 = arith.muli %select_n3A_891, %mul3A_892 : i32
    %dma_start3A_894 = arith.constant 18 : i32
    %dma_start3A_895 = arith.constant 0 : i32
    %dma_start3A_896 = tpu.memref_slice %arg15[%dma_start3A_894, %dma_start3A_895] : memref<32x34560xf32, #tpu.memory_space<vmem>> -> memref<1x34560xf32, #tpu.memory_space<vmem>>
    %dma_start3A_897 = arith.constant 18 : i32
    %dma_start3A_898 = tpu.memref_slice %arg3[%dma_start3A_897, %mul3A_893] : memref<32x1000000xf32, #tpu.memory_space<any>> -> memref<1x34560xf32, #tpu.memory_space<any>>
    tpu.enqueue_dma source(%dma_start3A_898 : memref<1x34560xf32, #tpu.memory_space<any>>) target(%dma_start3A_896 : memref<1x34560xf32, #tpu.memory_space<vmem>>) target_semaphore(%arg16 : memref<!tpu.dma_semaphore, #tpu.memory_space<semaphore_mem>>)
    %get3A_899 = arith.constant 19 : index
    %get3A_900 = memref.load %arg1[%get3A_899] : memref<32xi32, #tpu.memory_space<smem>>
    %mul3A_901 = arith.constant 65536 : i32
    %mul3A_902 = arith.muli %get3A_900, %mul3A_901 : i32
    %dma_start3A_903 = arith.constant 19 : i32
    %dma_start3A_904 = arith.constant 0 : i32
    %dma_start3A_905 = tpu.memref_slice %arg14[%dma_start3A_903, %dma_start3A_904] : memref<32x65536xf32, #tpu.memory_space<vmem>> -> memref<1x65536xf32, #tpu.memory_space<vmem>>
    %dma_start3A_906 = arith.constant 19 : i32
    %dma_start3A_907 = tpu.memref_slice %arg3[%dma_start3A_906, %mul3A_902] : memref<32x1000000xf32, #tpu.memory_space<any>> -> memref<1x65536xf32, #tpu.memory_space<any>>
    tpu.enqueue_dma source(%dma_start3A_907 : memref<1x65536xf32, #tpu.memory_space<any>>) target(%dma_start3A_905 : memref<1x65536xf32, #tpu.memory_space<vmem>>) target_semaphore(%arg16 : memref<!tpu.dma_semaphore, #tpu.memory_space<semaphore_mem>>)
    %get3A_908 = arith.constant 19 : index
    %get3A_909 = memref.load %arg2[%get3A_908] : memref<32xi32, #tpu.memory_space<smem>>
    %min3A_910 = arith.constant 8 : i32
    %min3A_911 = arith.minsi %get3A_909, %min3A_910 : i32
    %mul3A_912 = arith.constant 34464 : i32
    %mul3A_913 = arith.muli %min3A_911, %mul3A_912 : i32
    %add3A_914 = arith.constant 655360 : i32
    %add3A_915 = arith.addi %add3A_914, %mul3A_913 : i32
    %jit3A_916 = arith.constant 128 : i32
    %div3A_917 = arith.divsi %add3A_915, %jit3A_916 : i32
    %sign3A_918 = arith.constant 0 : i32
    %sign3A_919 = arith.cmpi sgt, %add3A_915, %sign3A_918 : i32
    %sign3A_920 = arith.extui %sign3A_919 : i1 to i32
    %sign3A_921 = arith.constant 0 : i32
    %sign3A_922 = arith.cmpi slt, %add3A_915, %sign3A_921 : i32
    %sign3A_923 = arith.extui %sign3A_922 : i1 to i32
    %sign3A_924 = arith.subi %sign3A_920, %sign3A_923 : i32
    %sign3A_925 = arith.constant 0 : i32
    %sign3A_926 = arith.cmpi sgt, %jit3A_916, %sign3A_925 : i32
    %sign3A_927 = arith.extui %sign3A_926 : i1 to i32
    %sign3A_928 = arith.constant 0 : i32
    %sign3A_929 = arith.cmpi slt, %jit3A_916, %sign3A_928 : i32
    %sign3A_930 = arith.extui %sign3A_929 : i1 to i32
    %sign3A_931 = arith.subi %sign3A_927, %sign3A_930 : i32
    %ne3A_932 = arith.cmpi ne, %sign3A_924, %sign3A_931 : i32
    %rem3A_933 = arith.remsi %add3A_915, %jit3A_916 : i32
    %ne3A_934 = arith.constant 0 : i32
    %ne3A_935 = arith.cmpi ne, %rem3A_933, %ne3A_934 : i32
    %and3A_936 = arith.andi %ne3A_932, %ne3A_935 : i1
    %sub3A_937 = arith.constant 1 : i32
    %sub3A_938 = arith.subi %div3A_917, %sub3A_937 : i32
    %select_n3A_939 = arith.select %and3A_936, %sub3A_938, %div3A_917 : i32
    %mul3A_940 = arith.constant 128 : i32
    %mul3A_941 = arith.muli %select_n3A_939, %mul3A_940 : i32
    %dma_start3A_942 = arith.constant 19 : i32
    %dma_start3A_943 = arith.constant 0 : i32
    %dma_start3A_944 = tpu.memref_slice %arg15[%dma_start3A_942, %dma_start3A_943] : memref<32x34560xf32, #tpu.memory_space<vmem>> -> memref<1x34560xf32, #tpu.memory_space<vmem>>
    %dma_start3A_945 = arith.constant 19 : i32
    %dma_start3A_946 = tpu.memref_slice %arg3[%dma_start3A_945, %mul3A_941] : memref<32x1000000xf32, #tpu.memory_space<any>> -> memref<1x34560xf32, #tpu.memory_space<any>>
    tpu.enqueue_dma source(%dma_start3A_946 : memref<1x34560xf32, #tpu.memory_space<any>>) target(%dma_start3A_944 : memref<1x34560xf32, #tpu.memory_space<vmem>>) target_semaphore(%arg16 : memref<!tpu.dma_semaphore, #tpu.memory_space<semaphore_mem>>)
    %get3A_947 = arith.constant 20 : index
    %get3A_948 = memref.load %arg1[%get3A_947] : memref<32xi32, #tpu.memory_space<smem>>
    %mul3A_949 = arith.constant 65536 : i32
    %mul3A_950 = arith.muli %get3A_948, %mul3A_949 : i32
    %dma_start3A_951 = arith.constant 20 : i32
    %dma_start3A_952 = arith.constant 0 : i32
    %dma_start3A_953 = tpu.memref_slice %arg14[%dma_start3A_951, %dma_start3A_952] : memref<32x65536xf32, #tpu.memory_space<vmem>> -> memref<1x65536xf32, #tpu.memory_space<vmem>>
    %dma_start3A_954 = arith.constant 20 : i32
    %dma_start3A_955 = tpu.memref_slice %arg3[%dma_start3A_954, %mul3A_950] : memref<32x1000000xf32, #tpu.memory_space<any>> -> memref<1x65536xf32, #tpu.memory_space<any>>
    tpu.enqueue_dma source(%dma_start3A_955 : memref<1x65536xf32, #tpu.memory_space<any>>) target(%dma_start3A_953 : memref<1x65536xf32, #tpu.memory_space<vmem>>) target_semaphore(%arg16 : memref<!tpu.dma_semaphore, #tpu.memory_space<semaphore_mem>>)
    %get3A_956 = arith.constant 20 : index
    %get3A_957 = memref.load %arg2[%get3A_956] : memref<32xi32, #tpu.memory_space<smem>>
    %min3A_958 = arith.constant 8 : i32
    %min3A_959 = arith.minsi %get3A_957, %min3A_958 : i32
    %mul3A_960 = arith.constant 34464 : i32
    %mul3A_961 = arith.muli %min3A_959, %mul3A_960 : i32
    %add3A_962 = arith.constant 655360 : i32
    %add3A_963 = arith.addi %add3A_962, %mul3A_961 : i32
    %jit3A_964 = arith.constant 128 : i32
    %div3A_965 = arith.divsi %add3A_963, %jit3A_964 : i32
    %sign3A_966 = arith.constant 0 : i32
    %sign3A_967 = arith.cmpi sgt, %add3A_963, %sign3A_966 : i32
    %sign3A_968 = arith.extui %sign3A_967 : i1 to i32
    %sign3A_969 = arith.constant 0 : i32
    %sign3A_970 = arith.cmpi slt, %add3A_963, %sign3A_969 : i32
    %sign3A_971 = arith.extui %sign3A_970 : i1 to i32
    %sign3A_972 = arith.subi %sign3A_968, %sign3A_971 : i32
    %sign3A_973 = arith.constant 0 : i32
    %sign3A_974 = arith.cmpi sgt, %jit3A_964, %sign3A_973 : i32
    %sign3A_975 = arith.extui %sign3A_974 : i1 to i32
    %sign3A_976 = arith.constant 0 : i32
    %sign3A_977 = arith.cmpi slt, %jit3A_964, %sign3A_976 : i32
    %sign3A_978 = arith.extui %sign3A_977 : i1 to i32
    %sign3A_979 = arith.subi %sign3A_975, %sign3A_978 : i32
    %ne3A_980 = arith.cmpi ne, %sign3A_972, %sign3A_979 : i32
    %rem3A_981 = arith.remsi %add3A_963, %jit3A_964 : i32
    %ne3A_982 = arith.constant 0 : i32
    %ne3A_983 = arith.cmpi ne, %rem3A_981, %ne3A_982 : i32
    %and3A_984 = arith.andi %ne3A_980, %ne3A_983 : i1
    %sub3A_985 = arith.constant 1 : i32
    %sub3A_986 = arith.subi %div3A_965, %sub3A_985 : i32
    %select_n3A_987 = arith.select %and3A_984, %sub3A_986, %div3A_965 : i32
    %mul3A_988 = arith.constant 128 : i32
    %mul3A_989 = arith.muli %select_n3A_987, %mul3A_988 : i32
    %dma_start3A_990 = arith.constant 20 : i32
    %dma_start3A_991 = arith.constant 0 : i32
    %dma_start3A_992 = tpu.memref_slice %arg15[%dma_start3A_990, %dma_start3A_991] : memref<32x34560xf32, #tpu.memory_space<vmem>> -> memref<1x34560xf32, #tpu.memory_space<vmem>>
    %dma_start3A_993 = arith.constant 20 : i32
    %dma_start3A_994 = tpu.memref_slice %arg3[%dma_start3A_993, %mul3A_989] : memref<32x1000000xf32, #tpu.memory_space<any>> -> memref<1x34560xf32, #tpu.memory_space<any>>
    tpu.enqueue_dma source(%dma_start3A_994 : memref<1x34560xf32, #tpu.memory_space<any>>) target(%dma_start3A_992 : memref<1x34560xf32, #tpu.memory_space<vmem>>) target_semaphore(%arg16 : memref<!tpu.dma_semaphore, #tpu.memory_space<semaphore_mem>>)
    %get3A_995 = arith.constant 21 : index
    %get3A_996 = memref.load %arg1[%get3A_995] : memref<32xi32, #tpu.memory_space<smem>>
    %mul3A_997 = arith.constant 65536 : i32
    %mul3A_998 = arith.muli %get3A_996, %mul3A_997 : i32
    %dma_start3A_999 = arith.constant 21 : i32
    %dma_start3A_1000 = arith.constant 0 : i32
    %dma_start3A_1001 = tpu.memref_slice %arg14[%dma_start3A_999, %dma_start3A_1000] : memref<32x65536xf32, #tpu.memory_space<vmem>> -> memref<1x65536xf32, #tpu.memory_space<vmem>>
    %dma_start3A_1002 = arith.constant 21 : i32
    %dma_start3A_1003 = tpu.memref_slice %arg3[%dma_start3A_1002, %mul3A_998] : memref<32x1000000xf32, #tpu.memory_space<any>> -> memref<1x65536xf32, #tpu.memory_space<any>>
    tpu.enqueue_dma source(%dma_start3A_1003 : memref<1x65536xf32, #tpu.memory_space<any>>) target(%dma_start3A_1001 : memref<1x65536xf32, #tpu.memory_space<vmem>>) target_semaphore(%arg16 : memref<!tpu.dma_semaphore, #tpu.memory_space<semaphore_mem>>)
    %get3A_1004 = arith.constant 21 : index
    %get3A_1005 = memref.load %arg2[%get3A_1004] : memref<32xi32, #tpu.memory_space<smem>>
    %min3A_1006 = arith.constant 8 : i32
    %min3A_1007 = arith.minsi %get3A_1005, %min3A_1006 : i32
    %mul3A_1008 = arith.constant 34464 : i32
    %mul3A_1009 = arith.muli %min3A_1007, %mul3A_1008 : i32
    %add3A_1010 = arith.constant 655360 : i32
    %add3A_1011 = arith.addi %add3A_1010, %mul3A_1009 : i32
    %jit3A_1012 = arith.constant 128 : i32
    %div3A_1013 = arith.divsi %add3A_1011, %jit3A_1012 : i32
    %sign3A_1014 = arith.constant 0 : i32
    %sign3A_1015 = arith.cmpi sgt, %add3A_1011, %sign3A_1014 : i32
    %sign3A_1016 = arith.extui %sign3A_1015 : i1 to i32
    %sign3A_1017 = arith.constant 0 : i32
    %sign3A_1018 = arith.cmpi slt, %add3A_1011, %sign3A_1017 : i32
    %sign3A_1019 = arith.extui %sign3A_1018 : i1 to i32
    %sign3A_1020 = arith.subi %sign3A_1016, %sign3A_1019 : i32
    %sign3A_1021 = arith.constant 0 : i32
    %sign3A_1022 = arith.cmpi sgt, %jit3A_1012, %sign3A_1021 : i32
    %sign3A_1023 = arith.extui %sign3A_1022 : i1 to i32
    %sign3A_1024 = arith.constant 0 : i32
    %sign3A_1025 = arith.cmpi slt, %jit3A_1012, %sign3A_1024 : i32
    %sign3A_1026 = arith.extui %sign3A_1025 : i1 to i32
    %sign3A_1027 = arith.subi %sign3A_1023, %sign3A_1026 : i32
    %ne3A_1028 = arith.cmpi ne, %sign3A_1020, %sign3A_1027 : i32
    %rem3A_1029 = arith.remsi %add3A_1011, %jit3A_1012 : i32
    %ne3A_1030 = arith.constant 0 : i32
    %ne3A_1031 = arith.cmpi ne, %rem3A_1029, %ne3A_1030 : i32
    %and3A_1032 = arith.andi %ne3A_1028, %ne3A_1031 : i1
    %sub3A_1033 = arith.constant 1 : i32
    %sub3A_1034 = arith.subi %div3A_1013, %sub3A_1033 : i32
    %select_n3A_1035 = arith.select %and3A_1032, %sub3A_1034, %div3A_1013 : i32
    %mul3A_1036 = arith.constant 128 : i32
    %mul3A_1037 = arith.muli %select_n3A_1035, %mul3A_1036 : i32
    %dma_start3A_1038 = arith.constant 21 : i32
    %dma_start3A_1039 = arith.constant 0 : i32
    %dma_start3A_1040 = tpu.memref_slice %arg15[%dma_start3A_1038, %dma_start3A_1039] : memref<32x34560xf32, #tpu.memory_space<vmem>> -> memref<1x34560xf32, #tpu.memory_space<vmem>>
    %dma_start3A_1041 = arith.constant 21 : i32
    %dma_start3A_1042 = tpu.memref_slice %arg3[%dma_start3A_1041, %mul3A_1037] : memref<32x1000000xf32, #tpu.memory_space<any>> -> memref<1x34560xf32, #tpu.memory_space<any>>
    tpu.enqueue_dma source(%dma_start3A_1042 : memref<1x34560xf32, #tpu.memory_space<any>>) target(%dma_start3A_1040 : memref<1x34560xf32, #tpu.memory_space<vmem>>) target_semaphore(%arg16 : memref<!tpu.dma_semaphore, #tpu.memory_space<semaphore_mem>>)
    %get3A_1043 = arith.constant 22 : index
    %get3A_1044 = memref.load %arg1[%get3A_1043] : memref<32xi32, #tpu.memory_space<smem>>
    %mul3A_1045 = arith.constant 65536 : i32
    %mul3A_1046 = arith.muli %get3A_1044, %mul3A_1045 : i32
    %dma_start3A_1047 = arith.constant 22 : i32
    %dma_start3A_1048 = arith.constant 0 : i32
    %dma_start3A_1049 = tpu.memref_slice %arg14[%dma_start3A_1047, %dma_start3A_1048] : memref<32x65536xf32, #tpu.memory_space<vmem>> -> memref<1x65536xf32, #tpu.memory_space<vmem>>
    %dma_start3A_1050 = arith.constant 22 : i32
    %dma_start3A_1051 = tpu.memref_slice %arg3[%dma_start3A_1050, %mul3A_1046] : memref<32x1000000xf32, #tpu.memory_space<any>> -> memref<1x65536xf32, #tpu.memory_space<any>>
    tpu.enqueue_dma source(%dma_start3A_1051 : memref<1x65536xf32, #tpu.memory_space<any>>) target(%dma_start3A_1049 : memref<1x65536xf32, #tpu.memory_space<vmem>>) target_semaphore(%arg16 : memref<!tpu.dma_semaphore, #tpu.memory_space<semaphore_mem>>)
    %get3A_1052 = arith.constant 22 : index
    %get3A_1053 = memref.load %arg2[%get3A_1052] : memref<32xi32, #tpu.memory_space<smem>>
    %min3A_1054 = arith.constant 8 : i32
    %min3A_1055 = arith.minsi %get3A_1053, %min3A_1054 : i32
    %mul3A_1056 = arith.constant 34464 : i32
    %mul3A_1057 = arith.muli %min3A_1055, %mul3A_1056 : i32
    %add3A_1058 = arith.constant 655360 : i32
    %add3A_1059 = arith.addi %add3A_1058, %mul3A_1057 : i32
    %jit3A_1060 = arith.constant 128 : i32
    %div3A_1061 = arith.divsi %add3A_1059, %jit3A_1060 : i32
    %sign3A_1062 = arith.constant 0 : i32
    %sign3A_1063 = arith.cmpi sgt, %add3A_1059, %sign3A_1062 : i32
    %sign3A_1064 = arith.extui %sign3A_1063 : i1 to i32
    %sign3A_1065 = arith.constant 0 : i32
    %sign3A_1066 = arith.cmpi slt, %add3A_1059, %sign3A_1065 : i32
    %sign3A_1067 = arith.extui %sign3A_1066 : i1 to i32
    %sign3A_1068 = arith.subi %sign3A_1064, %sign3A_1067 : i32
    %sign3A_1069 = arith.constant 0 : i32
    %sign3A_1070 = arith.cmpi sgt, %jit3A_1060, %sign3A_1069 : i32
    %sign3A_1071 = arith.extui %sign3A_1070 : i1 to i32
    %sign3A_1072 = arith.constant 0 : i32
    %sign3A_1073 = arith.cmpi slt, %jit3A_1060, %sign3A_1072 : i32
    %sign3A_1074 = arith.extui %sign3A_1073 : i1 to i32
    %sign3A_1075 = arith.subi %sign3A_1071, %sign3A_1074 : i32
    %ne3A_1076 = arith.cmpi ne, %sign3A_1068, %sign3A_1075 : i32
    %rem3A_1077 = arith.remsi %add3A_1059, %jit3A_1060 : i32
    %ne3A_1078 = arith.constant 0 : i32
    %ne3A_1079 = arith.cmpi ne, %rem3A_1077, %ne3A_1078 : i32
    %and3A_1080 = arith.andi %ne3A_1076, %ne3A_1079 : i1
    %sub3A_1081 = arith.constant 1 : i32
    %sub3A_1082 = arith.subi %div3A_1061, %sub3A_1081 : i32
    %select_n3A_1083 = arith.select %and3A_1080, %sub3A_1082, %div3A_1061 : i32
    %mul3A_1084 = arith.constant 128 : i32
    %mul3A_1085 = arith.muli %select_n3A_1083, %mul3A_1084 : i32
    %dma_start3A_1086 = arith.constant 22 : i32
    %dma_start3A_1087 = arith.constant 0 : i32
    %dma_start3A_1088 = tpu.memref_slice %arg15[%dma_start3A_1086, %dma_start3A_1087] : memref<32x34560xf32, #tpu.memory_space<vmem>> -> memref<1x34560xf32, #tpu.memory_space<vmem>>
    %dma_start3A_1089 = arith.constant 22 : i32
    %dma_start3A_1090 = tpu.memref_slice %arg3[%dma_start3A_1089, %mul3A_1085] : memref<32x1000000xf32, #tpu.memory_space<any>> -> memref<1x34560xf32, #tpu.memory_space<any>>
    tpu.enqueue_dma source(%dma_start3A_1090 : memref<1x34560xf32, #tpu.memory_space<any>>) target(%dma_start3A_1088 : memref<1x34560xf32, #tpu.memory_space<vmem>>) target_semaphore(%arg16 : memref<!tpu.dma_semaphore, #tpu.memory_space<semaphore_mem>>)
    %get3A_1091 = arith.constant 23 : index
    %get3A_1092 = memref.load %arg1[%get3A_1091] : memref<32xi32, #tpu.memory_space<smem>>
    %mul3A_1093 = arith.constant 65536 : i32
    %mul3A_1094 = arith.muli %get3A_1092, %mul3A_1093 : i32
    %dma_start3A_1095 = arith.constant 23 : i32
    %dma_start3A_1096 = arith.constant 0 : i32
    %dma_start3A_1097 = tpu.memref_slice %arg14[%dma_start3A_1095, %dma_start3A_1096] : memref<32x65536xf32, #tpu.memory_space<vmem>> -> memref<1x65536xf32, #tpu.memory_space<vmem>>
    %dma_start3A_1098 = arith.constant 23 : i32
    %dma_start3A_1099 = tpu.memref_slice %arg3[%dma_start3A_1098, %mul3A_1094] : memref<32x1000000xf32, #tpu.memory_space<any>> -> memref<1x65536xf32, #tpu.memory_space<any>>
    tpu.enqueue_dma source(%dma_start3A_1099 : memref<1x65536xf32, #tpu.memory_space<any>>) target(%dma_start3A_1097 : memref<1x65536xf32, #tpu.memory_space<vmem>>) target_semaphore(%arg16 : memref<!tpu.dma_semaphore, #tpu.memory_space<semaphore_mem>>)
    %get3A_1100 = arith.constant 23 : index
    %get3A_1101 = memref.load %arg2[%get3A_1100] : memref<32xi32, #tpu.memory_space<smem>>
    %min3A_1102 = arith.constant 8 : i32
    %min3A_1103 = arith.minsi %get3A_1101, %min3A_1102 : i32
    %mul3A_1104 = arith.constant 34464 : i32
    %mul3A_1105 = arith.muli %min3A_1103, %mul3A_1104 : i32
    %add3A_1106 = arith.constant 655360 : i32
    %add3A_1107 = arith.addi %add3A_1106, %mul3A_1105 : i32
    %jit3A_1108 = arith.constant 128 : i32
    %div3A_1109 = arith.divsi %add3A_1107, %jit3A_1108 : i32
    %sign3A_1110 = arith.constant 0 : i32
    %sign3A_1111 = arith.cmpi sgt, %add3A_1107, %sign3A_1110 : i32
    %sign3A_1112 = arith.extui %sign3A_1111 : i1 to i32
    %sign3A_1113 = arith.constant 0 : i32
    %sign3A_1114 = arith.cmpi slt, %add3A_1107, %sign3A_1113 : i32
    %sign3A_1115 = arith.extui %sign3A_1114 : i1 to i32
    %sign3A_1116 = arith.subi %sign3A_1112, %sign3A_1115 : i32
    %sign3A_1117 = arith.constant 0 : i32
    %sign3A_1118 = arith.cmpi sgt, %jit3A_1108, %sign3A_1117 : i32
    %sign3A_1119 = arith.extui %sign3A_1118 : i1 to i32
    %sign3A_1120 = arith.constant 0 : i32
    %sign3A_1121 = arith.cmpi slt, %jit3A_1108, %sign3A_1120 : i32
    %sign3A_1122 = arith.extui %sign3A_1121 : i1 to i32
    %sign3A_1123 = arith.subi %sign3A_1119, %sign3A_1122 : i32
    %ne3A_1124 = arith.cmpi ne, %sign3A_1116, %sign3A_1123 : i32
    %rem3A_1125 = arith.remsi %add3A_1107, %jit3A_1108 : i32
    %ne3A_1126 = arith.constant 0 : i32
    %ne3A_1127 = arith.cmpi ne, %rem3A_1125, %ne3A_1126 : i32
    %and3A_1128 = arith.andi %ne3A_1124, %ne3A_1127 : i1
    %sub3A_1129 = arith.constant 1 : i32
    %sub3A_1130 = arith.subi %div3A_1109, %sub3A_1129 : i32
    %select_n3A_1131 = arith.select %and3A_1128, %sub3A_1130, %div3A_1109 : i32
    %mul3A_1132 = arith.constant 128 : i32
    %mul3A_1133 = arith.muli %select_n3A_1131, %mul3A_1132 : i32
    %dma_start3A_1134 = arith.constant 23 : i32
    %dma_start3A_1135 = arith.constant 0 : i32
    %dma_start3A_1136 = tpu.memref_slice %arg15[%dma_start3A_1134, %dma_start3A_1135] : memref<32x34560xf32, #tpu.memory_space<vmem>> -> memref<1x34560xf32, #tpu.memory_space<vmem>>
    %dma_start3A_1137 = arith.constant 23 : i32
    %dma_start3A_1138 = tpu.memref_slice %arg3[%dma_start3A_1137, %mul3A_1133] : memref<32x1000000xf32, #tpu.memory_space<any>> -> memref<1x34560xf32, #tpu.memory_space<any>>
    tpu.enqueue_dma source(%dma_start3A_1138 : memref<1x34560xf32, #tpu.memory_space<any>>) target(%dma_start3A_1136 : memref<1x34560xf32, #tpu.memory_space<vmem>>) target_semaphore(%arg16 : memref<!tpu.dma_semaphore, #tpu.memory_space<semaphore_mem>>)
    %get3A_1139 = arith.constant 24 : index
    %get3A_1140 = memref.load %arg1[%get3A_1139] : memref<32xi32, #tpu.memory_space<smem>>
    %mul3A_1141 = arith.constant 65536 : i32
    %mul3A_1142 = arith.muli %get3A_1140, %mul3A_1141 : i32
    %dma_start3A_1143 = arith.constant 24 : i32
    %dma_start3A_1144 = arith.constant 0 : i32
    %dma_start3A_1145 = tpu.memref_slice %arg14[%dma_start3A_1143, %dma_start3A_1144] : memref<32x65536xf32, #tpu.memory_space<vmem>> -> memref<1x65536xf32, #tpu.memory_space<vmem>>
    %dma_start3A_1146 = arith.constant 24 : i32
    %dma_start3A_1147 = tpu.memref_slice %arg3[%dma_start3A_1146, %mul3A_1142] : memref<32x1000000xf32, #tpu.memory_space<any>> -> memref<1x65536xf32, #tpu.memory_space<any>>
    tpu.enqueue_dma source(%dma_start3A_1147 : memref<1x65536xf32, #tpu.memory_space<any>>) target(%dma_start3A_1145 : memref<1x65536xf32, #tpu.memory_space<vmem>>) target_semaphore(%arg16 : memref<!tpu.dma_semaphore, #tpu.memory_space<semaphore_mem>>)
    %get3A_1148 = arith.constant 24 : index
    %get3A_1149 = memref.load %arg2[%get3A_1148] : memref<32xi32, #tpu.memory_space<smem>>
    %min3A_1150 = arith.constant 8 : i32
    %min3A_1151 = arith.minsi %get3A_1149, %min3A_1150 : i32
    %mul3A_1152 = arith.constant 34464 : i32
    %mul3A_1153 = arith.muli %min3A_1151, %mul3A_1152 : i32
    %add3A_1154 = arith.constant 655360 : i32
    %add3A_1155 = arith.addi %add3A_1154, %mul3A_1153 : i32
    %jit3A_1156 = arith.constant 128 : i32
    %div3A_1157 = arith.divsi %add3A_1155, %jit3A_1156 : i32
    %sign3A_1158 = arith.constant 0 : i32
    %sign3A_1159 = arith.cmpi sgt, %add3A_1155, %sign3A_1158 : i32
    %sign3A_1160 = arith.extui %sign3A_1159 : i1 to i32
    %sign3A_1161 = arith.constant 0 : i32
    %sign3A_1162 = arith.cmpi slt, %add3A_1155, %sign3A_1161 : i32
    %sign3A_1163 = arith.extui %sign3A_1162 : i1 to i32
    %sign3A_1164 = arith.subi %sign3A_1160, %sign3A_1163 : i32
    %sign3A_1165 = arith.constant 0 : i32
    %sign3A_1166 = arith.cmpi sgt, %jit3A_1156, %sign3A_1165 : i32
    %sign3A_1167 = arith.extui %sign3A_1166 : i1 to i32
    %sign3A_1168 = arith.constant 0 : i32
    %sign3A_1169 = arith.cmpi slt, %jit3A_1156, %sign3A_1168 : i32
    %sign3A_1170 = arith.extui %sign3A_1169 : i1 to i32
    %sign3A_1171 = arith.subi %sign3A_1167, %sign3A_1170 : i32
    %ne3A_1172 = arith.cmpi ne, %sign3A_1164, %sign3A_1171 : i32
    %rem3A_1173 = arith.remsi %add3A_1155, %jit3A_1156 : i32
    %ne3A_1174 = arith.constant 0 : i32
    %ne3A_1175 = arith.cmpi ne, %rem3A_1173, %ne3A_1174 : i32
    %and3A_1176 = arith.andi %ne3A_1172, %ne3A_1175 : i1
    %sub3A_1177 = arith.constant 1 : i32
    %sub3A_1178 = arith.subi %div3A_1157, %sub3A_1177 : i32
    %select_n3A_1179 = arith.select %and3A_1176, %sub3A_1178, %div3A_1157 : i32
    %mul3A_1180 = arith.constant 128 : i32
    %mul3A_1181 = arith.muli %select_n3A_1179, %mul3A_1180 : i32
    %dma_start3A_1182 = arith.constant 24 : i32
    %dma_start3A_1183 = arith.constant 0 : i32
    %dma_start3A_1184 = tpu.memref_slice %arg15[%dma_start3A_1182, %dma_start3A_1183] : memref<32x34560xf32, #tpu.memory_space<vmem>> -> memref<1x34560xf32, #tpu.memory_space<vmem>>
    %dma_start3A_1185 = arith.constant 24 : i32
    %dma_start3A_1186 = tpu.memref_slice %arg3[%dma_start3A_1185, %mul3A_1181] : memref<32x1000000xf32, #tpu.memory_space<any>> -> memref<1x34560xf32, #tpu.memory_space<any>>
    tpu.enqueue_dma source(%dma_start3A_1186 : memref<1x34560xf32, #tpu.memory_space<any>>) target(%dma_start3A_1184 : memref<1x34560xf32, #tpu.memory_space<vmem>>) target_semaphore(%arg16 : memref<!tpu.dma_semaphore, #tpu.memory_space<semaphore_mem>>)
    %get3A_1187 = arith.constant 25 : index
    %get3A_1188 = memref.load %arg1[%get3A_1187] : memref<32xi32, #tpu.memory_space<smem>>
    %mul3A_1189 = arith.constant 65536 : i32
    %mul3A_1190 = arith.muli %get3A_1188, %mul3A_1189 : i32
    %dma_start3A_1191 = arith.constant 25 : i32
    %dma_start3A_1192 = arith.constant 0 : i32
    %dma_start3A_1193 = tpu.memref_slice %arg14[%dma_start3A_1191, %dma_start3A_1192] : memref<32x65536xf32, #tpu.memory_space<vmem>> -> memref<1x65536xf32, #tpu.memory_space<vmem>>
    %dma_start3A_1194 = arith.constant 25 : i32
    %dma_start3A_1195 = tpu.memref_slice %arg3[%dma_start3A_1194, %mul3A_1190] : memref<32x1000000xf32, #tpu.memory_space<any>> -> memref<1x65536xf32, #tpu.memory_space<any>>
    tpu.enqueue_dma source(%dma_start3A_1195 : memref<1x65536xf32, #tpu.memory_space<any>>) target(%dma_start3A_1193 : memref<1x65536xf32, #tpu.memory_space<vmem>>) target_semaphore(%arg16 : memref<!tpu.dma_semaphore, #tpu.memory_space<semaphore_mem>>)
    %get3A_1196 = arith.constant 25 : index
    %get3A_1197 = memref.load %arg2[%get3A_1196] : memref<32xi32, #tpu.memory_space<smem>>
    %min3A_1198 = arith.constant 8 : i32
    %min3A_1199 = arith.minsi %get3A_1197, %min3A_1198 : i32
    %mul3A_1200 = arith.constant 34464 : i32
    %mul3A_1201 = arith.muli %min3A_1199, %mul3A_1200 : i32
    %add3A_1202 = arith.constant 655360 : i32
    %add3A_1203 = arith.addi %add3A_1202, %mul3A_1201 : i32
    %jit3A_1204 = arith.constant 128 : i32
    %div3A_1205 = arith.divsi %add3A_1203, %jit3A_1204 : i32
    %sign3A_1206 = arith.constant 0 : i32
    %sign3A_1207 = arith.cmpi sgt, %add3A_1203, %sign3A_1206 : i32
    %sign3A_1208 = arith.extui %sign3A_1207 : i1 to i32
    %sign3A_1209 = arith.constant 0 : i32
    %sign3A_1210 = arith.cmpi slt, %add3A_1203, %sign3A_1209 : i32
    %sign3A_1211 = arith.extui %sign3A_1210 : i1 to i32
    %sign3A_1212 = arith.subi %sign3A_1208, %sign3A_1211 : i32
    %sign3A_1213 = arith.constant 0 : i32
    %sign3A_1214 = arith.cmpi sgt, %jit3A_1204, %sign3A_1213 : i32
    %sign3A_1215 = arith.extui %sign3A_1214 : i1 to i32
    %sign3A_1216 = arith.constant 0 : i32
    %sign3A_1217 = arith.cmpi slt, %jit3A_1204, %sign3A_1216 : i32
    %sign3A_1218 = arith.extui %sign3A_1217 : i1 to i32
    %sign3A_1219 = arith.subi %sign3A_1215, %sign3A_1218 : i32
    %ne3A_1220 = arith.cmpi ne, %sign3A_1212, %sign3A_1219 : i32
    %rem3A_1221 = arith.remsi %add3A_1203, %jit3A_1204 : i32
    %ne3A_1222 = arith.constant 0 : i32
    %ne3A_1223 = arith.cmpi ne, %rem3A_1221, %ne3A_1222 : i32
    %and3A_1224 = arith.andi %ne3A_1220, %ne3A_1223 : i1
    %sub3A_1225 = arith.constant 1 : i32
    %sub3A_1226 = arith.subi %div3A_1205, %sub3A_1225 : i32
    %select_n3A_1227 = arith.select %and3A_1224, %sub3A_1226, %div3A_1205 : i32
    %mul3A_1228 = arith.constant 128 : i32
    %mul3A_1229 = arith.muli %select_n3A_1227, %mul3A_1228 : i32
    %dma_start3A_1230 = arith.constant 25 : i32
    %dma_start3A_1231 = arith.constant 0 : i32
    %dma_start3A_1232 = tpu.memref_slice %arg15[%dma_start3A_1230, %dma_start3A_1231] : memref<32x34560xf32, #tpu.memory_space<vmem>> -> memref<1x34560xf32, #tpu.memory_space<vmem>>
    %dma_start3A_1233 = arith.constant 25 : i32
    %dma_start3A_1234 = tpu.memref_slice %arg3[%dma_start3A_1233, %mul3A_1229] : memref<32x1000000xf32, #tpu.memory_space<any>> -> memref<1x34560xf32, #tpu.memory_space<any>>
    tpu.enqueue_dma source(%dma_start3A_1234 : memref<1x34560xf32, #tpu.memory_space<any>>) target(%dma_start3A_1232 : memref<1x34560xf32, #tpu.memory_space<vmem>>) target_semaphore(%arg16 : memref<!tpu.dma_semaphore, #tpu.memory_space<semaphore_mem>>)
    %get3A_1235 = arith.constant 26 : index
    %get3A_1236 = memref.load %arg1[%get3A_1235] : memref<32xi32, #tpu.memory_space<smem>>
    %mul3A_1237 = arith.constant 65536 : i32
    %mul3A_1238 = arith.muli %get3A_1236, %mul3A_1237 : i32
    %dma_start3A_1239 = arith.constant 26 : i32
    %dma_start3A_1240 = arith.constant 0 : i32
    %dma_start3A_1241 = tpu.memref_slice %arg14[%dma_start3A_1239, %dma_start3A_1240] : memref<32x65536xf32, #tpu.memory_space<vmem>> -> memref<1x65536xf32, #tpu.memory_space<vmem>>
    %dma_start3A_1242 = arith.constant 26 : i32
    %dma_start3A_1243 = tpu.memref_slice %arg3[%dma_start3A_1242, %mul3A_1238] : memref<32x1000000xf32, #tpu.memory_space<any>> -> memref<1x65536xf32, #tpu.memory_space<any>>
    tpu.enqueue_dma source(%dma_start3A_1243 : memref<1x65536xf32, #tpu.memory_space<any>>) target(%dma_start3A_1241 : memref<1x65536xf32, #tpu.memory_space<vmem>>) target_semaphore(%arg16 : memref<!tpu.dma_semaphore, #tpu.memory_space<semaphore_mem>>)
    %get3A_1244 = arith.constant 26 : index
    %get3A_1245 = memref.load %arg2[%get3A_1244] : memref<32xi32, #tpu.memory_space<smem>>
    %min3A_1246 = arith.constant 8 : i32
    %min3A_1247 = arith.minsi %get3A_1245, %min3A_1246 : i32
    %mul3A_1248 = arith.constant 34464 : i32
    %mul3A_1249 = arith.muli %min3A_1247, %mul3A_1248 : i32
    %add3A_1250 = arith.constant 655360 : i32
    %add3A_1251 = arith.addi %add3A_1250, %mul3A_1249 : i32
    %jit3A_1252 = arith.constant 128 : i32
    %div3A_1253 = arith.divsi %add3A_1251, %jit3A_1252 : i32
    %sign3A_1254 = arith.constant 0 : i32
    %sign3A_1255 = arith.cmpi sgt, %add3A_1251, %sign3A_1254 : i32
    %sign3A_1256 = arith.extui %sign3A_1255 : i1 to i32
    %sign3A_1257 = arith.constant 0 : i32
    %sign3A_1258 = arith.cmpi slt, %add3A_1251, %sign3A_1257 : i32
    %sign3A_1259 = arith.extui %sign3A_1258 : i1 to i32
    %sign3A_1260 = arith.subi %sign3A_1256, %sign3A_1259 : i32
    %sign3A_1261 = arith.constant 0 : i32
    %sign3A_1262 = arith.cmpi sgt, %jit3A_1252, %sign3A_1261 : i32
    %sign3A_1263 = arith.extui %sign3A_1262 : i1 to i32
    %sign3A_1264 = arith.constant 0 : i32
    %sign3A_1265 = arith.cmpi slt, %jit3A_1252, %sign3A_1264 : i32
    %sign3A_1266 = arith.extui %sign3A_1265 : i1 to i32
    %sign3A_1267 = arith.subi %sign3A_1263, %sign3A_1266 : i32
    %ne3A_1268 = arith.cmpi ne, %sign3A_1260, %sign3A_1267 : i32
    %rem3A_1269 = arith.remsi %add3A_1251, %jit3A_1252 : i32
    %ne3A_1270 = arith.constant 0 : i32
    %ne3A_1271 = arith.cmpi ne, %rem3A_1269, %ne3A_1270 : i32
    %and3A_1272 = arith.andi %ne3A_1268, %ne3A_1271 : i1
    %sub3A_1273 = arith.constant 1 : i32
    %sub3A_1274 = arith.subi %div3A_1253, %sub3A_1273 : i32
    %select_n3A_1275 = arith.select %and3A_1272, %sub3A_1274, %div3A_1253 : i32
    %mul3A_1276 = arith.constant 128 : i32
    %mul3A_1277 = arith.muli %select_n3A_1275, %mul3A_1276 : i32
    %dma_start3A_1278 = arith.constant 26 : i32
    %dma_start3A_1279 = arith.constant 0 : i32
    %dma_start3A_1280 = tpu.memref_slice %arg15[%dma_start3A_1278, %dma_start3A_1279] : memref<32x34560xf32, #tpu.memory_space<vmem>> -> memref<1x34560xf32, #tpu.memory_space<vmem>>
    %dma_start3A_1281 = arith.constant 26 : i32
    %dma_start3A_1282 = tpu.memref_slice %arg3[%dma_start3A_1281, %mul3A_1277] : memref<32x1000000xf32, #tpu.memory_space<any>> -> memref<1x34560xf32, #tpu.memory_space<any>>
    tpu.enqueue_dma source(%dma_start3A_1282 : memref<1x34560xf32, #tpu.memory_space<any>>) target(%dma_start3A_1280 : memref<1x34560xf32, #tpu.memory_space<vmem>>) target_semaphore(%arg16 : memref<!tpu.dma_semaphore, #tpu.memory_space<semaphore_mem>>)
    %get3A_1283 = arith.constant 27 : index
    %get3A_1284 = memref.load %arg1[%get3A_1283] : memref<32xi32, #tpu.memory_space<smem>>
    %mul3A_1285 = arith.constant 65536 : i32
    %mul3A_1286 = arith.muli %get3A_1284, %mul3A_1285 : i32
    %dma_start3A_1287 = arith.constant 27 : i32
    %dma_start3A_1288 = arith.constant 0 : i32
    %dma_start3A_1289 = tpu.memref_slice %arg14[%dma_start3A_1287, %dma_start3A_1288] : memref<32x65536xf32, #tpu.memory_space<vmem>> -> memref<1x65536xf32, #tpu.memory_space<vmem>>
    %dma_start3A_1290 = arith.constant 27 : i32
    %dma_start3A_1291 = tpu.memref_slice %arg3[%dma_start3A_1290, %mul3A_1286] : memref<32x1000000xf32, #tpu.memory_space<any>> -> memref<1x65536xf32, #tpu.memory_space<any>>
    tpu.enqueue_dma source(%dma_start3A_1291 : memref<1x65536xf32, #tpu.memory_space<any>>) target(%dma_start3A_1289 : memref<1x65536xf32, #tpu.memory_space<vmem>>) target_semaphore(%arg16 : memref<!tpu.dma_semaphore, #tpu.memory_space<semaphore_mem>>)
    %get3A_1292 = arith.constant 27 : index
    %get3A_1293 = memref.load %arg2[%get3A_1292] : memref<32xi32, #tpu.memory_space<smem>>
    %min3A_1294 = arith.constant 8 : i32
    %min3A_1295 = arith.minsi %get3A_1293, %min3A_1294 : i32
    %mul3A_1296 = arith.constant 34464 : i32
    %mul3A_1297 = arith.muli %min3A_1295, %mul3A_1296 : i32
    %add3A_1298 = arith.constant 655360 : i32
    %add3A_1299 = arith.addi %add3A_1298, %mul3A_1297 : i32
    %jit3A_1300 = arith.constant 128 : i32
    %div3A_1301 = arith.divsi %add3A_1299, %jit3A_1300 : i32
    %sign3A_1302 = arith.constant 0 : i32
    %sign3A_1303 = arith.cmpi sgt, %add3A_1299, %sign3A_1302 : i32
    %sign3A_1304 = arith.extui %sign3A_1303 : i1 to i32
    %sign3A_1305 = arith.constant 0 : i32
    %sign3A_1306 = arith.cmpi slt, %add3A_1299, %sign3A_1305 : i32
    %sign3A_1307 = arith.extui %sign3A_1306 : i1 to i32
    %sign3A_1308 = arith.subi %sign3A_1304, %sign3A_1307 : i32
    %sign3A_1309 = arith.constant 0 : i32
    %sign3A_1310 = arith.cmpi sgt, %jit3A_1300, %sign3A_1309 : i32
    %sign3A_1311 = arith.extui %sign3A_1310 : i1 to i32
    %sign3A_1312 = arith.constant 0 : i32
    %sign3A_1313 = arith.cmpi slt, %jit3A_1300, %sign3A_1312 : i32
    %sign3A_1314 = arith.extui %sign3A_1313 : i1 to i32
    %sign3A_1315 = arith.subi %sign3A_1311, %sign3A_1314 : i32
    %ne3A_1316 = arith.cmpi ne, %sign3A_1308, %sign3A_1315 : i32
    %rem3A_1317 = arith.remsi %add3A_1299, %jit3A_1300 : i32
    %ne3A_1318 = arith.constant 0 : i32
    %ne3A_1319 = arith.cmpi ne, %rem3A_1317, %ne3A_1318 : i32
    %and3A_1320 = arith.andi %ne3A_1316, %ne3A_1319 : i1
    %sub3A_1321 = arith.constant 1 : i32
    %sub3A_1322 = arith.subi %div3A_1301, %sub3A_1321 : i32
    %select_n3A_1323 = arith.select %and3A_1320, %sub3A_1322, %div3A_1301 : i32
    %mul3A_1324 = arith.constant 128 : i32
    %mul3A_1325 = arith.muli %select_n3A_1323, %mul3A_1324 : i32
    %dma_start3A_1326 = arith.constant 27 : i32
    %dma_start3A_1327 = arith.constant 0 : i32
    %dma_start3A_1328 = tpu.memref_slice %arg15[%dma_start3A_1326, %dma_start3A_1327] : memref<32x34560xf32, #tpu.memory_space<vmem>> -> memref<1x34560xf32, #tpu.memory_space<vmem>>
    %dma_start3A_1329 = arith.constant 27 : i32
    %dma_start3A_1330 = tpu.memref_slice %arg3[%dma_start3A_1329, %mul3A_1325] : memref<32x1000000xf32, #tpu.memory_space<any>> -> memref<1x34560xf32, #tpu.memory_space<any>>
    tpu.enqueue_dma source(%dma_start3A_1330 : memref<1x34560xf32, #tpu.memory_space<any>>) target(%dma_start3A_1328 : memref<1x34560xf32, #tpu.memory_space<vmem>>) target_semaphore(%arg16 : memref<!tpu.dma_semaphore, #tpu.memory_space<semaphore_mem>>)
    %get3A_1331 = arith.constant 28 : index
    %get3A_1332 = memref.load %arg1[%get3A_1331] : memref<32xi32, #tpu.memory_space<smem>>
    %mul3A_1333 = arith.constant 65536 : i32
    %mul3A_1334 = arith.muli %get3A_1332, %mul3A_1333 : i32
    %dma_start3A_1335 = arith.constant 28 : i32
    %dma_start3A_1336 = arith.constant 0 : i32
    %dma_start3A_1337 = tpu.memref_slice %arg14[%dma_start3A_1335, %dma_start3A_1336] : memref<32x65536xf32, #tpu.memory_space<vmem>> -> memref<1x65536xf32, #tpu.memory_space<vmem>>
    %dma_start3A_1338 = arith.constant 28 : i32
    %dma_start3A_1339 = tpu.memref_slice %arg3[%dma_start3A_1338, %mul3A_1334] : memref<32x1000000xf32, #tpu.memory_space<any>> -> memref<1x65536xf32, #tpu.memory_space<any>>
    tpu.enqueue_dma source(%dma_start3A_1339 : memref<1x65536xf32, #tpu.memory_space<any>>) target(%dma_start3A_1337 : memref<1x65536xf32, #tpu.memory_space<vmem>>) target_semaphore(%arg16 : memref<!tpu.dma_semaphore, #tpu.memory_space<semaphore_mem>>)
    %get3A_1340 = arith.constant 28 : index
    %get3A_1341 = memref.load %arg2[%get3A_1340] : memref<32xi32, #tpu.memory_space<smem>>
    %min3A_1342 = arith.constant 8 : i32
    %min3A_1343 = arith.minsi %get3A_1341, %min3A_1342 : i32
    %mul3A_1344 = arith.constant 34464 : i32
    %mul3A_1345 = arith.muli %min3A_1343, %mul3A_1344 : i32
    %add3A_1346 = arith.constant 655360 : i32
    %add3A_1347 = arith.addi %add3A_1346, %mul3A_1345 : i32
    %jit3A_1348 = arith.constant 128 : i32
    %div3A_1349 = arith.divsi %add3A_1347, %jit3A_1348 : i32
    %sign3A_1350 = arith.constant 0 : i32
    %sign3A_1351 = arith.cmpi sgt, %add3A_1347, %sign3A_1350 : i32
    %sign3A_1352 = arith.extui %sign3A_1351 : i1 to i32
    %sign3A_1353 = arith.constant 0 : i32
    %sign3A_1354 = arith.cmpi slt, %add3A_1347, %sign3A_1353 : i32
    %sign3A_1355 = arith.extui %sign3A_1354 : i1 to i32
    %sign3A_1356 = arith.subi %sign3A_1352, %sign3A_1355 : i32
    %sign3A_1357 = arith.constant 0 : i32
    %sign3A_1358 = arith.cmpi sgt, %jit3A_1348, %sign3A_1357 : i32
    %sign3A_1359 = arith.extui %sign3A_1358 : i1 to i32
    %sign3A_1360 = arith.constant 0 : i32
    %sign3A_1361 = arith.cmpi slt, %jit3A_1348, %sign3A_1360 : i32
    %sign3A_1362 = arith.extui %sign3A_1361 : i1 to i32
    %sign3A_1363 = arith.subi %sign3A_1359, %sign3A_1362 : i32
    %ne3A_1364 = arith.cmpi ne, %sign3A_1356, %sign3A_1363 : i32
    %rem3A_1365 = arith.remsi %add3A_1347, %jit3A_1348 : i32
    %ne3A_1366 = arith.constant 0 : i32
    %ne3A_1367 = arith.cmpi ne, %rem3A_1365, %ne3A_1366 : i32
    %and3A_1368 = arith.andi %ne3A_1364, %ne3A_1367 : i1
    %sub3A_1369 = arith.constant 1 : i32
    %sub3A_1370 = arith.subi %div3A_1349, %sub3A_1369 : i32
    %select_n3A_1371 = arith.select %and3A_1368, %sub3A_1370, %div3A_1349 : i32
    %mul3A_1372 = arith.constant 128 : i32
    %mul3A_1373 = arith.muli %select_n3A_1371, %mul3A_1372 : i32
    %dma_start3A_1374 = arith.constant 28 : i32
    %dma_start3A_1375 = arith.constant 0 : i32
    %dma_start3A_1376 = tpu.memref_slice %arg15[%dma_start3A_1374, %dma_start3A_1375] : memref<32x34560xf32, #tpu.memory_space<vmem>> -> memref<1x34560xf32, #tpu.memory_space<vmem>>
    %dma_start3A_1377 = arith.constant 28 : i32
    %dma_start3A_1378 = tpu.memref_slice %arg3[%dma_start3A_1377, %mul3A_1373] : memref<32x1000000xf32, #tpu.memory_space<any>> -> memref<1x34560xf32, #tpu.memory_space<any>>
    tpu.enqueue_dma source(%dma_start3A_1378 : memref<1x34560xf32, #tpu.memory_space<any>>) target(%dma_start3A_1376 : memref<1x34560xf32, #tpu.memory_space<vmem>>) target_semaphore(%arg16 : memref<!tpu.dma_semaphore, #tpu.memory_space<semaphore_mem>>)
    %get3A_1379 = arith.constant 29 : index
    %get3A_1380 = memref.load %arg1[%get3A_1379] : memref<32xi32, #tpu.memory_space<smem>>
    %mul3A_1381 = arith.constant 65536 : i32
    %mul3A_1382 = arith.muli %get3A_1380, %mul3A_1381 : i32
    %dma_start3A_1383 = arith.constant 29 : i32
    %dma_start3A_1384 = arith.constant 0 : i32
    %dma_start3A_1385 = tpu.memref_slice %arg14[%dma_start3A_1383, %dma_start3A_1384] : memref<32x65536xf32, #tpu.memory_space<vmem>> -> memref<1x65536xf32, #tpu.memory_space<vmem>>
    %dma_start3A_1386 = arith.constant 29 : i32
    %dma_start3A_1387 = tpu.memref_slice %arg3[%dma_start3A_1386, %mul3A_1382] : memref<32x1000000xf32, #tpu.memory_space<any>> -> memref<1x65536xf32, #tpu.memory_space<any>>
    tpu.enqueue_dma source(%dma_start3A_1387 : memref<1x65536xf32, #tpu.memory_space<any>>) target(%dma_start3A_1385 : memref<1x65536xf32, #tpu.memory_space<vmem>>) target_semaphore(%arg16 : memref<!tpu.dma_semaphore, #tpu.memory_space<semaphore_mem>>)
    %get3A_1388 = arith.constant 29 : index
    %get3A_1389 = memref.load %arg2[%get3A_1388] : memref<32xi32, #tpu.memory_space<smem>>
    %min3A_1390 = arith.constant 8 : i32
    %min3A_1391 = arith.minsi %get3A_1389, %min3A_1390 : i32
    %mul3A_1392 = arith.constant 34464 : i32
    %mul3A_1393 = arith.muli %min3A_1391, %mul3A_1392 : i32
    %add3A_1394 = arith.constant 655360 : i32
    %add3A_1395 = arith.addi %add3A_1394, %mul3A_1393 : i32
    %jit3A_1396 = arith.constant 128 : i32
    %div3A_1397 = arith.divsi %add3A_1395, %jit3A_1396 : i32
    %sign3A_1398 = arith.constant 0 : i32
    %sign3A_1399 = arith.cmpi sgt, %add3A_1395, %sign3A_1398 : i32
    %sign3A_1400 = arith.extui %sign3A_1399 : i1 to i32
    %sign3A_1401 = arith.constant 0 : i32
    %sign3A_1402 = arith.cmpi slt, %add3A_1395, %sign3A_1401 : i32
    %sign3A_1403 = arith.extui %sign3A_1402 : i1 to i32
    %sign3A_1404 = arith.subi %sign3A_1400, %sign3A_1403 : i32
    %sign3A_1405 = arith.constant 0 : i32
    %sign3A_1406 = arith.cmpi sgt, %jit3A_1396, %sign3A_1405 : i32
    %sign3A_1407 = arith.extui %sign3A_1406 : i1 to i32
    %sign3A_1408 = arith.constant 0 : i32
    %sign3A_1409 = arith.cmpi slt, %jit3A_1396, %sign3A_1408 : i32
    %sign3A_1410 = arith.extui %sign3A_1409 : i1 to i32
    %sign3A_1411 = arith.subi %sign3A_1407, %sign3A_1410 : i32
    %ne3A_1412 = arith.cmpi ne, %sign3A_1404, %sign3A_1411 : i32
    %rem3A_1413 = arith.remsi %add3A_1395, %jit3A_1396 : i32
    %ne3A_1414 = arith.constant 0 : i32
    %ne3A_1415 = arith.cmpi ne, %rem3A_1413, %ne3A_1414 : i32
    %and3A_1416 = arith.andi %ne3A_1412, %ne3A_1415 : i1
    %sub3A_1417 = arith.constant 1 : i32
    %sub3A_1418 = arith.subi %div3A_1397, %sub3A_1417 : i32
    %select_n3A_1419 = arith.select %and3A_1416, %sub3A_1418, %div3A_1397 : i32
    %mul3A_1420 = arith.constant 128 : i32
    %mul3A_1421 = arith.muli %select_n3A_1419, %mul3A_1420 : i32
    %dma_start3A_1422 = arith.constant 29 : i32
    %dma_start3A_1423 = arith.constant 0 : i32
    %dma_start3A_1424 = tpu.memref_slice %arg15[%dma_start3A_1422, %dma_start3A_1423] : memref<32x34560xf32, #tpu.memory_space<vmem>> -> memref<1x34560xf32, #tpu.memory_space<vmem>>
    %dma_start3A_1425 = arith.constant 29 : i32
    %dma_start3A_1426 = tpu.memref_slice %arg3[%dma_start3A_1425, %mul3A_1421] : memref<32x1000000xf32, #tpu.memory_space<any>> -> memref<1x34560xf32, #tpu.memory_space<any>>
    tpu.enqueue_dma source(%dma_start3A_1426 : memref<1x34560xf32, #tpu.memory_space<any>>) target(%dma_start3A_1424 : memref<1x34560xf32, #tpu.memory_space<vmem>>) target_semaphore(%arg16 : memref<!tpu.dma_semaphore, #tpu.memory_space<semaphore_mem>>)
    %get3A_1427 = arith.constant 30 : index
    %get3A_1428 = memref.load %arg1[%get3A_1427] : memref<32xi32, #tpu.memory_space<smem>>
    %mul3A_1429 = arith.constant 65536 : i32
    %mul3A_1430 = arith.muli %get3A_1428, %mul3A_1429 : i32
    %dma_start3A_1431 = arith.constant 30 : i32
    %dma_start3A_1432 = arith.constant 0 : i32
    %dma_start3A_1433 = tpu.memref_slice %arg14[%dma_start3A_1431, %dma_start3A_1432] : memref<32x65536xf32, #tpu.memory_space<vmem>> -> memref<1x65536xf32, #tpu.memory_space<vmem>>
    %dma_start3A_1434 = arith.constant 30 : i32
    %dma_start3A_1435 = tpu.memref_slice %arg3[%dma_start3A_1434, %mul3A_1430] : memref<32x1000000xf32, #tpu.memory_space<any>> -> memref<1x65536xf32, #tpu.memory_space<any>>
    tpu.enqueue_dma source(%dma_start3A_1435 : memref<1x65536xf32, #tpu.memory_space<any>>) target(%dma_start3A_1433 : memref<1x65536xf32, #tpu.memory_space<vmem>>) target_semaphore(%arg16 : memref<!tpu.dma_semaphore, #tpu.memory_space<semaphore_mem>>)
    %get3A_1436 = arith.constant 30 : index
    %get3A_1437 = memref.load %arg2[%get3A_1436] : memref<32xi32, #tpu.memory_space<smem>>
    %min3A_1438 = arith.constant 8 : i32
    %min3A_1439 = arith.minsi %get3A_1437, %min3A_1438 : i32
    %mul3A_1440 = arith.constant 34464 : i32
    %mul3A_1441 = arith.muli %min3A_1439, %mul3A_1440 : i32
    %add3A_1442 = arith.constant 655360 : i32
    %add3A_1443 = arith.addi %add3A_1442, %mul3A_1441 : i32
    %jit3A_1444 = arith.constant 128 : i32
    %div3A_1445 = arith.divsi %add3A_1443, %jit3A_1444 : i32
    %sign3A_1446 = arith.constant 0 : i32
    %sign3A_1447 = arith.cmpi sgt, %add3A_1443, %sign3A_1446 : i32
    %sign3A_1448 = arith.extui %sign3A_1447 : i1 to i32
    %sign3A_1449 = arith.constant 0 : i32
    %sign3A_1450 = arith.cmpi slt, %add3A_1443, %sign3A_1449 : i32
    %sign3A_1451 = arith.extui %sign3A_1450 : i1 to i32
    %sign3A_1452 = arith.subi %sign3A_1448, %sign3A_1451 : i32
    %sign3A_1453 = arith.constant 0 : i32
    %sign3A_1454 = arith.cmpi sgt, %jit3A_1444, %sign3A_1453 : i32
    %sign3A_1455 = arith.extui %sign3A_1454 : i1 to i32
    %sign3A_1456 = arith.constant 0 : i32
    %sign3A_1457 = arith.cmpi slt, %jit3A_1444, %sign3A_1456 : i32
    %sign3A_1458 = arith.extui %sign3A_1457 : i1 to i32
    %sign3A_1459 = arith.subi %sign3A_1455, %sign3A_1458 : i32
    %ne3A_1460 = arith.cmpi ne, %sign3A_1452, %sign3A_1459 : i32
    %rem3A_1461 = arith.remsi %add3A_1443, %jit3A_1444 : i32
    %ne3A_1462 = arith.constant 0 : i32
    %ne3A_1463 = arith.cmpi ne, %rem3A_1461, %ne3A_1462 : i32
    %and3A_1464 = arith.andi %ne3A_1460, %ne3A_1463 : i1
    %sub3A_1465 = arith.constant 1 : i32
    %sub3A_1466 = arith.subi %div3A_1445, %sub3A_1465 : i32
    %select_n3A_1467 = arith.select %and3A_1464, %sub3A_1466, %div3A_1445 : i32
    %mul3A_1468 = arith.constant 128 : i32
    %mul3A_1469 = arith.muli %select_n3A_1467, %mul3A_1468 : i32
    %dma_start3A_1470 = arith.constant 30 : i32
    %dma_start3A_1471 = arith.constant 0 : i32
    %dma_start3A_1472 = tpu.memref_slice %arg15[%dma_start3A_1470, %dma_start3A_1471] : memref<32x34560xf32, #tpu.memory_space<vmem>> -> memref<1x34560xf32, #tpu.memory_space<vmem>>
    %dma_start3A_1473 = arith.constant 30 : i32
    %dma_start3A_1474 = tpu.memref_slice %arg3[%dma_start3A_1473, %mul3A_1469] : memref<32x1000000xf32, #tpu.memory_space<any>> -> memref<1x34560xf32, #tpu.memory_space<any>>
    tpu.enqueue_dma source(%dma_start3A_1474 : memref<1x34560xf32, #tpu.memory_space<any>>) target(%dma_start3A_1472 : memref<1x34560xf32, #tpu.memory_space<vmem>>) target_semaphore(%arg16 : memref<!tpu.dma_semaphore, #tpu.memory_space<semaphore_mem>>)
    %get3A_1475 = arith.constant 31 : index
    %get3A_1476 = memref.load %arg1[%get3A_1475] : memref<32xi32, #tpu.memory_space<smem>>
    %mul3A_1477 = arith.constant 65536 : i32
    %mul3A_1478 = arith.muli %get3A_1476, %mul3A_1477 : i32
    %dma_start3A_1479 = arith.constant 31 : i32
    %dma_start3A_1480 = arith.constant 0 : i32
    %dma_start3A_1481 = tpu.memref_slice %arg14[%dma_start3A_1479, %dma_start3A_1480] : memref<32x65536xf32, #tpu.memory_space<vmem>> -> memref<1x65536xf32, #tpu.memory_space<vmem>>
    %dma_start3A_1482 = arith.constant 31 : i32
    %dma_start3A_1483 = tpu.memref_slice %arg3[%dma_start3A_1482, %mul3A_1478] : memref<32x1000000xf32, #tpu.memory_space<any>> -> memref<1x65536xf32, #tpu.memory_space<any>>
    tpu.enqueue_dma source(%dma_start3A_1483 : memref<1x65536xf32, #tpu.memory_space<any>>) target(%dma_start3A_1481 : memref<1x65536xf32, #tpu.memory_space<vmem>>) target_semaphore(%arg16 : memref<!tpu.dma_semaphore, #tpu.memory_space<semaphore_mem>>)
    %get3A_1484 = arith.constant 31 : index
    %get3A_1485 = memref.load %arg2[%get3A_1484] : memref<32xi32, #tpu.memory_space<smem>>
    %min3A_1486 = arith.constant 8 : i32
    %min3A_1487 = arith.minsi %get3A_1485, %min3A_1486 : i32
    %mul3A_1488 = arith.constant 34464 : i32
    %mul3A_1489 = arith.muli %min3A_1487, %mul3A_1488 : i32
    %add3A_1490 = arith.constant 655360 : i32
    %add3A_1491 = arith.addi %add3A_1490, %mul3A_1489 : i32
    %jit3A_1492 = arith.constant 128 : i32
    %div3A_1493 = arith.divsi %add3A_1491, %jit3A_1492 : i32
    %sign3A_1494 = arith.constant 0 : i32
    %sign3A_1495 = arith.cmpi sgt, %add3A_1491, %sign3A_1494 : i32
    %sign3A_1496 = arith.extui %sign3A_1495 : i1 to i32
    %sign3A_1497 = arith.constant 0 : i32
    %sign3A_1498 = arith.cmpi slt, %add3A_1491, %sign3A_1497 : i32
    %sign3A_1499 = arith.extui %sign3A_1498 : i1 to i32
    %sign3A_1500 = arith.subi %sign3A_1496, %sign3A_1499 : i32
    %sign3A_1501 = arith.constant 0 : i32
    %sign3A_1502 = arith.cmpi sgt, %jit3A_1492, %sign3A_1501 : i32
    %sign3A_1503 = arith.extui %sign3A_1502 : i1 to i32
    %sign3A_1504 = arith.constant 0 : i32
    %sign3A_1505 = arith.cmpi slt, %jit3A_1492, %sign3A_1504 : i32
    %sign3A_1506 = arith.extui %sign3A_1505 : i1 to i32
    %sign3A_1507 = arith.subi %sign3A_1503, %sign3A_1506 : i32
    %ne3A_1508 = arith.cmpi ne, %sign3A_1500, %sign3A_1507 : i32
    %rem3A_1509 = arith.remsi %add3A_1491, %jit3A_1492 : i32
    %ne3A_1510 = arith.constant 0 : i32
    %ne3A_1511 = arith.cmpi ne, %rem3A_1509, %ne3A_1510 : i32
    %and3A_1512 = arith.andi %ne3A_1508, %ne3A_1511 : i1
    %sub3A_1513 = arith.constant 1 : i32
    %sub3A_1514 = arith.subi %div3A_1493, %sub3A_1513 : i32
    %select_n3A_1515 = arith.select %and3A_1512, %sub3A_1514, %div3A_1493 : i32
    %mul3A_1516 = arith.constant 128 : i32
    %mul3A_1517 = arith.muli %select_n3A_1515, %mul3A_1516 : i32
    %dma_start3A_1518 = arith.constant 31 : i32
    %dma_start3A_1519 = arith.constant 0 : i32
    %dma_start3A_1520 = tpu.memref_slice %arg15[%dma_start3A_1518, %dma_start3A_1519] : memref<32x34560xf32, #tpu.memory_space<vmem>> -> memref<1x34560xf32, #tpu.memory_space<vmem>>
    %dma_start3A_1521 = arith.constant 31 : i32
    %dma_start3A_1522 = tpu.memref_slice %arg3[%dma_start3A_1521, %mul3A_1517] : memref<32x1000000xf32, #tpu.memory_space<any>> -> memref<1x34560xf32, #tpu.memory_space<any>>
    tpu.enqueue_dma source(%dma_start3A_1522 : memref<1x34560xf32, #tpu.memory_space<any>>) target(%dma_start3A_1520 : memref<1x34560xf32, #tpu.memory_space<vmem>>) target_semaphore(%arg16 : memref<!tpu.dma_semaphore, #tpu.memory_space<semaphore_mem>>)
    %dma_wait3A = arith.constant 0 : i32
    %dma_wait3A_1523 = arith.constant 0 : i32
    %dma_wait3A_1524 = tpu.memref_slice %arg14[%dma_wait3A, %dma_wait3A_1523] : memref<32x65536xf32, #tpu.memory_space<vmem>> -> memref<1x65536xf32, #tpu.memory_space<vmem>>
    %dma_wait3A_1525 = arith.constant 0 : i32
    %dma_wait3A_1526 = tpu.memref_slice %arg3[%dma_wait3A_1525, %mul3A_1] : memref<32x1000000xf32, #tpu.memory_space<any>> -> memref<1x65536xf32, #tpu.memory_space<any>>
    tpu.wait_dma2 semaphore(%arg16 : memref<!tpu.dma_semaphore, #tpu.memory_space<semaphore_mem>>) src(%dma_wait3A_1526 : memref<1x65536xf32, #tpu.memory_space<any>>) dst(%dma_wait3A_1524 : memref<1x65536xf32, #tpu.memory_space<vmem>>)
    %dma_wait3A_1527 = arith.constant 0 : i32
    %dma_wait3A_1528 = arith.constant 0 : i32
    %dma_wait3A_1529 = tpu.memref_slice %arg15[%dma_wait3A_1527, %dma_wait3A_1528] : memref<32x34560xf32, #tpu.memory_space<vmem>> -> memref<1x34560xf32, #tpu.memory_space<vmem>>
    %dma_wait3A_1530 = arith.constant 0 : i32
    %dma_wait3A_1531 = tpu.memref_slice %arg3[%dma_wait3A_1530, %mul3A_29] : memref<32x1000000xf32, #tpu.memory_space<any>> -> memref<1x34560xf32, #tpu.memory_space<any>>
    tpu.wait_dma2 semaphore(%arg16 : memref<!tpu.dma_semaphore, #tpu.memory_space<semaphore_mem>>) src(%dma_wait3A_1531 : memref<1x34560xf32, #tpu.memory_space<any>>) dst(%dma_wait3A_1529 : memref<1x34560xf32, #tpu.memory_space<vmem>>)
    %dma_wait3A_1532 = arith.constant 1 : i32
    %dma_wait3A_1533 = arith.constant 0 : i32
    %dma_wait3A_1534 = tpu.memref_slice %arg14[%dma_wait3A_1532, %dma_wait3A_1533] : memref<32x65536xf32, #tpu.memory_space<vmem>> -> memref<1x65536xf32, #tpu.memory_space<vmem>>
    %dma_wait3A_1535 = arith.constant 1 : i32
    %dma_wait3A_1536 = tpu.memref_slice %arg3[%dma_wait3A_1535, %mul3A_38] : memref<32x1000000xf32, #tpu.memory_space<any>> -> memref<1x65536xf32, #tpu.memory_space<any>>
    tpu.wait_dma2 semaphore(%arg16 : memref<!tpu.dma_semaphore, #tpu.memory_space<semaphore_mem>>) src(%dma_wait3A_1536 : memref<1x65536xf32, #tpu.memory_space<any>>) dst(%dma_wait3A_1534 : memref<1x65536xf32, #tpu.memory_space<vmem>>)
    %dma_wait3A_1537 = arith.constant 1 : i32
    %dma_wait3A_1538 = arith.constant 0 : i32
    %dma_wait3A_1539 = tpu.memref_slice %arg15[%dma_wait3A_1537, %dma_wait3A_1538] : memref<32x34560xf32, #tpu.memory_space<vmem>> -> memref<1x34560xf32, #tpu.memory_space<vmem>>
    %dma_wait3A_1540 = arith.constant 1 : i32
    %dma_wait3A_1541 = tpu.memref_slice %arg3[%dma_wait3A_1540, %mul3A_77] : memref<32x1000000xf32, #tpu.memory_space<any>> -> memref<1x34560xf32, #tpu.memory_space<any>>
    tpu.wait_dma2 semaphore(%arg16 : memref<!tpu.dma_semaphore, #tpu.memory_space<semaphore_mem>>) src(%dma_wait3A_1541 : memref<1x34560xf32, #tpu.memory_space<any>>) dst(%dma_wait3A_1539 : memref<1x34560xf32, #tpu.memory_space<vmem>>)
    %dma_wait3A_1542 = arith.constant 2 : i32
    %dma_wait3A_1543 = arith.constant 0 : i32
    %dma_wait3A_1544 = tpu.memref_slice %arg14[%dma_wait3A_1542, %dma_wait3A_1543] : memref<32x65536xf32, #tpu.memory_space<vmem>> -> memref<1x65536xf32, #tpu.memory_space<vmem>>
    %dma_wait3A_1545 = arith.constant 2 : i32
    %dma_wait3A_1546 = tpu.memref_slice %arg3[%dma_wait3A_1545, %mul3A_86] : memref<32x1000000xf32, #tpu.memory_space<any>> -> memref<1x65536xf32, #tpu.memory_space<any>>
    tpu.wait_dma2 semaphore(%arg16 : memref<!tpu.dma_semaphore, #tpu.memory_space<semaphore_mem>>) src(%dma_wait3A_1546 : memref<1x65536xf32, #tpu.memory_space<any>>) dst(%dma_wait3A_1544 : memref<1x65536xf32, #tpu.memory_space<vmem>>)
    %dma_wait3A_1547 = arith.constant 2 : i32
    %dma_wait3A_1548 = arith.constant 0 : i32
    %dma_wait3A_1549 = tpu.memref_slice %arg15[%dma_wait3A_1547, %dma_wait3A_1548] : memref<32x34560xf32, #tpu.memory_space<vmem>> -> memref<1x34560xf32, #tpu.memory_space<vmem>>
    %dma_wait3A_1550 = arith.constant 2 : i32
    %dma_wait3A_1551 = tpu.memref_slice %arg3[%dma_wait3A_1550, %mul3A_125] : memref<32x1000000xf32, #tpu.memory_space<any>> -> memref<1x34560xf32, #tpu.memory_space<any>>
    tpu.wait_dma2 semaphore(%arg16 : memref<!tpu.dma_semaphore, #tpu.memory_space<semaphore_mem>>) src(%dma_wait3A_1551 : memref<1x34560xf32, #tpu.memory_space<any>>) dst(%dma_wait3A_1549 : memref<1x34560xf32, #tpu.memory_space<vmem>>)
    %dma_wait3A_1552 = arith.constant 3 : i32
    %dma_wait3A_1553 = arith.constant 0 : i32
    %dma_wait3A_1554 = tpu.memref_slice %arg14[%dma_wait3A_1552, %dma_wait3A_1553] : memref<32x65536xf32, #tpu.memory_space<vmem>> -> memref<1x65536xf32, #tpu.memory_space<vmem>>
    %dma_wait3A_1555 = arith.constant 3 : i32
    %dma_wait3A_1556 = tpu.memref_slice %arg3[%dma_wait3A_1555, %mul3A_134] : memref<32x1000000xf32, #tpu.memory_space<any>> -> memref<1x65536xf32, #tpu.memory_space<any>>
    tpu.wait_dma2 semaphore(%arg16 : memref<!tpu.dma_semaphore, #tpu.memory_space<semaphore_mem>>) src(%dma_wait3A_1556 : memref<1x65536xf32, #tpu.memory_space<any>>) dst(%dma_wait3A_1554 : memref<1x65536xf32, #tpu.memory_space<vmem>>)
    %dma_wait3A_1557 = arith.constant 3 : i32
    %dma_wait3A_1558 = arith.constant 0 : i32
    %dma_wait3A_1559 = tpu.memref_slice %arg15[%dma_wait3A_1557, %dma_wait3A_1558] : memref<32x34560xf32, #tpu.memory_space<vmem>> -> memref<1x34560xf32, #tpu.memory_space<vmem>>
    %dma_wait3A_1560 = arith.constant 3 : i32
    %dma_wait3A_1561 = tpu.memref_slice %arg3[%dma_wait3A_1560, %mul3A_173] : memref<32x1000000xf32, #tpu.memory_space<any>> -> memref<1x34560xf32, #tpu.memory_space<any>>
    tpu.wait_dma2 semaphore(%arg16 : memref<!tpu.dma_semaphore, #tpu.memory_space<semaphore_mem>>) src(%dma_wait3A_1561 : memref<1x34560xf32, #tpu.memory_space<any>>) dst(%dma_wait3A_1559 : memref<1x34560xf32, #tpu.memory_space<vmem>>)
    %dma_wait3A_1562 = arith.constant 4 : i32
    %dma_wait3A_1563 = arith.constant 0 : i32
    %dma_wait3A_1564 = tpu.memref_slice %arg14[%dma_wait3A_1562, %dma_wait3A_1563] : memref<32x65536xf32, #tpu.memory_space<vmem>> -> memref<1x65536xf32, #tpu.memory_space<vmem>>
    %dma_wait3A_1565 = arith.constant 4 : i32
    %dma_wait3A_1566 = tpu.memref_slice %arg3[%dma_wait3A_1565, %mul3A_182] : memref<32x1000000xf32, #tpu.memory_space<any>> -> memref<1x65536xf32, #tpu.memory_space<any>>
    tpu.wait_dma2 semaphore(%arg16 : memref<!tpu.dma_semaphore, #tpu.memory_space<semaphore_mem>>) src(%dma_wait3A_1566 : memref<1x65536xf32, #tpu.memory_space<any>>) dst(%dma_wait3A_1564 : memref<1x65536xf32, #tpu.memory_space<vmem>>)
    %dma_wait3A_1567 = arith.constant 4 : i32
    %dma_wait3A_1568 = arith.constant 0 : i32
    %dma_wait3A_1569 = tpu.memref_slice %arg15[%dma_wait3A_1567, %dma_wait3A_1568] : memref<32x34560xf32, #tpu.memory_space<vmem>> -> memref<1x34560xf32, #tpu.memory_space<vmem>>
    %dma_wait3A_1570 = arith.constant 4 : i32
    %dma_wait3A_1571 = tpu.memref_slice %arg3[%dma_wait3A_1570, %mul3A_221] : memref<32x1000000xf32, #tpu.memory_space<any>> -> memref<1x34560xf32, #tpu.memory_space<any>>
    tpu.wait_dma2 semaphore(%arg16 : memref<!tpu.dma_semaphore, #tpu.memory_space<semaphore_mem>>) src(%dma_wait3A_1571 : memref<1x34560xf32, #tpu.memory_space<any>>) dst(%dma_wait3A_1569 : memref<1x34560xf32, #tpu.memory_space<vmem>>)
    %dma_wait3A_1572 = arith.constant 5 : i32
    %dma_wait3A_1573 = arith.constant 0 : i32
    %dma_wait3A_1574 = tpu.memref_slice %arg14[%dma_wait3A_1572, %dma_wait3A_1573] : memref<32x65536xf32, #tpu.memory_space<vmem>> -> memref<1x65536xf32, #tpu.memory_space<vmem>>
    %dma_wait3A_1575 = arith.constant 5 : i32
    %dma_wait3A_1576 = tpu.memref_slice %arg3[%dma_wait3A_1575, %mul3A_230] : memref<32x1000000xf32, #tpu.memory_space<any>> -> memref<1x65536xf32, #tpu.memory_space<any>>
    tpu.wait_dma2 semaphore(%arg16 : memref<!tpu.dma_semaphore, #tpu.memory_space<semaphore_mem>>) src(%dma_wait3A_1576 : memref<1x65536xf32, #tpu.memory_space<any>>) dst(%dma_wait3A_1574 : memref<1x65536xf32, #tpu.memory_space<vmem>>)
    %dma_wait3A_1577 = arith.constant 5 : i32
    %dma_wait3A_1578 = arith.constant 0 : i32
    %dma_wait3A_1579 = tpu.memref_slice %arg15[%dma_wait3A_1577, %dma_wait3A_1578] : memref<32x34560xf32, #tpu.memory_space<vmem>> -> memref<1x34560xf32, #tpu.memory_space<vmem>>
    %dma_wait3A_1580 = arith.constant 5 : i32
    %dma_wait3A_1581 = tpu.memref_slice %arg3[%dma_wait3A_1580, %mul3A_269] : memref<32x1000000xf32, #tpu.memory_space<any>> -> memref<1x34560xf32, #tpu.memory_space<any>>
    tpu.wait_dma2 semaphore(%arg16 : memref<!tpu.dma_semaphore, #tpu.memory_space<semaphore_mem>>) src(%dma_wait3A_1581 : memref<1x34560xf32, #tpu.memory_space<any>>) dst(%dma_wait3A_1579 : memref<1x34560xf32, #tpu.memory_space<vmem>>)
    %dma_wait3A_1582 = arith.constant 6 : i32
    %dma_wait3A_1583 = arith.constant 0 : i32
    %dma_wait3A_1584 = tpu.memref_slice %arg14[%dma_wait3A_1582, %dma_wait3A_1583] : memref<32x65536xf32, #tpu.memory_space<vmem>> -> memref<1x65536xf32, #tpu.memory_space<vmem>>
    %dma_wait3A_1585 = arith.constant 6 : i32
    %dma_wait3A_1586 = tpu.memref_slice %arg3[%dma_wait3A_1585, %mul3A_278] : memref<32x1000000xf32, #tpu.memory_space<any>> -> memref<1x65536xf32, #tpu.memory_space<any>>
    tpu.wait_dma2 semaphore(%arg16 : memref<!tpu.dma_semaphore, #tpu.memory_space<semaphore_mem>>) src(%dma_wait3A_1586 : memref<1x65536xf32, #tpu.memory_space<any>>) dst(%dma_wait3A_1584 : memref<1x65536xf32, #tpu.memory_space<vmem>>)
    %dma_wait3A_1587 = arith.constant 6 : i32
    %dma_wait3A_1588 = arith.constant 0 : i32
    %dma_wait3A_1589 = tpu.memref_slice %arg15[%dma_wait3A_1587, %dma_wait3A_1588] : memref<32x34560xf32, #tpu.memory_space<vmem>> -> memref<1x34560xf32, #tpu.memory_space<vmem>>
    %dma_wait3A_1590 = arith.constant 6 : i32
    %dma_wait3A_1591 = tpu.memref_slice %arg3[%dma_wait3A_1590, %mul3A_317] : memref<32x1000000xf32, #tpu.memory_space<any>> -> memref<1x34560xf32, #tpu.memory_space<any>>
    tpu.wait_dma2 semaphore(%arg16 : memref<!tpu.dma_semaphore, #tpu.memory_space<semaphore_mem>>) src(%dma_wait3A_1591 : memref<1x34560xf32, #tpu.memory_space<any>>) dst(%dma_wait3A_1589 : memref<1x34560xf32, #tpu.memory_space<vmem>>)
    %dma_wait3A_1592 = arith.constant 7 : i32
    %dma_wait3A_1593 = arith.constant 0 : i32
    %dma_wait3A_1594 = tpu.memref_slice %arg14[%dma_wait3A_1592, %dma_wait3A_1593] : memref<32x65536xf32, #tpu.memory_space<vmem>> -> memref<1x65536xf32, #tpu.memory_space<vmem>>
    %dma_wait3A_1595 = arith.constant 7 : i32
    %dma_wait3A_1596 = tpu.memref_slice %arg3[%dma_wait3A_1595, %mul3A_326] : memref<32x1000000xf32, #tpu.memory_space<any>> -> memref<1x65536xf32, #tpu.memory_space<any>>
    tpu.wait_dma2 semaphore(%arg16 : memref<!tpu.dma_semaphore, #tpu.memory_space<semaphore_mem>>) src(%dma_wait3A_1596 : memref<1x65536xf32, #tpu.memory_space<any>>) dst(%dma_wait3A_1594 : memref<1x65536xf32, #tpu.memory_space<vmem>>)
    %dma_wait3A_1597 = arith.constant 7 : i32
    %dma_wait3A_1598 = arith.constant 0 : i32
    %dma_wait3A_1599 = tpu.memref_slice %arg15[%dma_wait3A_1597, %dma_wait3A_1598] : memref<32x34560xf32, #tpu.memory_space<vmem>> -> memref<1x34560xf32, #tpu.memory_space<vmem>>
    %dma_wait3A_1600 = arith.constant 7 : i32
    %dma_wait3A_1601 = tpu.memref_slice %arg3[%dma_wait3A_1600, %mul3A_365] : memref<32x1000000xf32, #tpu.memory_space<any>> -> memref<1x34560xf32, #tpu.memory_space<any>>
    tpu.wait_dma2 semaphore(%arg16 : memref<!tpu.dma_semaphore, #tpu.memory_space<semaphore_mem>>) src(%dma_wait3A_1601 : memref<1x34560xf32, #tpu.memory_space<any>>) dst(%dma_wait3A_1599 : memref<1x34560xf32, #tpu.memory_space<vmem>>)
    %dma_wait3A_1602 = arith.constant 8 : i32
    %dma_wait3A_1603 = arith.constant 0 : i32
    %dma_wait3A_1604 = tpu.memref_slice %arg14[%dma_wait3A_1602, %dma_wait3A_1603] : memref<32x65536xf32, #tpu.memory_space<vmem>> -> memref<1x65536xf32, #tpu.memory_space<vmem>>
    %dma_wait3A_1605 = arith.constant 8 : i32
    %dma_wait3A_1606 = tpu.memref_slice %arg3[%dma_wait3A_1605, %mul3A_374] : memref<32x1000000xf32, #tpu.memory_space<any>> -> memref<1x65536xf32, #tpu.memory_space<any>>
    tpu.wait_dma2 semaphore(%arg16 : memref<!tpu.dma_semaphore, #tpu.memory_space<semaphore_mem>>) src(%dma_wait3A_1606 : memref<1x65536xf32, #tpu.memory_space<any>>) dst(%dma_wait3A_1604 : memref<1x65536xf32, #tpu.memory_space<vmem>>)
    %dma_wait3A_1607 = arith.constant 8 : i32
    %dma_wait3A_1608 = arith.constant 0 : i32
    %dma_wait3A_1609 = tpu.memref_slice %arg15[%dma_wait3A_1607, %dma_wait3A_1608] : memref<32x34560xf32, #tpu.memory_space<vmem>> -> memref<1x34560xf32, #tpu.memory_space<vmem>>
    %dma_wait3A_1610 = arith.constant 8 : i32
    %dma_wait3A_1611 = tpu.memref_slice %arg3[%dma_wait3A_1610, %mul3A_413] : memref<32x1000000xf32, #tpu.memory_space<any>> -> memref<1x34560xf32, #tpu.memory_space<any>>
    tpu.wait_dma2 semaphore(%arg16 : memref<!tpu.dma_semaphore, #tpu.memory_space<semaphore_mem>>) src(%dma_wait3A_1611 : memref<1x34560xf32, #tpu.memory_space<any>>) dst(%dma_wait3A_1609 : memref<1x34560xf32, #tpu.memory_space<vmem>>)
    %dma_wait3A_1612 = arith.constant 9 : i32
    %dma_wait3A_1613 = arith.constant 0 : i32
    %dma_wait3A_1614 = tpu.memref_slice %arg14[%dma_wait3A_1612, %dma_wait3A_1613] : memref<32x65536xf32, #tpu.memory_space<vmem>> -> memref<1x65536xf32, #tpu.memory_space<vmem>>
    %dma_wait3A_1615 = arith.constant 9 : i32
    %dma_wait3A_1616 = tpu.memref_slice %arg3[%dma_wait3A_1615, %mul3A_422] : memref<32x1000000xf32, #tpu.memory_space<any>> -> memref<1x65536xf32, #tpu.memory_space<any>>
    tpu.wait_dma2 semaphore(%arg16 : memref<!tpu.dma_semaphore, #tpu.memory_space<semaphore_mem>>) src(%dma_wait3A_1616 : memref<1x65536xf32, #tpu.memory_space<any>>) dst(%dma_wait3A_1614 : memref<1x65536xf32, #tpu.memory_space<vmem>>)
    %dma_wait3A_1617 = arith.constant 9 : i32
    %dma_wait3A_1618 = arith.constant 0 : i32
    %dma_wait3A_1619 = tpu.memref_slice %arg15[%dma_wait3A_1617, %dma_wait3A_1618] : memref<32x34560xf32, #tpu.memory_space<vmem>> -> memref<1x34560xf32, #tpu.memory_space<vmem>>
    %dma_wait3A_1620 = arith.constant 9 : i32
    %dma_wait3A_1621 = tpu.memref_slice %arg3[%dma_wait3A_1620, %mul3A_461] : memref<32x1000000xf32, #tpu.memory_space<any>> -> memref<1x34560xf32, #tpu.memory_space<any>>
    tpu.wait_dma2 semaphore(%arg16 : memref<!tpu.dma_semaphore, #tpu.memory_space<semaphore_mem>>) src(%dma_wait3A_1621 : memref<1x34560xf32, #tpu.memory_space<any>>) dst(%dma_wait3A_1619 : memref<1x34560xf32, #tpu.memory_space<vmem>>)
    %dma_wait3A_1622 = arith.constant 10 : i32
    %dma_wait3A_1623 = arith.constant 0 : i32
    %dma_wait3A_1624 = tpu.memref_slice %arg14[%dma_wait3A_1622, %dma_wait3A_1623] : memref<32x65536xf32, #tpu.memory_space<vmem>> -> memref<1x65536xf32, #tpu.memory_space<vmem>>
    %dma_wait3A_1625 = arith.constant 10 : i32
    %dma_wait3A_1626 = tpu.memref_slice %arg3[%dma_wait3A_1625, %mul3A_470] : memref<32x1000000xf32, #tpu.memory_space<any>> -> memref<1x65536xf32, #tpu.memory_space<any>>
    tpu.wait_dma2 semaphore(%arg16 : memref<!tpu.dma_semaphore, #tpu.memory_space<semaphore_mem>>) src(%dma_wait3A_1626 : memref<1x65536xf32, #tpu.memory_space<any>>) dst(%dma_wait3A_1624 : memref<1x65536xf32, #tpu.memory_space<vmem>>)
    %dma_wait3A_1627 = arith.constant 10 : i32
    %dma_wait3A_1628 = arith.constant 0 : i32
    %dma_wait3A_1629 = tpu.memref_slice %arg15[%dma_wait3A_1627, %dma_wait3A_1628] : memref<32x34560xf32, #tpu.memory_space<vmem>> -> memref<1x34560xf32, #tpu.memory_space<vmem>>
    %dma_wait3A_1630 = arith.constant 10 : i32
    %dma_wait3A_1631 = tpu.memref_slice %arg3[%dma_wait3A_1630, %mul3A_509] : memref<32x1000000xf32, #tpu.memory_space<any>> -> memref<1x34560xf32, #tpu.memory_space<any>>
    tpu.wait_dma2 semaphore(%arg16 : memref<!tpu.dma_semaphore, #tpu.memory_space<semaphore_mem>>) src(%dma_wait3A_1631 : memref<1x34560xf32, #tpu.memory_space<any>>) dst(%dma_wait3A_1629 : memref<1x34560xf32, #tpu.memory_space<vmem>>)
    %dma_wait3A_1632 = arith.constant 11 : i32
    %dma_wait3A_1633 = arith.constant 0 : i32
    %dma_wait3A_1634 = tpu.memref_slice %arg14[%dma_wait3A_1632, %dma_wait3A_1633] : memref<32x65536xf32, #tpu.memory_space<vmem>> -> memref<1x65536xf32, #tpu.memory_space<vmem>>
    %dma_wait3A_1635 = arith.constant 11 : i32
    %dma_wait3A_1636 = tpu.memref_slice %arg3[%dma_wait3A_1635, %mul3A_518] : memref<32x1000000xf32, #tpu.memory_space<any>> -> memref<1x65536xf32, #tpu.memory_space<any>>
    tpu.wait_dma2 semaphore(%arg16 : memref<!tpu.dma_semaphore, #tpu.memory_space<semaphore_mem>>) src(%dma_wait3A_1636 : memref<1x65536xf32, #tpu.memory_space<any>>) dst(%dma_wait3A_1634 : memref<1x65536xf32, #tpu.memory_space<vmem>>)
    %dma_wait3A_1637 = arith.constant 11 : i32
    %dma_wait3A_1638 = arith.constant 0 : i32
    %dma_wait3A_1639 = tpu.memref_slice %arg15[%dma_wait3A_1637, %dma_wait3A_1638] : memref<32x34560xf32, #tpu.memory_space<vmem>> -> memref<1x34560xf32, #tpu.memory_space<vmem>>
    %dma_wait3A_1640 = arith.constant 11 : i32
    %dma_wait3A_1641 = tpu.memref_slice %arg3[%dma_wait3A_1640, %mul3A_557] : memref<32x1000000xf32, #tpu.memory_space<any>> -> memref<1x34560xf32, #tpu.memory_space<any>>
    tpu.wait_dma2 semaphore(%arg16 : memref<!tpu.dma_semaphore, #tpu.memory_space<semaphore_mem>>) src(%dma_wait3A_1641 : memref<1x34560xf32, #tpu.memory_space<any>>) dst(%dma_wait3A_1639 : memref<1x34560xf32, #tpu.memory_space<vmem>>)
    %dma_wait3A_1642 = arith.constant 12 : i32
    %dma_wait3A_1643 = arith.constant 0 : i32
    %dma_wait3A_1644 = tpu.memref_slice %arg14[%dma_wait3A_1642, %dma_wait3A_1643] : memref<32x65536xf32, #tpu.memory_space<vmem>> -> memref<1x65536xf32, #tpu.memory_space<vmem>>
    %dma_wait3A_1645 = arith.constant 12 : i32
    %dma_wait3A_1646 = tpu.memref_slice %arg3[%dma_wait3A_1645, %mul3A_566] : memref<32x1000000xf32, #tpu.memory_space<any>> -> memref<1x65536xf32, #tpu.memory_space<any>>
    tpu.wait_dma2 semaphore(%arg16 : memref<!tpu.dma_semaphore, #tpu.memory_space<semaphore_mem>>) src(%dma_wait3A_1646 : memref<1x65536xf32, #tpu.memory_space<any>>) dst(%dma_wait3A_1644 : memref<1x65536xf32, #tpu.memory_space<vmem>>)
    %dma_wait3A_1647 = arith.constant 12 : i32
    %dma_wait3A_1648 = arith.constant 0 : i32
    %dma_wait3A_1649 = tpu.memref_slice %arg15[%dma_wait3A_1647, %dma_wait3A_1648] : memref<32x34560xf32, #tpu.memory_space<vmem>> -> memref<1x34560xf32, #tpu.memory_space<vmem>>
    %dma_wait3A_1650 = arith.constant 12 : i32
    %dma_wait3A_1651 = tpu.memref_slice %arg3[%dma_wait3A_1650, %mul3A_605] : memref<32x1000000xf32, #tpu.memory_space<any>> -> memref<1x34560xf32, #tpu.memory_space<any>>
    tpu.wait_dma2 semaphore(%arg16 : memref<!tpu.dma_semaphore, #tpu.memory_space<semaphore_mem>>) src(%dma_wait3A_1651 : memref<1x34560xf32, #tpu.memory_space<any>>) dst(%dma_wait3A_1649 : memref<1x34560xf32, #tpu.memory_space<vmem>>)
    %dma_wait3A_1652 = arith.constant 13 : i32
    %dma_wait3A_1653 = arith.constant 0 : i32
    %dma_wait3A_1654 = tpu.memref_slice %arg14[%dma_wait3A_1652, %dma_wait3A_1653] : memref<32x65536xf32, #tpu.memory_space<vmem>> -> memref<1x65536xf32, #tpu.memory_space<vmem>>
    %dma_wait3A_1655 = arith.constant 13 : i32
    %dma_wait3A_1656 = tpu.memref_slice %arg3[%dma_wait3A_1655, %mul3A_614] : memref<32x1000000xf32, #tpu.memory_space<any>> -> memref<1x65536xf32, #tpu.memory_space<any>>
    tpu.wait_dma2 semaphore(%arg16 : memref<!tpu.dma_semaphore, #tpu.memory_space<semaphore_mem>>) src(%dma_wait3A_1656 : memref<1x65536xf32, #tpu.memory_space<any>>) dst(%dma_wait3A_1654 : memref<1x65536xf32, #tpu.memory_space<vmem>>)
    %dma_wait3A_1657 = arith.constant 13 : i32
    %dma_wait3A_1658 = arith.constant 0 : i32
    %dma_wait3A_1659 = tpu.memref_slice %arg15[%dma_wait3A_1657, %dma_wait3A_1658] : memref<32x34560xf32, #tpu.memory_space<vmem>> -> memref<1x34560xf32, #tpu.memory_space<vmem>>
    %dma_wait3A_1660 = arith.constant 13 : i32
    %dma_wait3A_1661 = tpu.memref_slice %arg3[%dma_wait3A_1660, %mul3A_653] : memref<32x1000000xf32, #tpu.memory_space<any>> -> memref<1x34560xf32, #tpu.memory_space<any>>
    tpu.wait_dma2 semaphore(%arg16 : memref<!tpu.dma_semaphore, #tpu.memory_space<semaphore_mem>>) src(%dma_wait3A_1661 : memref<1x34560xf32, #tpu.memory_space<any>>) dst(%dma_wait3A_1659 : memref<1x34560xf32, #tpu.memory_space<vmem>>)
    %dma_wait3A_1662 = arith.constant 14 : i32
    %dma_wait3A_1663 = arith.constant 0 : i32
    %dma_wait3A_1664 = tpu.memref_slice %arg14[%dma_wait3A_1662, %dma_wait3A_1663] : memref<32x65536xf32, #tpu.memory_space<vmem>> -> memref<1x65536xf32, #tpu.memory_space<vmem>>
    %dma_wait3A_1665 = arith.constant 14 : i32
    %dma_wait3A_1666 = tpu.memref_slice %arg3[%dma_wait3A_1665, %mul3A_662] : memref<32x1000000xf32, #tpu.memory_space<any>> -> memref<1x65536xf32, #tpu.memory_space<any>>
    tpu.wait_dma2 semaphore(%arg16 : memref<!tpu.dma_semaphore, #tpu.memory_space<semaphore_mem>>) src(%dma_wait3A_1666 : memref<1x65536xf32, #tpu.memory_space<any>>) dst(%dma_wait3A_1664 : memref<1x65536xf32, #tpu.memory_space<vmem>>)
    %dma_wait3A_1667 = arith.constant 14 : i32
    %dma_wait3A_1668 = arith.constant 0 : i32
    %dma_wait3A_1669 = tpu.memref_slice %arg15[%dma_wait3A_1667, %dma_wait3A_1668] : memref<32x34560xf32, #tpu.memory_space<vmem>> -> memref<1x34560xf32, #tpu.memory_space<vmem>>
    %dma_wait3A_1670 = arith.constant 14 : i32
    %dma_wait3A_1671 = tpu.memref_slice %arg3[%dma_wait3A_1670, %mul3A_701] : memref<32x1000000xf32, #tpu.memory_space<any>> -> memref<1x34560xf32, #tpu.memory_space<any>>
    tpu.wait_dma2 semaphore(%arg16 : memref<!tpu.dma_semaphore, #tpu.memory_space<semaphore_mem>>) src(%dma_wait3A_1671 : memref<1x34560xf32, #tpu.memory_space<any>>) dst(%dma_wait3A_1669 : memref<1x34560xf32, #tpu.memory_space<vmem>>)
    %dma_wait3A_1672 = arith.constant 15 : i32
    %dma_wait3A_1673 = arith.constant 0 : i32
    %dma_wait3A_1674 = tpu.memref_slice %arg14[%dma_wait3A_1672, %dma_wait3A_1673] : memref<32x65536xf32, #tpu.memory_space<vmem>> -> memref<1x65536xf32, #tpu.memory_space<vmem>>
    %dma_wait3A_1675 = arith.constant 15 : i32
    %dma_wait3A_1676 = tpu.memref_slice %arg3[%dma_wait3A_1675, %mul3A_710] : memref<32x1000000xf32, #tpu.memory_space<any>> -> memref<1x65536xf32, #tpu.memory_space<any>>
    tpu.wait_dma2 semaphore(%arg16 : memref<!tpu.dma_semaphore, #tpu.memory_space<semaphore_mem>>) src(%dma_wait3A_1676 : memref<1x65536xf32, #tpu.memory_space<any>>) dst(%dma_wait3A_1674 : memref<1x65536xf32, #tpu.memory_space<vmem>>)
    %dma_wait3A_1677 = arith.constant 15 : i32
    %dma_wait3A_1678 = arith.constant 0 : i32
    %dma_wait3A_1679 = tpu.memref_slice %arg15[%dma_wait3A_1677, %dma_wait3A_1678] : memref<32x34560xf32, #tpu.memory_space<vmem>> -> memref<1x34560xf32, #tpu.memory_space<vmem>>
    %dma_wait3A_1680 = arith.constant 15 : i32
    %dma_wait3A_1681 = tpu.memref_slice %arg3[%dma_wait3A_1680, %mul3A_749] : memref<32x1000000xf32, #tpu.memory_space<any>> -> memref<1x34560xf32, #tpu.memory_space<any>>
    tpu.wait_dma2 semaphore(%arg16 : memref<!tpu.dma_semaphore, #tpu.memory_space<semaphore_mem>>) src(%dma_wait3A_1681 : memref<1x34560xf32, #tpu.memory_space<any>>) dst(%dma_wait3A_1679 : memref<1x34560xf32, #tpu.memory_space<vmem>>)
    %dma_wait3A_1682 = arith.constant 16 : i32
    %dma_wait3A_1683 = arith.constant 0 : i32
    %dma_wait3A_1684 = tpu.memref_slice %arg14[%dma_wait3A_1682, %dma_wait3A_1683] : memref<32x65536xf32, #tpu.memory_space<vmem>> -> memref<1x65536xf32, #tpu.memory_space<vmem>>
    %dma_wait3A_1685 = arith.constant 16 : i32
    %dma_wait3A_1686 = tpu.memref_slice %arg3[%dma_wait3A_1685, %mul3A_758] : memref<32x1000000xf32, #tpu.memory_space<any>> -> memref<1x65536xf32, #tpu.memory_space<any>>
    tpu.wait_dma2 semaphore(%arg16 : memref<!tpu.dma_semaphore, #tpu.memory_space<semaphore_mem>>) src(%dma_wait3A_1686 : memref<1x65536xf32, #tpu.memory_space<any>>) dst(%dma_wait3A_1684 : memref<1x65536xf32, #tpu.memory_space<vmem>>)
    %dma_wait3A_1687 = arith.constant 16 : i32
    %dma_wait3A_1688 = arith.constant 0 : i32
    %dma_wait3A_1689 = tpu.memref_slice %arg15[%dma_wait3A_1687, %dma_wait3A_1688] : memref<32x34560xf32, #tpu.memory_space<vmem>> -> memref<1x34560xf32, #tpu.memory_space<vmem>>
    %dma_wait3A_1690 = arith.constant 16 : i32
    %dma_wait3A_1691 = tpu.memref_slice %arg3[%dma_wait3A_1690, %mul3A_797] : memref<32x1000000xf32, #tpu.memory_space<any>> -> memref<1x34560xf32, #tpu.memory_space<any>>
    tpu.wait_dma2 semaphore(%arg16 : memref<!tpu.dma_semaphore, #tpu.memory_space<semaphore_mem>>) src(%dma_wait3A_1691 : memref<1x34560xf32, #tpu.memory_space<any>>) dst(%dma_wait3A_1689 : memref<1x34560xf32, #tpu.memory_space<vmem>>)
    %dma_wait3A_1692 = arith.constant 17 : i32
    %dma_wait3A_1693 = arith.constant 0 : i32
    %dma_wait3A_1694 = tpu.memref_slice %arg14[%dma_wait3A_1692, %dma_wait3A_1693] : memref<32x65536xf32, #tpu.memory_space<vmem>> -> memref<1x65536xf32, #tpu.memory_space<vmem>>
    %dma_wait3A_1695 = arith.constant 17 : i32
    %dma_wait3A_1696 = tpu.memref_slice %arg3[%dma_wait3A_1695, %mul3A_806] : memref<32x1000000xf32, #tpu.memory_space<any>> -> memref<1x65536xf32, #tpu.memory_space<any>>
    tpu.wait_dma2 semaphore(%arg16 : memref<!tpu.dma_semaphore, #tpu.memory_space<semaphore_mem>>) src(%dma_wait3A_1696 : memref<1x65536xf32, #tpu.memory_space<any>>) dst(%dma_wait3A_1694 : memref<1x65536xf32, #tpu.memory_space<vmem>>)
    %dma_wait3A_1697 = arith.constant 17 : i32
    %dma_wait3A_1698 = arith.constant 0 : i32
    %dma_wait3A_1699 = tpu.memref_slice %arg15[%dma_wait3A_1697, %dma_wait3A_1698] : memref<32x34560xf32, #tpu.memory_space<vmem>> -> memref<1x34560xf32, #tpu.memory_space<vmem>>
    %dma_wait3A_1700 = arith.constant 17 : i32
    %dma_wait3A_1701 = tpu.memref_slice %arg3[%dma_wait3A_1700, %mul3A_845] : memref<32x1000000xf32, #tpu.memory_space<any>> -> memref<1x34560xf32, #tpu.memory_space<any>>
    tpu.wait_dma2 semaphore(%arg16 : memref<!tpu.dma_semaphore, #tpu.memory_space<semaphore_mem>>) src(%dma_wait3A_1701 : memref<1x34560xf32, #tpu.memory_space<any>>) dst(%dma_wait3A_1699 : memref<1x34560xf32, #tpu.memory_space<vmem>>)
    %dma_wait3A_1702 = arith.constant 18 : i32
    %dma_wait3A_1703 = arith.constant 0 : i32
    %dma_wait3A_1704 = tpu.memref_slice %arg14[%dma_wait3A_1702, %dma_wait3A_1703] : memref<32x65536xf32, #tpu.memory_space<vmem>> -> memref<1x65536xf32, #tpu.memory_space<vmem>>
    %dma_wait3A_1705 = arith.constant 18 : i32
    %dma_wait3A_1706 = tpu.memref_slice %arg3[%dma_wait3A_1705, %mul3A_854] : memref<32x1000000xf32, #tpu.memory_space<any>> -> memref<1x65536xf32, #tpu.memory_space<any>>
    tpu.wait_dma2 semaphore(%arg16 : memref<!tpu.dma_semaphore, #tpu.memory_space<semaphore_mem>>) src(%dma_wait3A_1706 : memref<1x65536xf32, #tpu.memory_space<any>>) dst(%dma_wait3A_1704 : memref<1x65536xf32, #tpu.memory_space<vmem>>)
    %dma_wait3A_1707 = arith.constant 18 : i32
    %dma_wait3A_1708 = arith.constant 0 : i32
    %dma_wait3A_1709 = tpu.memref_slice %arg15[%dma_wait3A_1707, %dma_wait3A_1708] : memref<32x34560xf32, #tpu.memory_space<vmem>> -> memref<1x34560xf32, #tpu.memory_space<vmem>>
    %dma_wait3A_1710 = arith.constant 18 : i32
    %dma_wait3A_1711 = tpu.memref_slice %arg3[%dma_wait3A_1710, %mul3A_893] : memref<32x1000000xf32, #tpu.memory_space<any>> -> memref<1x34560xf32, #tpu.memory_space<any>>
    tpu.wait_dma2 semaphore(%arg16 : memref<!tpu.dma_semaphore, #tpu.memory_space<semaphore_mem>>) src(%dma_wait3A_1711 : memref<1x34560xf32, #tpu.memory_space<any>>) dst(%dma_wait3A_1709 : memref<1x34560xf32, #tpu.memory_space<vmem>>)
    %dma_wait3A_1712 = arith.constant 19 : i32
    %dma_wait3A_1713 = arith.constant 0 : i32
    %dma_wait3A_1714 = tpu.memref_slice %arg14[%dma_wait3A_1712, %dma_wait3A_1713] : memref<32x65536xf32, #tpu.memory_space<vmem>> -> memref<1x65536xf32, #tpu.memory_space<vmem>>
    %dma_wait3A_1715 = arith.constant 19 : i32
    %dma_wait3A_1716 = tpu.memref_slice %arg3[%dma_wait3A_1715, %mul3A_902] : memref<32x1000000xf32, #tpu.memory_space<any>> -> memref<1x65536xf32, #tpu.memory_space<any>>
    tpu.wait_dma2 semaphore(%arg16 : memref<!tpu.dma_semaphore, #tpu.memory_space<semaphore_mem>>) src(%dma_wait3A_1716 : memref<1x65536xf32, #tpu.memory_space<any>>) dst(%dma_wait3A_1714 : memref<1x65536xf32, #tpu.memory_space<vmem>>)
    %dma_wait3A_1717 = arith.constant 19 : i32
    %dma_wait3A_1718 = arith.constant 0 : i32
    %dma_wait3A_1719 = tpu.memref_slice %arg15[%dma_wait3A_1717, %dma_wait3A_1718] : memref<32x34560xf32, #tpu.memory_space<vmem>> -> memref<1x34560xf32, #tpu.memory_space<vmem>>
    %dma_wait3A_1720 = arith.constant 19 : i32
    %dma_wait3A_1721 = tpu.memref_slice %arg3[%dma_wait3A_1720, %mul3A_941] : memref<32x1000000xf32, #tpu.memory_space<any>> -> memref<1x34560xf32, #tpu.memory_space<any>>
    tpu.wait_dma2 semaphore(%arg16 : memref<!tpu.dma_semaphore, #tpu.memory_space<semaphore_mem>>) src(%dma_wait3A_1721 : memref<1x34560xf32, #tpu.memory_space<any>>) dst(%dma_wait3A_1719 : memref<1x34560xf32, #tpu.memory_space<vmem>>)
    %dma_wait3A_1722 = arith.constant 20 : i32
    %dma_wait3A_1723 = arith.constant 0 : i32
    %dma_wait3A_1724 = tpu.memref_slice %arg14[%dma_wait3A_1722, %dma_wait3A_1723] : memref<32x65536xf32, #tpu.memory_space<vmem>> -> memref<1x65536xf32, #tpu.memory_space<vmem>>
    %dma_wait3A_1725 = arith.constant 20 : i32
    %dma_wait3A_1726 = tpu.memref_slice %arg3[%dma_wait3A_1725, %mul3A_950] : memref<32x1000000xf32, #tpu.memory_space<any>> -> memref<1x65536xf32, #tpu.memory_space<any>>
    tpu.wait_dma2 semaphore(%arg16 : memref<!tpu.dma_semaphore, #tpu.memory_space<semaphore_mem>>) src(%dma_wait3A_1726 : memref<1x65536xf32, #tpu.memory_space<any>>) dst(%dma_wait3A_1724 : memref<1x65536xf32, #tpu.memory_space<vmem>>)
    %dma_wait3A_1727 = arith.constant 20 : i32
    %dma_wait3A_1728 = arith.constant 0 : i32
    %dma_wait3A_1729 = tpu.memref_slice %arg15[%dma_wait3A_1727, %dma_wait3A_1728] : memref<32x34560xf32, #tpu.memory_space<vmem>> -> memref<1x34560xf32, #tpu.memory_space<vmem>>
    %dma_wait3A_1730 = arith.constant 20 : i32
    %dma_wait3A_1731 = tpu.memref_slice %arg3[%dma_wait3A_1730, %mul3A_989] : memref<32x1000000xf32, #tpu.memory_space<any>> -> memref<1x34560xf32, #tpu.memory_space<any>>
    tpu.wait_dma2 semaphore(%arg16 : memref<!tpu.dma_semaphore, #tpu.memory_space<semaphore_mem>>) src(%dma_wait3A_1731 : memref<1x34560xf32, #tpu.memory_space<any>>) dst(%dma_wait3A_1729 : memref<1x34560xf32, #tpu.memory_space<vmem>>)
    %dma_wait3A_1732 = arith.constant 21 : i32
    %dma_wait3A_1733 = arith.constant 0 : i32
    %dma_wait3A_1734 = tpu.memref_slice %arg14[%dma_wait3A_1732, %dma_wait3A_1733] : memref<32x65536xf32, #tpu.memory_space<vmem>> -> memref<1x65536xf32, #tpu.memory_space<vmem>>
    %dma_wait3A_1735 = arith.constant 21 : i32
    %dma_wait3A_1736 = tpu.memref_slice %arg3[%dma_wait3A_1735, %mul3A_998] : memref<32x1000000xf32, #tpu.memory_space<any>> -> memref<1x65536xf32, #tpu.memory_space<any>>
    tpu.wait_dma2 semaphore(%arg16 : memref<!tpu.dma_semaphore, #tpu.memory_space<semaphore_mem>>) src(%dma_wait3A_1736 : memref<1x65536xf32, #tpu.memory_space<any>>) dst(%dma_wait3A_1734 : memref<1x65536xf32, #tpu.memory_space<vmem>>)
    %dma_wait3A_1737 = arith.constant 21 : i32
    %dma_wait3A_1738 = arith.constant 0 : i32
    %dma_wait3A_1739 = tpu.memref_slice %arg15[%dma_wait3A_1737, %dma_wait3A_1738] : memref<32x34560xf32, #tpu.memory_space<vmem>> -> memref<1x34560xf32, #tpu.memory_space<vmem>>
    %dma_wait3A_1740 = arith.constant 21 : i32
    %dma_wait3A_1741 = tpu.memref_slice %arg3[%dma_wait3A_1740, %mul3A_1037] : memref<32x1000000xf32, #tpu.memory_space<any>> -> memref<1x34560xf32, #tpu.memory_space<any>>
    tpu.wait_dma2 semaphore(%arg16 : memref<!tpu.dma_semaphore, #tpu.memory_space<semaphore_mem>>) src(%dma_wait3A_1741 : memref<1x34560xf32, #tpu.memory_space<any>>) dst(%dma_wait3A_1739 : memref<1x34560xf32, #tpu.memory_space<vmem>>)
    %dma_wait3A_1742 = arith.constant 22 : i32
    %dma_wait3A_1743 = arith.constant 0 : i32
    %dma_wait3A_1744 = tpu.memref_slice %arg14[%dma_wait3A_1742, %dma_wait3A_1743] : memref<32x65536xf32, #tpu.memory_space<vmem>> -> memref<1x65536xf32, #tpu.memory_space<vmem>>
    %dma_wait3A_1745 = arith.constant 22 : i32
    %dma_wait3A_1746 = tpu.memref_slice %arg3[%dma_wait3A_1745, %mul3A_1046] : memref<32x1000000xf32, #tpu.memory_space<any>> -> memref<1x65536xf32, #tpu.memory_space<any>>
    tpu.wait_dma2 semaphore(%arg16 : memref<!tpu.dma_semaphore, #tpu.memory_space<semaphore_mem>>) src(%dma_wait3A_1746 : memref<1x65536xf32, #tpu.memory_space<any>>) dst(%dma_wait3A_1744 : memref<1x65536xf32, #tpu.memory_space<vmem>>)
    %dma_wait3A_1747 = arith.constant 22 : i32
    %dma_wait3A_1748 = arith.constant 0 : i32
    %dma_wait3A_1749 = tpu.memref_slice %arg15[%dma_wait3A_1747, %dma_wait3A_1748] : memref<32x34560xf32, #tpu.memory_space<vmem>> -> memref<1x34560xf32, #tpu.memory_space<vmem>>
    %dma_wait3A_1750 = arith.constant 22 : i32
    %dma_wait3A_1751 = tpu.memref_slice %arg3[%dma_wait3A_1750, %mul3A_1085] : memref<32x1000000xf32, #tpu.memory_space<any>> -> memref<1x34560xf32, #tpu.memory_space<any>>
    tpu.wait_dma2 semaphore(%arg16 : memref<!tpu.dma_semaphore, #tpu.memory_space<semaphore_mem>>) src(%dma_wait3A_1751 : memref<1x34560xf32, #tpu.memory_space<any>>) dst(%dma_wait3A_1749 : memref<1x34560xf32, #tpu.memory_space<vmem>>)
    %dma_wait3A_1752 = arith.constant 23 : i32
    %dma_wait3A_1753 = arith.constant 0 : i32
    %dma_wait3A_1754 = tpu.memref_slice %arg14[%dma_wait3A_1752, %dma_wait3A_1753] : memref<32x65536xf32, #tpu.memory_space<vmem>> -> memref<1x65536xf32, #tpu.memory_space<vmem>>
    %dma_wait3A_1755 = arith.constant 23 : i32
    %dma_wait3A_1756 = tpu.memref_slice %arg3[%dma_wait3A_1755, %mul3A_1094] : memref<32x1000000xf32, #tpu.memory_space<any>> -> memref<1x65536xf32, #tpu.memory_space<any>>
    tpu.wait_dma2 semaphore(%arg16 : memref<!tpu.dma_semaphore, #tpu.memory_space<semaphore_mem>>) src(%dma_wait3A_1756 : memref<1x65536xf32, #tpu.memory_space<any>>) dst(%dma_wait3A_1754 : memref<1x65536xf32, #tpu.memory_space<vmem>>)
    %dma_wait3A_1757 = arith.constant 23 : i32
    %dma_wait3A_1758 = arith.constant 0 : i32
    %dma_wait3A_1759 = tpu.memref_slice %arg15[%dma_wait3A_1757, %dma_wait3A_1758] : memref<32x34560xf32, #tpu.memory_space<vmem>> -> memref<1x34560xf32, #tpu.memory_space<vmem>>
    %dma_wait3A_1760 = arith.constant 23 : i32
    %dma_wait3A_1761 = tpu.memref_slice %arg3[%dma_wait3A_1760, %mul3A_1133] : memref<32x1000000xf32, #tpu.memory_space<any>> -> memref<1x34560xf32, #tpu.memory_space<any>>
    tpu.wait_dma2 semaphore(%arg16 : memref<!tpu.dma_semaphore, #tpu.memory_space<semaphore_mem>>) src(%dma_wait3A_1761 : memref<1x34560xf32, #tpu.memory_space<any>>) dst(%dma_wait3A_1759 : memref<1x34560xf32, #tpu.memory_space<vmem>>)
    %dma_wait3A_1762 = arith.constant 24 : i32
    %dma_wait3A_1763 = arith.constant 0 : i32
    %dma_wait3A_1764 = tpu.memref_slice %arg14[%dma_wait3A_1762, %dma_wait3A_1763] : memref<32x65536xf32, #tpu.memory_space<vmem>> -> memref<1x65536xf32, #tpu.memory_space<vmem>>
    %dma_wait3A_1765 = arith.constant 24 : i32
    %dma_wait3A_1766 = tpu.memref_slice %arg3[%dma_wait3A_1765, %mul3A_1142] : memref<32x1000000xf32, #tpu.memory_space<any>> -> memref<1x65536xf32, #tpu.memory_space<any>>
    tpu.wait_dma2 semaphore(%arg16 : memref<!tpu.dma_semaphore, #tpu.memory_space<semaphore_mem>>) src(%dma_wait3A_1766 : memref<1x65536xf32, #tpu.memory_space<any>>) dst(%dma_wait3A_1764 : memref<1x65536xf32, #tpu.memory_space<vmem>>)
    %dma_wait3A_1767 = arith.constant 24 : i32
    %dma_wait3A_1768 = arith.constant 0 : i32
    %dma_wait3A_1769 = tpu.memref_slice %arg15[%dma_wait3A_1767, %dma_wait3A_1768] : memref<32x34560xf32, #tpu.memory_space<vmem>> -> memref<1x34560xf32, #tpu.memory_space<vmem>>
    %dma_wait3A_1770 = arith.constant 24 : i32
    %dma_wait3A_1771 = tpu.memref_slice %arg3[%dma_wait3A_1770, %mul3A_1181] : memref<32x1000000xf32, #tpu.memory_space<any>> -> memref<1x34560xf32, #tpu.memory_space<any>>
    tpu.wait_dma2 semaphore(%arg16 : memref<!tpu.dma_semaphore, #tpu.memory_space<semaphore_mem>>) src(%dma_wait3A_1771 : memref<1x34560xf32, #tpu.memory_space<any>>) dst(%dma_wait3A_1769 : memref<1x34560xf32, #tpu.memory_space<vmem>>)
    %dma_wait3A_1772 = arith.constant 25 : i32
    %dma_wait3A_1773 = arith.constant 0 : i32
    %dma_wait3A_1774 = tpu.memref_slice %arg14[%dma_wait3A_1772, %dma_wait3A_1773] : memref<32x65536xf32, #tpu.memory_space<vmem>> -> memref<1x65536xf32, #tpu.memory_space<vmem>>
    %dma_wait3A_1775 = arith.constant 25 : i32
    %dma_wait3A_1776 = tpu.memref_slice %arg3[%dma_wait3A_1775, %mul3A_1190] : memref<32x1000000xf32, #tpu.memory_space<any>> -> memref<1x65536xf32, #tpu.memory_space<any>>
    tpu.wait_dma2 semaphore(%arg16 : memref<!tpu.dma_semaphore, #tpu.memory_space<semaphore_mem>>) src(%dma_wait3A_1776 : memref<1x65536xf32, #tpu.memory_space<any>>) dst(%dma_wait3A_1774 : memref<1x65536xf32, #tpu.memory_space<vmem>>)
    %dma_wait3A_1777 = arith.constant 25 : i32
    %dma_wait3A_1778 = arith.constant 0 : i32
    %dma_wait3A_1779 = tpu.memref_slice %arg15[%dma_wait3A_1777, %dma_wait3A_1778] : memref<32x34560xf32, #tpu.memory_space<vmem>> -> memref<1x34560xf32, #tpu.memory_space<vmem>>
    %dma_wait3A_1780 = arith.constant 25 : i32
    %dma_wait3A_1781 = tpu.memref_slice %arg3[%dma_wait3A_1780, %mul3A_1229] : memref<32x1000000xf32, #tpu.memory_space<any>> -> memref<1x34560xf32, #tpu.memory_space<any>>
    tpu.wait_dma2 semaphore(%arg16 : memref<!tpu.dma_semaphore, #tpu.memory_space<semaphore_mem>>) src(%dma_wait3A_1781 : memref<1x34560xf32, #tpu.memory_space<any>>) dst(%dma_wait3A_1779 : memref<1x34560xf32, #tpu.memory_space<vmem>>)
    %dma_wait3A_1782 = arith.constant 26 : i32
    %dma_wait3A_1783 = arith.constant 0 : i32
    %dma_wait3A_1784 = tpu.memref_slice %arg14[%dma_wait3A_1782, %dma_wait3A_1783] : memref<32x65536xf32, #tpu.memory_space<vmem>> -> memref<1x65536xf32, #tpu.memory_space<vmem>>
    %dma_wait3A_1785 = arith.constant 26 : i32
    %dma_wait3A_1786 = tpu.memref_slice %arg3[%dma_wait3A_1785, %mul3A_1238] : memref<32x1000000xf32, #tpu.memory_space<any>> -> memref<1x65536xf32, #tpu.memory_space<any>>
    tpu.wait_dma2 semaphore(%arg16 : memref<!tpu.dma_semaphore, #tpu.memory_space<semaphore_mem>>) src(%dma_wait3A_1786 : memref<1x65536xf32, #tpu.memory_space<any>>) dst(%dma_wait3A_1784 : memref<1x65536xf32, #tpu.memory_space<vmem>>)
    %dma_wait3A_1787 = arith.constant 26 : i32
    %dma_wait3A_1788 = arith.constant 0 : i32
    %dma_wait3A_1789 = tpu.memref_slice %arg15[%dma_wait3A_1787, %dma_wait3A_1788] : memref<32x34560xf32, #tpu.memory_space<vmem>> -> memref<1x34560xf32, #tpu.memory_space<vmem>>
    %dma_wait3A_1790 = arith.constant 26 : i32
    %dma_wait3A_1791 = tpu.memref_slice %arg3[%dma_wait3A_1790, %mul3A_1277] : memref<32x1000000xf32, #tpu.memory_space<any>> -> memref<1x34560xf32, #tpu.memory_space<any>>
    tpu.wait_dma2 semaphore(%arg16 : memref<!tpu.dma_semaphore, #tpu.memory_space<semaphore_mem>>) src(%dma_wait3A_1791 : memref<1x34560xf32, #tpu.memory_space<any>>) dst(%dma_wait3A_1789 : memref<1x34560xf32, #tpu.memory_space<vmem>>)
    %dma_wait3A_1792 = arith.constant 27 : i32
    %dma_wait3A_1793 = arith.constant 0 : i32
    %dma_wait3A_1794 = tpu.memref_slice %arg14[%dma_wait3A_1792, %dma_wait3A_1793] : memref<32x65536xf32, #tpu.memory_space<vmem>> -> memref<1x65536xf32, #tpu.memory_space<vmem>>
    %dma_wait3A_1795 = arith.constant 27 : i32
    %dma_wait3A_1796 = tpu.memref_slice %arg3[%dma_wait3A_1795, %mul3A_1286] : memref<32x1000000xf32, #tpu.memory_space<any>> -> memref<1x65536xf32, #tpu.memory_space<any>>
    tpu.wait_dma2 semaphore(%arg16 : memref<!tpu.dma_semaphore, #tpu.memory_space<semaphore_mem>>) src(%dma_wait3A_1796 : memref<1x65536xf32, #tpu.memory_space<any>>) dst(%dma_wait3A_1794 : memref<1x65536xf32, #tpu.memory_space<vmem>>)
    %dma_wait3A_1797 = arith.constant 27 : i32
    %dma_wait3A_1798 = arith.constant 0 : i32
    %dma_wait3A_1799 = tpu.memref_slice %arg15[%dma_wait3A_1797, %dma_wait3A_1798] : memref<32x34560xf32, #tpu.memory_space<vmem>> -> memref<1x34560xf32, #tpu.memory_space<vmem>>
    %dma_wait3A_1800 = arith.constant 27 : i32
    %dma_wait3A_1801 = tpu.memref_slice %arg3[%dma_wait3A_1800, %mul3A_1325] : memref<32x1000000xf32, #tpu.memory_space<any>> -> memref<1x34560xf32, #tpu.memory_space<any>>
    tpu.wait_dma2 semaphore(%arg16 : memref<!tpu.dma_semaphore, #tpu.memory_space<semaphore_mem>>) src(%dma_wait3A_1801 : memref<1x34560xf32, #tpu.memory_space<any>>) dst(%dma_wait3A_1799 : memref<1x34560xf32, #tpu.memory_space<vmem>>)
    %dma_wait3A_1802 = arith.constant 28 : i32
    %dma_wait3A_1803 = arith.constant 0 : i32
    %dma_wait3A_1804 = tpu.memref_slice %arg14[%dma_wait3A_1802, %dma_wait3A_1803] : memref<32x65536xf32, #tpu.memory_space<vmem>> -> memref<1x65536xf32, #tpu.memory_space<vmem>>
    %dma_wait3A_1805 = arith.constant 28 : i32
    %dma_wait3A_1806 = tpu.memref_slice %arg3[%dma_wait3A_1805, %mul3A_1334] : memref<32x1000000xf32, #tpu.memory_space<any>> -> memref<1x65536xf32, #tpu.memory_space<any>>
    tpu.wait_dma2 semaphore(%arg16 : memref<!tpu.dma_semaphore, #tpu.memory_space<semaphore_mem>>) src(%dma_wait3A_1806 : memref<1x65536xf32, #tpu.memory_space<any>>) dst(%dma_wait3A_1804 : memref<1x65536xf32, #tpu.memory_space<vmem>>)
    %dma_wait3A_1807 = arith.constant 28 : i32
    %dma_wait3A_1808 = arith.constant 0 : i32
    %dma_wait3A_1809 = tpu.memref_slice %arg15[%dma_wait3A_1807, %dma_wait3A_1808] : memref<32x34560xf32, #tpu.memory_space<vmem>> -> memref<1x34560xf32, #tpu.memory_space<vmem>>
    %dma_wait3A_1810 = arith.constant 28 : i32
    %dma_wait3A_1811 = tpu.memref_slice %arg3[%dma_wait3A_1810, %mul3A_1373] : memref<32x1000000xf32, #tpu.memory_space<any>> -> memref<1x34560xf32, #tpu.memory_space<any>>
    tpu.wait_dma2 semaphore(%arg16 : memref<!tpu.dma_semaphore, #tpu.memory_space<semaphore_mem>>) src(%dma_wait3A_1811 : memref<1x34560xf32, #tpu.memory_space<any>>) dst(%dma_wait3A_1809 : memref<1x34560xf32, #tpu.memory_space<vmem>>)
    %dma_wait3A_1812 = arith.constant 29 : i32
    %dma_wait3A_1813 = arith.constant 0 : i32
    %dma_wait3A_1814 = tpu.memref_slice %arg14[%dma_wait3A_1812, %dma_wait3A_1813] : memref<32x65536xf32, #tpu.memory_space<vmem>> -> memref<1x65536xf32, #tpu.memory_space<vmem>>
    %dma_wait3A_1815 = arith.constant 29 : i32
    %dma_wait3A_1816 = tpu.memref_slice %arg3[%dma_wait3A_1815, %mul3A_1382] : memref<32x1000000xf32, #tpu.memory_space<any>> -> memref<1x65536xf32, #tpu.memory_space<any>>
    tpu.wait_dma2 semaphore(%arg16 : memref<!tpu.dma_semaphore, #tpu.memory_space<semaphore_mem>>) src(%dma_wait3A_1816 : memref<1x65536xf32, #tpu.memory_space<any>>) dst(%dma_wait3A_1814 : memref<1x65536xf32, #tpu.memory_space<vmem>>)
    %dma_wait3A_1817 = arith.constant 29 : i32
    %dma_wait3A_1818 = arith.constant 0 : i32
    %dma_wait3A_1819 = tpu.memref_slice %arg15[%dma_wait3A_1817, %dma_wait3A_1818] : memref<32x34560xf32, #tpu.memory_space<vmem>> -> memref<1x34560xf32, #tpu.memory_space<vmem>>
    %dma_wait3A_1820 = arith.constant 29 : i32
    %dma_wait3A_1821 = tpu.memref_slice %arg3[%dma_wait3A_1820, %mul3A_1421] : memref<32x1000000xf32, #tpu.memory_space<any>> -> memref<1x34560xf32, #tpu.memory_space<any>>
    tpu.wait_dma2 semaphore(%arg16 : memref<!tpu.dma_semaphore, #tpu.memory_space<semaphore_mem>>) src(%dma_wait3A_1821 : memref<1x34560xf32, #tpu.memory_space<any>>) dst(%dma_wait3A_1819 : memref<1x34560xf32, #tpu.memory_space<vmem>>)
    %dma_wait3A_1822 = arith.constant 30 : i32
    %dma_wait3A_1823 = arith.constant 0 : i32
    %dma_wait3A_1824 = tpu.memref_slice %arg14[%dma_wait3A_1822, %dma_wait3A_1823] : memref<32x65536xf32, #tpu.memory_space<vmem>> -> memref<1x65536xf32, #tpu.memory_space<vmem>>
    %dma_wait3A_1825 = arith.constant 30 : i32
    %dma_wait3A_1826 = tpu.memref_slice %arg3[%dma_wait3A_1825, %mul3A_1430] : memref<32x1000000xf32, #tpu.memory_space<any>> -> memref<1x65536xf32, #tpu.memory_space<any>>
    tpu.wait_dma2 semaphore(%arg16 : memref<!tpu.dma_semaphore, #tpu.memory_space<semaphore_mem>>) src(%dma_wait3A_1826 : memref<1x65536xf32, #tpu.memory_space<any>>) dst(%dma_wait3A_1824 : memref<1x65536xf32, #tpu.memory_space<vmem>>)
    %dma_wait3A_1827 = arith.constant 30 : i32
    %dma_wait3A_1828 = arith.constant 0 : i32
    %dma_wait3A_1829 = tpu.memref_slice %arg15[%dma_wait3A_1827, %dma_wait3A_1828] : memref<32x34560xf32, #tpu.memory_space<vmem>> -> memref<1x34560xf32, #tpu.memory_space<vmem>>
    %dma_wait3A_1830 = arith.constant 30 : i32
    %dma_wait3A_1831 = tpu.memref_slice %arg3[%dma_wait3A_1830, %mul3A_1469] : memref<32x1000000xf32, #tpu.memory_space<any>> -> memref<1x34560xf32, #tpu.memory_space<any>>
    tpu.wait_dma2 semaphore(%arg16 : memref<!tpu.dma_semaphore, #tpu.memory_space<semaphore_mem>>) src(%dma_wait3A_1831 : memref<1x34560xf32, #tpu.memory_space<any>>) dst(%dma_wait3A_1829 : memref<1x34560xf32, #tpu.memory_space<vmem>>)
    %dma_wait3A_1832 = arith.constant 31 : i32
    %dma_wait3A_1833 = arith.constant 0 : i32
    %dma_wait3A_1834 = tpu.memref_slice %arg14[%dma_wait3A_1832, %dma_wait3A_1833] : memref<32x65536xf32, #tpu.memory_space<vmem>> -> memref<1x65536xf32, #tpu.memory_space<vmem>>
    %dma_wait3A_1835 = arith.constant 31 : i32
    %dma_wait3A_1836 = tpu.memref_slice %arg3[%dma_wait3A_1835, %mul3A_1478] : memref<32x1000000xf32, #tpu.memory_space<any>> -> memref<1x65536xf32, #tpu.memory_space<any>>
    tpu.wait_dma2 semaphore(%arg16 : memref<!tpu.dma_semaphore, #tpu.memory_space<semaphore_mem>>) src(%dma_wait3A_1836 : memref<1x65536xf32, #tpu.memory_space<any>>) dst(%dma_wait3A_1834 : memref<1x65536xf32, #tpu.memory_space<vmem>>)
    %dma_wait3A_1837 = arith.constant 31 : i32
    %dma_wait3A_1838 = arith.constant 0 : i32
    %dma_wait3A_1839 = tpu.memref_slice %arg15[%dma_wait3A_1837, %dma_wait3A_1838] : memref<32x34560xf32, #tpu.memory_space<vmem>> -> memref<1x34560xf32, #tpu.memory_space<vmem>>
    %dma_wait3A_1840 = arith.constant 31 : i32
    %dma_wait3A_1841 = tpu.memref_slice %arg3[%dma_wait3A_1840, %mul3A_1517] : memref<32x1000000xf32, #tpu.memory_space<any>> -> memref<1x34560xf32, #tpu.memory_space<any>>
    tpu.wait_dma2 semaphore(%arg16 : memref<!tpu.dma_semaphore, #tpu.memory_space<semaphore_mem>>) src(%dma_wait3A_1841 : memref<1x34560xf32, #tpu.memory_space<any>>) dst(%dma_wait3A_1839 : memref<1x34560xf32, #tpu.memory_space<vmem>>)
    %get3A_1842 = arith.constant 0 : index
    %get3A_1843 = arith.constant 0 : index
    %get3A_1844 = vector.load %arg4[%get3A_1842, %get3A_1843] : memref<32x1xf32, #tpu.memory_space<vmem>>, vector<32x1xf32>
    %get3A_1845 = arith.constant 0 : index
    %get3A_1846 = arith.constant 0 : index
    %get3A_1847 = vector.load %arg5[%get3A_1845, %get3A_1846] : memref<32x1xf32, #tpu.memory_space<vmem>>, vector<32x1xf32>
    %get3A_1848 = arith.constant 0 : index
    %get3A_1849 = arith.constant 0 : index
    %get3A_1850 = vector.load %arg6[%get3A_1848, %get3A_1849] : memref<32x1xi32, #tpu.memory_space<vmem>>, vector<32x1xi32>
    %get3A_1851 = arith.constant 0 : index
    %get3A_1852 = arith.constant 0 : index
    %get3A_1853 = vector.load %arg7[%get3A_1851, %get3A_1852] : memref<32x16xf32, #tpu.memory_space<vmem>>, vector<32x16xf32>
    %get3A_1854 = arith.constant 0 : index
    %get3A_1855 = arith.constant 0 : index
    %get3A_1856 = vector.load %arg8[%get3A_1854, %get3A_1855] : memref<32x16xf32, #tpu.memory_space<vmem>>, vector<32x16xf32>
    %get3A_1857 = arith.constant 0 : index
    %get3A_1858 = arith.constant 0 : index
    %get3A_1859 = vector.load %arg9[%get3A_1857, %get3A_1858] : memref<32x16xi32, #tpu.memory_space<vmem>>, vector<32x16xi32>
    %get3A_1860 = arith.constant 0 : index
    %get3A_1861 = arith.constant 0 : index
    %get3A_1862 = vector.load %arg11[%get3A_1860, %get3A_1861] : memref<32x1xi32, #tpu.memory_space<vmem>>, vector<32x1xi32>
    %reduce_max3A = arith.constant dense<0xFF800000> : vector<32xf32>
    %reduce_max3A_1863 = vector.multi_reduction <maximumf>, %get3A_1853, %reduce_max3A [1] : vector<32x16xf32> to vector<32xf32>
    %broadcast_in_dim3A = vector.shape_cast %reduce_max3A_1863 : vector<32xf32> to vector<32x1xf32>
    %max3A = arith.maximumf %get3A_1844, %broadcast_in_dim3A : vector<32x1xf32>
    %iota3A = tpu.iota {dimensions = array<i32: 1>} : vector<32x65536xi32>
    %mul3A_1864 = arith.constant 65536 : i32
    %mul3A_1865 = vector.broadcast %mul3A_1864 : i32 to vector<32x1xi32>
    %mul3A_1866 = arith.muli %get3A_1850, %mul3A_1865 : vector<32x1xi32>
    %add3A_1867 = vector.broadcast %mul3A_1866 : vector<32x1xi32> to vector<32x65536xi32>
    %add3A_1868 = arith.addi %iota3A, %add3A_1867 : vector<32x65536xi32>
    %get3A_1869 = arith.constant 0 : index
    %get3A_1870 = arith.constant 0 : index
    %get3A_1871 = vector.load %arg14[%get3A_1869, %get3A_1870] : memref<32x65536xf32, #tpu.memory_space<vmem>>, vector<32x65536xf32>
    %eq3A = vector.broadcast %get3A_1844 : vector<32x1xf32> to vector<32x65536xf32>
    %eq3A_1872 = arith.cmpf oeq, %get3A_1871, %eq3A : vector<32x65536xf32>
    %jit3A_1873 = arith.constant 1000000 : i32
    %broadcast_in_dim3A_1874 = vector.broadcast %jit3A_1873 : i32 to vector<32x65536xi32>
    %select_n3A_1875 = arith.select %eq3A_1872, %add3A_1868, %broadcast_in_dim3A_1874 : vector<32x65536xi1>, vector<32x65536xi32>
    %reduce_min3A = arith.constant dense<2147483647> : vector<32xi32>
    %reduce_min3A_1876 = vector.multi_reduction <minsi>, %select_n3A_1875, %reduce_min3A [1] : vector<32x65536xi32> to vector<32xi32>
    %broadcast_in_dim3A_1877 = vector.shape_cast %reduce_min3A_1876 : vector<32xi32> to vector<32x1xi32>
    %min3A_1878 = arith.constant 8 : i32
    %min3A_1879 = vector.broadcast %min3A_1878 : i32 to vector<32x1xi32>
    %min3A_1880 = arith.minsi %get3A_1862, %min3A_1879 : vector<32x1xi32>
    %mul3A_1881 = arith.constant 34464 : i32
    %mul3A_1882 = vector.broadcast %mul3A_1881 : i32 to vector<32x1xi32>
    %mul3A_1883 = arith.muli %min3A_1880, %mul3A_1882 : vector<32x1xi32>
    %add3A_1884 = arith.constant 655360 : i32
    %add3A_1885 = vector.broadcast %add3A_1884 : i32 to vector<32x1xi32>
    %add3A_1886 = arith.addi %add3A_1885, %mul3A_1883 : vector<32x1xi32>
    %jit3A_1887 = arith.constant 128 : i32
    %div3A_1888 = vector.broadcast %jit3A_1887 : i32 to vector<32x1xi32>
    %div3A_1889 = arith.divsi %add3A_1886, %div3A_1888 : vector<32x1xi32>
    %sign3A_1890 = arith.constant 0 : i32
    %sign3A_1891 = vector.broadcast %sign3A_1890 : i32 to vector<32x1xi32>
    %sign3A_1892 = arith.cmpi sgt, %add3A_1886, %sign3A_1891 : vector<32x1xi32>
    %sign3A_1893 = arith.extui %sign3A_1892 : vector<32x1xi1> to vector<32x1xi32>
    %sign3A_1894 = arith.constant 0 : i32
    %sign3A_1895 = vector.broadcast %sign3A_1894 : i32 to vector<32x1xi32>
    %sign3A_1896 = arith.cmpi slt, %add3A_1886, %sign3A_1895 : vector<32x1xi32>
    %sign3A_1897 = arith.extui %sign3A_1896 : vector<32x1xi1> to vector<32x1xi32>
    %sign3A_1898 = arith.subi %sign3A_1893, %sign3A_1897 : vector<32x1xi32>
    %sign3A_1899 = arith.constant 0 : i32
    %sign3A_1900 = arith.cmpi sgt, %jit3A_1887, %sign3A_1899 : i32
    %sign3A_1901 = arith.extui %sign3A_1900 : i1 to i32
    %sign3A_1902 = arith.constant 0 : i32
    %sign3A_1903 = arith.cmpi slt, %jit3A_1887, %sign3A_1902 : i32
    %sign3A_1904 = arith.extui %sign3A_1903 : i1 to i32
    %sign3A_1905 = arith.subi %sign3A_1901, %sign3A_1904 : i32
    %ne3A_1906 = vector.broadcast %sign3A_1905 : i32 to vector<32x1xi32>
    %ne3A_1907 = arith.cmpi ne, %sign3A_1898, %ne3A_1906 : vector<32x1xi32>
    %rem3A_1908 = vector.broadcast %jit3A_1887 : i32 to vector<32x1xi32>
    %rem3A_1909 = arith.remsi %add3A_1886, %rem3A_1908 : vector<32x1xi32>
    %ne3A_1910 = arith.constant 0 : i32
    %ne3A_1911 = vector.broadcast %ne3A_1910 : i32 to vector<32x1xi32>
    %ne3A_1912 = arith.cmpi ne, %rem3A_1909, %ne3A_1911 : vector<32x1xi32>
    %and3A_1913 = arith.andi %ne3A_1907, %ne3A_1912 : vector<32x1xi1>
    %sub3A_1914 = arith.constant 1 : i32
    %sub3A_1915 = vector.broadcast %sub3A_1914 : i32 to vector<32x1xi32>
    %sub3A_1916 = arith.subi %div3A_1889, %sub3A_1915 : vector<32x1xi32>
    %select_n3A_1917 = arith.select %and3A_1913, %sub3A_1916, %div3A_1889 : vector<32x1xi1>, vector<32x1xi32>
    %mul3A_1918 = arith.constant 128 : i32
    %mul3A_1919 = vector.broadcast %mul3A_1918 : i32 to vector<32x1xi32>
    %mul3A_1920 = arith.muli %select_n3A_1917, %mul3A_1919 : vector<32x1xi32>
    %iota3A_1921 = tpu.iota {dimensions = array<i32: 1>} : vector<32x34560xi32>
    %add3A_1922 = vector.broadcast %mul3A_1920 : vector<32x1xi32> to vector<32x34560xi32>
    %add3A_1923 = arith.addi %iota3A_1921, %add3A_1922 : vector<32x34560xi32>
    %get3A_1924 = arith.constant 0 : index
    %get3A_1925 = arith.constant 0 : index
    %get3A_1926 = vector.load %arg15[%get3A_1924, %get3A_1925] : memref<32x34560xf32, #tpu.memory_space<vmem>>, vector<32x34560xf32>
    %eq3A_1927 = vector.broadcast %broadcast_in_dim3A : vector<32x1xf32> to vector<32x34560xf32>
    %eq3A_1928 = arith.cmpf oeq, %get3A_1926, %eq3A_1927 : vector<32x34560xf32>
    %jit3A_1929 = arith.constant 1000000 : i32
    %broadcast_in_dim3A_1930 = vector.broadcast %jit3A_1929 : i32 to vector<32x34560xi32>
    %select_n3A_1931 = arith.select %eq3A_1928, %add3A_1923, %broadcast_in_dim3A_1930 : vector<32x34560xi1>, vector<32x34560xi32>
    %reduce_min3A_1932 = arith.constant dense<2147483647> : vector<32xi32>
    %reduce_min3A_1933 = vector.multi_reduction <minsi>, %select_n3A_1931, %reduce_min3A_1932 [1] : vector<32x34560xi32> to vector<32xi32>
    %broadcast_in_dim3A_1934 = vector.shape_cast %reduce_min3A_1933 : vector<32xi32> to vector<32x1xi32>
    %eq3A_1935 = vector.broadcast %broadcast_in_dim3A : vector<32x1xf32> to vector<32x16xf32>
    %eq3A_1936 = arith.cmpf oeq, %get3A_1853, %eq3A_1935 : vector<32x16xf32>
    %jit3A_1937 = arith.constant 1000000 : i32
    %broadcast_in_dim3A_1938 = vector.broadcast %jit3A_1937 : i32 to vector<32x16xi32>
    %select_n3A_1939 = arith.select %eq3A_1936, %get3A_1859, %broadcast_in_dim3A_1938 : vector<32x16xi1>, vector<32x16xi32>
    %reduce_min3A_1940 = arith.constant dense<2147483647> : vector<32xi32>
    %reduce_min3A_1941 = vector.multi_reduction <minsi>, %select_n3A_1939, %reduce_min3A_1940 [1] : vector<32x16xi32> to vector<32xi32>
    %broadcast_in_dim3A_1942 = vector.shape_cast %reduce_min3A_1941 : vector<32xi32> to vector<32x1xi32>
    %eq3A_1943 = arith.constant 9 : i32
    %eq3A_1944 = vector.broadcast %eq3A_1943 : i32 to vector<32x1xi32>
    %eq3A_1945 = arith.cmpi eq, %get3A_1862, %eq3A_1944 : vector<32x1xi32>
    %select_n3A_1946 = arith.select %eq3A_1945, %broadcast_in_dim3A_1942, %broadcast_in_dim3A_1934 : vector<32x1xi1>, vector<32x1xi32>
    %sub3A_1947 = arith.subf %get3A_1844, %max3A : vector<32x1xf32>
    %exp3A = math.exp %sub3A_1947 : vector<32x1xf32>
    %mul3A_1948 = arith.mulf %get3A_1847, %exp3A : vector<32x1xf32>
    %sub3A_1949 = vector.broadcast %max3A : vector<32x1xf32> to vector<32x16xf32>
    %sub3A_1950 = arith.subf %get3A_1853, %sub3A_1949 : vector<32x16xf32>
    %exp3A_1951 = math.exp %sub3A_1950 : vector<32x16xf32>
    %mul3A_1952 = arith.mulf %get3A_1856, %exp3A_1951 : vector<32x16xf32>
    %reduce_sum3A = arith.constant dense<0.000000e+00> : vector<32xf32>
    %reduce_sum3A_1953 = vector.multi_reduction <add>, %mul3A_1952, %reduce_sum3A [1] : vector<32x16xf32> to vector<32xf32>
    %broadcast_in_dim3A_1954 = vector.shape_cast %reduce_sum3A_1953 : vector<32xf32> to vector<32x1xf32>
    %add3A_1955 = arith.addf %mul3A_1948, %broadcast_in_dim3A_1954 : vector<32x1xf32>
    %get3A_1956 = arith.constant 0 : index
    %get3A_1957 = arith.constant 0 : index
    %get3A_1958 = vector.load %arg10[%get3A_1956, %get3A_1957] : memref<32x1xf32, #tpu.memory_space<vmem>>, vector<32x1xf32>
    %sub3A_1959 = arith.subf %get3A_1958, %max3A : vector<32x1xf32>
    %log3A = math.log %add3A_1955 : vector<32x1xf32>
    %sub3A_1960 = arith.subf %sub3A_1959, %log3A : vector<32x1xf32>
    %swap3A = arith.constant 0 : index
    %swap3A_1961 = arith.constant 0 : index
    %swap3A_1962 = vector.load %arg12[%swap3A, %swap3A_1961] : memref<32x1xf32, #tpu.memory_space<vmem>>, vector<32x1xf32>
    tpu.vector_store %arg12[%swap3A, %swap3A_1961], %sub3A_1960 {strides = array<i32>} : memref<32x1xf32, #tpu.memory_space<vmem>>, vector<32x1xf32>,
    %ge3A = arith.cmpf oge, %get3A_1844, %broadcast_in_dim3A : vector<32x1xf32>
    %select_n3A_1963 = arith.select %ge3A, %broadcast_in_dim3A_1877, %select_n3A_1946 : vector<32x1xi1>, vector<32x1xi32>
    %swap3A_1964 = arith.constant 0 : index
    %swap3A_1965 = arith.constant 0 : index
    %swap3A_1966 = vector.load %arg13[%swap3A_1964, %swap3A_1965] : memref<32x1xi32, #tpu.memory_space<vmem>>, vector<32x1xi32>
    tpu.vector_store %arg13[%swap3A_1964, %swap3A_1965], %select_n3A_1963 {strides = array<i32>} : memref<32x1xi32, #tpu.memory_space<vmem>>, vector<32x1xi32>,
    return
  }
  func.func @transform_1(%arg0: i32, %arg1: memref<32xi32, #tpu.memory_space<smem>>, %arg2: memref<32xi32, #tpu.memory_space<smem>>) -> (i32, i32) {
    %c0_i32 = arith.constant 0 : i32
    %c0_i32_0 = arith.constant 0 : i32
    %c0_i32_1 = arith.constant 0 : i32
    return %c0_i32, %c0_i32_0 : i32, i32
  }
  func.func @transform_2(%arg0: i32, %arg1: memref<32xi32, #tpu.memory_space<smem>>, %arg2: memref<32xi32, #tpu.memory_space<smem>>) -> (i32, i32) {
    %c0_i32 = arith.constant 0 : i32
    %c0_i32_0 = arith.constant 0 : i32
    %c0_i32_1 = arith.constant 0 : i32
    return %c0_i32, %c0_i32_0 : i32, i32
  }
  func.func @transform_3(%arg0: i32, %arg1: memref<32xi32, #tpu.memory_space<smem>>, %arg2: memref<32xi32, #tpu.memory_space<smem>>) -> (i32, i32) {
    %c0_i32 = arith.constant 0 : i32
    %c0_i32_0 = arith.constant 0 : i32
    %c0_i32_1 = arith.constant 0 : i32
    return %c0_i32, %c0_i32_0 : i32, i32
  }
  func.func @transform_4(%arg0: i32, %arg1: memref<32xi32, #tpu.memory_space<smem>>, %arg2: memref<32xi32, #tpu.memory_space<smem>>) -> (i32, i32) {
    %c0_i32 = arith.constant 0 : i32
    %c0_i32_0 = arith.constant 0 : i32
    %c0_i32_1 = arith.constant 0 : i32
    return %c0_i32, %c0_i32_0 : i32, i32
  }
  func.func @transform_5(%arg0: i32, %arg1: memref<32xi32, #tpu.memory_space<smem>>, %arg2: memref<32xi32, #tpu.memory_space<smem>>) -> (i32, i32) {
    %c0_i32 = arith.constant 0 : i32
    %c0_i32_0 = arith.constant 0 : i32
    %c0_i32_1 = arith.constant 0 : i32
    return %c0_i32, %c0_i32_0 : i32, i32
  }
  func.func @transform_6(%arg0: i32, %arg1: memref<32xi32, #tpu.memory_space<smem>>, %arg2: memref<32xi32, #tpu.memory_space<smem>>) -> (i32, i32) {
    %c0_i32 = arith.constant 0 : i32
    %c0_i32_0 = arith.constant 0 : i32
    %c0_i32_1 = arith.constant 0 : i32
    return %c0_i32, %c0_i32_0 : i32, i32
  }
  func.func @transform_7(%arg0: i32, %arg1: memref<32xi32, #tpu.memory_space<smem>>, %arg2: memref<32xi32, #tpu.memory_space<smem>>) -> (i32, i32) {
    %c0_i32 = arith.constant 0 : i32
    %c0_i32_0 = arith.constant 0 : i32
    %c0_i32_1 = arith.constant 0 : i32
    return %c0_i32, %c0_i32_0 : i32, i32
  }
  func.func @transform_8(%arg0: i32, %arg1: memref<32xi32, #tpu.memory_space<smem>>, %arg2: memref<32xi32, #tpu.memory_space<smem>>) -> (i32, i32) {
    %c0_i32 = arith.constant 0 : i32
    %c0_i32_0 = arith.constant 0 : i32
    %c0_i32_1 = arith.constant 0 : i32
    return %c0_i32, %c0_i32_0 : i32, i32
  }
  func.func @transform_9(%arg0: i32, %arg1: memref<32xi32, #tpu.memory_space<smem>>, %arg2: memref<32xi32, #tpu.memory_space<smem>>) -> (i32, i32) {
    %c0_i32 = arith.constant 0 : i32
    %c0_i32_0 = arith.constant 0 : i32
    %c0_i32_1 = arith.constant 0 : i32
    return %c0_i32, %c0_i32_0 : i32, i32
  }
  func.func @transform_10(%arg0: i32, %arg1: memref<32xi32, #tpu.memory_space<smem>>, %arg2: memref<32xi32, #tpu.memory_space<smem>>) -> (i32, i32) {
    %c0_i32 = arith.constant 0 : i32
    %c0_i32_0 = arith.constant 0 : i32
    %c0_i32_1 = arith.constant 0 : i32
    return %c0_i32, %c0_i32_0 : i32, i32
  }
}

</mosaic_0001>

<sc_bundles>
// kernel: run.5.cloned.1.call-start
scs
__scs_entry_jumppad:
0x0: {  	(pc) =	sbr.rel $0x88, $3  }
0x1: {  	(tag) =	ssettag $0x0;
	lr =	simm.s32 $0x1  }
0x2: {  	[smem:$0x3F9F] =	sst lr;
	_ =	strace $0xD0000000  }
0x3: {  	_ = 	snop  }
0x4: {  	_ = 	snop  }
0x5: {  	_ = 	snop  }
0x6: {  	_ = 	snop  }
0x7: {  	_ = 	snop  }
__scs_overlays_trampoline_lowered:
0x8: {  	[smem:$0x3FAE] =	sst s0  }
0x9: {  	[smem:$0x3FAF] =	sst s1  }
0xa: {  	[smem:$0x3FB0] =	sst s2  }
0xb: {  	[smem:$0x3FB1] =	sst s3  }
0xc: {  	[smem:$0x3FB2] =	sst s4  }
0xd: {  	[smem:$0x3FB3] =	sst s5  }
0xe: {  	[smem:$0x3FB4] =	sst s6  }
0xf: {  	[smem:$0x3FB5] =	sst s7  }
0x10: {  	[smem:$0x3FB6] =	sst s8  }
0x11: {  	[smem:$0x3FB7] =	sst s9;
	s0 =	simm.s32 @!p0 $0x0  }
0x12: {  	s1 =	sld [smem:$0x3F9D];
	s0 =	simm.s32 @p0 $0x1  }
0x13: {  	[smem:$0x3FB8] =	sst s0;
	s0 =	simm.s32 @!p1 $0x0  }
0x14: {  	s2 =	sld [smem:$0x3F9C];
	s0 =	simm.s32 @p1 $0x1  }
0x15: {  	[smem:$0x3FB9] =	sst s0;
	s0 =	simm.s32 @!p2 $0x0  }
0x16: {  	s3 =	sld [smem:$0x3FDB];
	s0 =	simm.s32 @p2 $0x1  }
0x17: {  	s4 =	simm.s32 $0x1BF5;
	[smem:$0x3FBB] =	sst s0  }
0x18: {  	s0 =	sld [smem:$0x3F9E];
	_ =	swait.ge [sflag:s4], $0x0  }
0x19: {  	s7 =	sld [smem:$0x3F9F]  }
0x1a: {  	s8 =	sadd.s32 $0xFFFFE003, lr  }
0x1b: {  	s9 =	sadd.s32 $0xFFFFFEF7, lr;
	s5 =	simm.s32 $0xFFFFFFFF;
	p2 =	slt.u32 s8, $0xFFFFF086  }
0x1c: {  	p1 =	slt.u32 s9, $0xF7A;
	s5 =	simm.s32 @!p2 $0x0  }
0x1d: {  	s5 =	simm.s32 @p1 $0x1;
	p0 =	seq.s32 s7, s2  }
0x1e: {  	s7 =	smul.u32 @!p0 $0xF7A, s2;
	p2 =	seq.s32 @!p0 s5, $0x0  }
0x1f: {  	s9 =	smul.u32 $0xF7A, s1;
	s8 =	simm.s32 @!p0 $0x1BF5;
	p2 =	por !p2, p0  }
0x20: {  	[sflag:s8] =	ssyncset.s32 @!p0 $0xFFFFF086;
	s6 =	sadd.s32 @!p0 s3, s7;
	s7 =	simm.s32 @!p0 $0x108  }
0x21: {  	s3 =	sadd.s32 s3, s9;
	s6 =	sadd.s32 @!p0 $0x88, s6;
	s7 =	simm.s32 @p2 $0x1082  }
0x22: {  	[simem:s7], [sflag:s8] =	dma.local @!p0 [hbm:s6], $0xF7A  }
0x23: {  	s9 =	sor.u32 $0xD0000000, s2;
	s6 =	simm.s32 $0x108;
	_ =	swait.ge @!p0 [sflag:s8], $0x0  }
0x24: {  	s3 =	sadd.s32 $0x88, s3;
	s6 =	simm.s32 @!p1 $0x1082;
	[sflag:s4] =	ssyncset.s32 $0xFFFFF086  }
0x25: {  	[simem:s6], [sflag:s4] =	dma.local [hbm:s3], $0xF7A  }
0x26: {  	[smem:$0x3F9F] =	sst s1;
	(tag) =	ssettag s2;
	_ =	strace s9  }
0x27: {  	s1 =	sld [smem:$0x3FAF]  }
0x28: {  	s2 =	sld [smem:$0x3FB0]  }
0x29: {  	s4 =	sld [smem:$0x3FB2]  }
0x2a: {  	p0 =	seq.s32 s5, $0x0;
	s5 =	sld [smem:$0x3FB3]  }
0x2b: {  	s6 =	sld [smem:$0x3FB4]  }
0x2c: {  	s7 =	sld [smem:$0x3FB5]  }
0x2d: {  	s3 =	simm.s32 $0x108;
	s8 =	sld [smem:$0x3FB6]  }
0x2e: {  	s3 =	simm.s32 @!p0 $0x1082;
	s9 =	sld [smem:$0x3FB7]  }
0x2f: {  	lr =	sadd.s32 s0, s3;
	s0 =	sld [smem:$0x3FAE]  }
0x30: {  	s3 =	sld [smem:$0x3FB1]  }
0x31: {  	[smem:$0x3FBA] =	sst s10  }
0x32: {  	s10 =	sld [smem:$0x3FB8];
	_ =	sdelay $0x3  }
0x33: {  	p0 =	seq.s32 s10, $0x1;
	s10 =	sld [smem:$0x3FBA];
	_ =	sdelay $0x3  }
0x34: {  	[smem:$0x3FBA] =	sst s10  }
0x35: {  	s10 =	sld [smem:$0x3FB9];
	_ =	sdelay $0x3  }
0x36: {  	p1 =	seq.s32 s10, $0x1;
	s10 =	sld [smem:$0x3FBA];
	_ =	sdelay $0x3  }
0x37: {  	[smem:$0x3FBA] =	sst s10  }
0x38: {  	s10 =	sld [smem:$0x3FBB]  }
0x39: {  	_ = 	snop;
	(pc) =	sbr.ind lr, $3  }
0x3a: {  	_ = 	snop  }
0x3b: {  	_ = 	snop  }
0x3c: {  	p2 =	seq.s32 s10, $0x1;
	s10 =	sld [smem:$0x3FBA]  }
0x3d: {  	_ =	shalt  }
0x3e: {  	_ =	shalt  }
0x3f: {  	_ =	shalt  }
0x40: {  	_ =	shalt  }
0x41: {  	_ =	shalt  }
0x42: {  	_ =	shalt  }
0x43: {  	_ =	shalt  }
0x44: {  	_ =	shalt  }
0x45: {  	_ =	shalt  }
0x46: {  	_ =	shalt  }
0x47: {  	_ =	shalt  }
0x48: {  	_ =	shalt  }
0x49: {  	_ =	shalt  }
0x4a: {  	_ =	shalt  }
0x4b: {  	_ =	shalt  }
0x4c: {  	_ =	shalt  }
0x4d: {  	_ =	shalt  }
0x4e: {  	_ =	shalt  }
0x4f: {  	_ =	shalt  }
0x50: {  	_ =	shalt  }
0x51: {  	_ =	shalt  }
0x52: {  	_ =	shalt  }
0x53: {  	_ =	shalt  }
0x54: {  	_ =	shalt  }
0x55: {  	_ =	shalt  }
0x56: {  	_ =	shalt  }
0x57: {  	_ =	shalt  }
0x58: {  	_ =	shalt  }
0x59: {  	_ =	shalt  }
0x5a: {  	_ =	shalt  }
0x5b: {  	_ =	shalt  }
0x5c: {  	_ =	shalt  }
0x5d: {  	_ =	shalt  }
0x5e: {  	_ =	shalt  }
0x5f: {  	_ =	shalt  }
0x60: {  	_ =	shalt  }
0x61: {  	_ =	shalt  }
0x62: {  	_ =	shalt  }
0x63: {  	_ =	shalt  }
0x64: {  	_ =	shalt  }
0x65: {  	_ =	shalt  }
0x66: {  	_ =	shalt  }
0x67: {  	_ =	shalt  }
0x68: {  	_ =	shalt  }
0x69: {  	_ =	shalt  }
0x6a: {  	_ =	shalt  }
0x6b: {  	_ =	shalt  }
0x6c: {  	_ =	shalt  }
0x6d: {  	_ =	shalt  }
0x6e: {  	_ =	shalt  }
0x6f: {  	_ =	shalt  }
0x70: {  	_ =	shalt  }
0x71: {  	_ =	shalt  }
0x72: {  	_ =	shalt  }
0x73: {  	_ =	shalt  }
0x74: {  	_ =	shalt  }
0x75: {  	_ =	shalt  }
0x76: {  	_ =	shalt  }
0x77: {  	_ =	shalt  }
0x78: {  	_ =	shalt  }
0x79: {  	_ =	shalt  }
0x7a: {  	_ =	shalt  }
0x7b: {  	_ =	shalt  }
0x7c: {  	_ =	shalt  }
0x7d: {  	_ =	shalt  }
0x7e: {  	_ =	shalt  }
0x7f: {  	_ =	shalt  }
0x80: {  	_ =	shalt  }
0x81: {  	_ =	shalt  }
0x82: {  	_ =	shalt  }
0x83: {  	_ =	shalt  }
0x84: {  	_ =	shalt  }
0x85: {  	_ =	shalt  }
0x86: {  	_ =	shalt  }
0x87: {  	_ =	shalt  }
.Lfunc_end0:
.L_simem_size_0:
called_computation_lowered:
.L_overlay_start_0:
0x88: {  	s2 =	sld [smem:$0x3FD9]  }
0x89: {  	s3 =	sld [smem:$0x3FFE];
	_ =	sdelay $0x1  }
0x8a: {  	s1 =	srdreg.scid  }
0x8b: {  	s0 =	sand.u32 $0x1, s1  }
0x8c: {  	s14 =	sshll.u32 s0, $0xA;
	s2 =	sadd.s32 s3, s2  }
0x8d: {  	s2 =	sadd.s32 s2, s14  }
0x8e: {  	[smem:$0x3FC6] =	sst s2  }
0x8f: {  	_ = 	snop  }
0x90: {  	s2 =	sld [smem:$0x3FD0];
	_ =	sdelay $0x2  }
0x91: {  	s15 =	simm.s32 $0xA;
	s4 =	simm.s32 $0x10  }
0x92: {  	[smem:s4], [sflag:s15] =	dma.local [hbm:s2], $0x1  }
0x93: {  	_ =	swait.eq [sflag:s15], $0x1  }
0x94: {  	[sflag:s15] =	ssyncset.done $0x0  }
0x95: {  	s16 =	sld [smem:$0x10];
	[sflag:s15] =	ssyncadd.s32 $0xFFFFFFFF  }
0x96: {  	s17 =	sld [smem:$0x11];
	(tm) =	ssettm $0x1  }
0x97: {  	s18 =	sld [smem:$0x3FFB];
	_ =	sdelay $0x3  }
0x98: {  	_ =	strace s18  }
0x99: {  	s4 =	sld [smem:$0x3FFC];
	_ =	sdelay $0x3  }
0x9a: {  	_ =	strace s4  }
0x9b: {  	s4 =	sld [smem:$0x3FFD];
	_ =	sdelay $0x3  }
0x9c: {  	_ =	strace s4  }
0x9d: {  	_ =	strace $0x8FFFFFFF  }
0x9e: {  	s19 =	sld [smem:$0x3FDB];
	_ =	sdelay $0x1  }
0x9f: {  	s5 =	simm.s32 $_scs_section_size  }
0xa0: {  	s6 =	simm.s32 $_size__tile_overlayer_lowered;
	s7 =	simm.s32 $_tile_overlayer_lowered  }
0xa1: {  	s22 =	simm.s32 $0x1BFF;
	s21 =	sshll.u32 s7, $0x1;
	s4 =	sadd.s32 s5, s19  }
0xa2: {  	s8 =	simm.s32 $0x0;
	s20 =	sshll.u32 s6, $0x1;
	s6 =	sadd.s32 s21, s4  }
0xa3: {  	[timem:s8], [sflag:s22] =	dma.local [hbm:s6], s20  }
0xa4: {  	_ =	swait.ge [sflag:s22], s20  }
0xa5: {  	s5 =	ssub.s32 $0x0, s20;
	[sflag:s22] =	ssyncset.done $0x0  }
0xa6: {  	[sflag:s22] =	ssyncadd.s32 s5;
	_ =	sdelay $0x1  }
0xa7: {  	s23 =	simm.s32 $0x1B8B  }
0xa8: {  	_ =	swait.ge [sflag:s23], $0x1  }
0xa9: {  	[sflag:s23] =	ssyncset.done $0x0  }
0xaa: {  	s25 =	simm.s32 $0x1B8E;
	s24 =	sld [smem:$0x3FFE];
	[sflag:s23] =	ssyncadd.s32 $0xFFFFFFFF  }
0xab: {  	s26 =	simm.s32 $execute0_lowered;
	[smem:$0x3FD2] =	sst s25  }
0xac: {  	s6 =	sshll.u32 s26, $0x1;
	_ =	strace $0x80000046;
	[dreg:$0x1] =	wrdreg $0xFFFFFFFF  }
0xad: {  	s28 =	simm.s32 $_size_execute0_lowered;
	s4 =	sadd.s32 s4, s6;
	[dreg:$0x0] =	wrdreg $0x0  }
0xae: {  	s6 =	sshll.u32 s28, $0x1;
	[dreg:$0x2] =	wrdreg s4  }
0xaf: {  	[dreg:$0x3] =	wrdreg s6  }
0xb0: {  	[dreg:$0x4] =	wrdreg $0xC0  }
0xb1: {  	_ =	task [dreg:s8], $0x5FFFF  }
0xb2: {  	[dreg:$0x1] =	wrdreg $0xFFFFFFFF  }
0xb3: {  	[dreg:$0x0] =	wrdreg $0x60  }
0xb4: {  	[dreg:$0x2] =	wrdreg s24  }
0xb5: {  	[dreg:$0x3] =	wrdreg s17  }
0xb6: {  	[dreg:$0x4] =	wrdreg s16  }
0xb7: {  	[dreg:$0x5] =	wrdreg $0x9  }
0xb8: {  	_ =	task.clear_ibuf [dreg:s8], $0x6FFFF;
	_ =	strace $0x90000046  }
0xb9: {  	s29 =	simm.s32 $0x9;
	_ =	strace $0x80000048  }
0xba: {  	_ =	swait.ge [sflag:s29], $0x1  }
0xbb: {  	[sflag:s29] =	ssyncadd.s32 $0xFFFFFFFF  }
0xbc: {  	_ =	strace $0x90000048  }
0xbd: {  	_ =	sfence  }
0xbe: {  	s30 =	sld [smem:$0x0];
	_ =	sdelay $0x2  }
0xbf: {  	s31 =	sshll.u32 s1, $0xD;
	s1 =	sshrl.u32 s1, $0x2  }
0xc0: {  	s3 =	sand.u32 $0x4000, s31;
	s1 =	sadd.s32 s1, s30  }
0xc1: {  	s0 =	sor.u32 s3, s0;
	s1 =	sshll.u32 s1, $0x11  }
0xc2: {  	s0 =	sor.u32 s1, s0  }
0xc3: {  	s0 =	sadd.s32 $0x8F2B, s0  }
0xc4: {  	[sflag:s0] =	ssyncadd.remote.s32 $0x1  }
0xc5: {  	_ =	sfence.sel $0xFFFF  }
0xc6: {  	[dreg:$0x0] =	wrdreg $0xFFFFFFFF;
	(pc) =	sbr.abs _section_cstart, $3  }
0xc7: {  	[dreg:$0x1] =	wrdreg $0xFFFFFFFF  }
0xc8: {  	_ =	task.clear_ibuf [dreg:s8], $0x2FFFF;
	_ =	strace $0x9FFFFFFF  }
0xc9: {  	(tm) =	ssettm $0x7FFFFFFF  }
tec
execute0_lowered:
.L_overlay_start_1:
0x0: {  	(tag) =	ssettag $0x1  }
0x1: {  	s1 =	srdreg.scid;
	s0 =	stileid.u32  }
0x2: {  	s2 =	rddreg [dreg:$0x0];
	s15 =	sand.u32 $0x1, s1;
	s6 =	sshll.u32 s0, $0x1  }
0x3: {  	s3 =	rddreg [dreg:$0x1];
	s12 =	sor.u32 s15, s6  }
0x4: {  	s4 =	rddreg [dreg:$0x2];
	s5 =	simm.s32 $0x0;
	s6 =	sshll.u32 s12, $0x1  }
0x5: {  	v0 =	vimm.f32 $-Inf;
	s7 =	simm.s32 $0x2;
	[smem:$0x7FF] =	sst s5;
	s11 =	sadd.s32 s6, s2  }
0x6: {  	s1 =	rddreg [dreg:$0x3];
	_ =	strace $0x80000047;
	[tilespmem:$0x0] =	vst v0;
	s6 =	sadd.s32 $0x3D0C00, s11  }
0x7: {  	[hbm4b:s6+s5] =	stream.linear.scatter [tilespmem:s5], [sflag:$0x2], $0x10, $0x38;
	[tilespmem:$0x200] =	vst v63  }
0x8: {  	_ =	swait.ge [sflag:s7], $0x10  }
0x9: {  	[sflag:s7] =	ssyncset.done $0x0  }
0xa: {  	v1 =	vimm.f32 $0.0e+00;
	[sflag:s7] =	ssyncadd.s32 $0xFFFFFFF0  }
0xb: {  	s8 =	sadd.s32 $0x3D0E00, s11;
	[tilespmem:$0x0] =	vst v1  }
0xc: {  	[hbm4b:s8+s5] =	stream.linear.scatter [tilespmem:s5], [sflag:$0x2], $0x10, $0x38;
	[tilespmem:$0x200] =	vst v63  }
0xd: {  	_ =	swait.ge [sflag:s7], $0x10  }
0xe: {  	[sflag:s7] =	ssyncset.done $0x0  }
0xf: {  	v2 =	vimm.s32 $0xF4240;
	[sflag:s7] =	ssyncadd.s32 $0xFFFFFFF0  }
0x10: {  	s10 =	simm.s32 $0x80;
	s9 =	sadd.s32 $0x3D1000, s11;
	[tilespmem:$0x80] =	vst v2  }
0x11: {  	[hbm4b:s9+s5] =	stream.linear.scatter [tilespmem:s10], [sflag:$0x2], $0x10, $0x38;
	[tilespmem:$0x200] =	vst v63  }
0x12: {  	_ =	swait.ge [sflag:s7], $0x10  }
0x13: {  	[sflag:s7] =	ssyncset.done $0x0  }
0x14: {  	v3 =	vimm.s32 $0x0;
	[sflag:s7] =	ssyncadd.s32 $0xFFFFFFF0  }
0x15: {  	s11 =	sadd.s32 $0x3D0A00, s11;
	[tilespmem:$0x80] =	vst v3  }
0x16: {  	[hbm4b:s11+s5] =	stream.linear.scatter [tilespmem:s10], [sflag:$0x2], $0x10, $0x38;
	[tilespmem:$0x200] =	vst v63  }
0x17: {  	s18 =	ssub.s32 $0x2, s15;
	p0 =	sne.s32 s12, $0x0;
	_ =	swait.ge [sflag:s7], $0x10  }
0x18: {  	s19 =	sshrl.u32 s18, $0x1;
	s12 =	simm.s32 @!p0 $0x2;
	[sflag:s7] =	ssyncset.done $0x0  }
0x19: {  	s13 =	simm.s32 @!p0 $0x0;
	s14 =	simm.s32 @!p0 $0x100;
	[sflag:s7] =	ssyncadd.s32 $0xFFFFFFF0  }
0x1a: {  	[tilespmem:s14], [sflag:$0x2] =	stream.linear.gather @!p0 [hbm4b:s3+s13], $0x80, $0x38;
	[tilespmem:$0x200] =	vst v63  }
0x1b: {  	s15 =	simm.s32 @!p0 $0x1;
	s18 =	ssub.s32 s18, s19;
	_ =	swait.ge @!p0 [sflag:s12], $0x80  }
0x1c: {  	s16 =	simm.s32 @!p0 $0x20;
	s18 =	smax.u32 s18, $0x1;
	[sflag:s12] =	ssyncset.done @!p0 $0x0  }
0x1d: {  	s17 =	simm.s32 @!p0 $0x180;
	s18 =	sadd.s32 $0xFFFFFFFF, s18;
	[sflag:s12] =	ssyncadd.s32 @!p0 $0xFFFFFF80  }
0x1e: {  	[tilespmem:s17], [sflag:$0x1] =	stream.indirect.gather @!p0 [hbm4b:s2+s16], $0x1, s14, s16, $0xb8;
	[tilespmem:$0x200] =	vst v63  }
0x1f: {  	p1 =	sne.s32 s18, $0x0;
	_ =	swait.ge @!p0 [sflag:s15], $0x20  }
.Ltmp0:
0x20: {  	[sflag:s15] =	ssyncset.done @!p0 $0x0;
	(pc) =	sbr.rel @!p1 .LBB2_2-.Ltmp0, $4  }
0x21: {  	[sflag:s15] =	ssyncadd.s32 @!p0 $0xFFFFFFE0  }
0x22: {  	[hbm4b:s4+s13] =	stream.linear.scatter @!p0 [tilespmem:s17], [sflag:$0x2], $0x80, $0x38;
	[tilespmem:$0x200] =	vst v63  }
0x23: {  	_ =	swait.ge @!p0 [sflag:s12], $0x80  }
0x24: {  	[sflag:s12] =	ssyncset.done @!p0 $0x0  }
.LBB2_1:
0x25: {  	s18 =	sadd.s32 $0xFFFFFFFF, s18;
	[sflag:s12] =	ssyncadd.s32 @!p0 $0xFFFFFF80  }
0x26: {  	[tilespmem:$0x0] =	vst v0;
	p1 =	sne.s32 s18, $0x0  }
0x27: {  	[hbm4b:s6+s5] =	stream.linear.scatter [tilespmem:s5], [sflag:$0x2], $0x10, $0x38;
	[tilespmem:$0x200] =	vst v63  }
0x28: {  	_ =	swait.ge [sflag:s7], $0x10  }
0x29: {  	[sflag:s7] =	ssyncset.done $0x0  }
0x2a: {  	[sflag:s7] =	ssyncadd.s32 $0xFFFFFFF0  }
0x2b: {  	[tilespmem:$0x0] =	vst v1  }
0x2c: {  	[hbm4b:s8+s5] =	stream.linear.scatter [tilespmem:s5], [sflag:$0x2], $0x10, $0x38;
	[tilespmem:$0x200] =	vst v63  }
0x2d: {  	_ =	swait.ge [sflag:s7], $0x10  }
0x2e: {  	[sflag:s7] =	ssyncset.done $0x0  }
0x2f: {  	[sflag:s7] =	ssyncadd.s32 $0xFFFFFFF0  }
0x30: {  	[tilespmem:$0x80] =	vst v2  }
0x31: {  	[hbm4b:s9+s5] =	stream.linear.scatter [tilespmem:s10], [sflag:$0x2], $0x10, $0x38;
	[tilespmem:$0x200] =	vst v63  }
0x32: {  	_ =	swait.ge [sflag:s7], $0x10  }
0x33: {  	[sflag:s7] =	ssyncset.done $0x0  }
0x34: {  	[sflag:s7] =	ssyncadd.s32 $0xFFFFFFF0  }
0x35: {  	[tilespmem:$0x80] =	vst v3  }
0x36: {  	[hbm4b:s11+s5] =	stream.linear.scatter [tilespmem:s10], [sflag:$0x2], $0x10, $0x38;
	[tilespmem:$0x200] =	vst v63  }
0x37: {  	_ =	swait.ge [sflag:s7], $0x10  }
0x38: {  	[sflag:s7] =	ssyncset.done $0x0  }
0x39: {  	[sflag:s7] =	ssyncadd.s32 $0xFFFFFFF0  }
0x3a: {  	[tilespmem:s14], [sflag:$0x2] =	stream.linear.gather @!p0 [hbm4b:s3+s13], $0x80, $0x38;
	[tilespmem:$0x200] =	vst v63  }
0x3b: {  	_ =	swait.ge @!p0 [sflag:s12], $0x80  }
0x3c: {  	[sflag:s12] =	ssyncset.done @!p0 $0x0  }
0x3d: {  	[sflag:s12] =	ssyncadd.s32 @!p0 $0xFFFFFF80  }
0x3e: {  	[tilespmem:s17], [sflag:$0x1] =	stream.indirect.gather @!p0 [hbm4b:s2+s16], $0x1, s14, s16, $0xb8;
	[tilespmem:$0x200] =	vst v63  }
0x3f: {  	_ =	swait.ge @!p0 [sflag:s15], $0x20  }
.Ltmp1:
0x40: {  	[sflag:s15] =	ssyncset.done @!p0 $0x0;
	(pc) =	sbr.rel @p1 .LBB2_1-.Ltmp1, $4  }
0x41: {  	[sflag:s15] =	ssyncadd.s32 @!p0 $0xFFFFFFE0  }
0x42: {  	[hbm4b:s4+s13] =	stream.linear.scatter @!p0 [tilespmem:s17], [sflag:$0x2], $0x80, $0x38;
	[tilespmem:$0x200] =	vst v63  }
0x43: {  	_ =	swait.ge @!p0 [sflag:s12], $0x80  }
0x44: {  	[sflag:s12] =	ssyncset.done @!p0 $0x0  }
.LBB2_2:
0x45: {  	[sflag:s12] =	ssyncadd.s32 @!p0 $0xFFFFFF80  }
0x46: {  	_ =	sfence.sel $0x180000  }
0x47: {  	[bflag:$0x0] =	sbarrier.arrive $0xFFFF  }
0x48: {  	p0 =	sne.s32 s0, $0x0;
	_ =	strace $0x90000047  }
0x49: {  	s0 =	sadd.s32 @!p0 $0x100000, s1;
	[bflag:$0x2] =	sbarrier.arrive $0xFFFF  }
0x4a: {  	[sflag:s0] =	ssyncadd.tile.s32 @!p0 $0x1;
	_ =	shalt  }
.Lfunc_end2:
_tile_overlayer_lowered:
.L_overlay_start_2:
0x4b: {  	(tag) =	ssettag $0x2  }
0x4c: {  	s0 =	rddreg [dreg:$0x0];
	s2 =	stileid.u32  }
0x4d: {  	s1 =	rddreg [dreg:$0x1];
	p0 =	sne.s32 s2, $0x0  }
0x4e: {  	s3 =	rddreg [dreg:$0x2];
	[bflag:$0x3] =	sbarrier.arrive $0xFFFF;
	s2 =	simm.s32 @!p0 $0x1C02  }
0x4f: {  	[timem:s3], [sflag:s2] =	dma.local @!p0 [hbm:s0], s1  }
0x50: {  	s0 =	simm.s32 @!p0 $0x2  }
0x51: {  	_ =	swait.ge @!p0 [sflag:s0], s1  }
0x52: {  	s1 =	ssub.s32 @!p0 $0x0, s1;
	[sflag:s0] =	ssyncset.done @!p0 $0x0  }
0x53: {  	[sflag:s0] =	ssyncadd.s32 @!p0 s1  }
0x54: {  	[bflag:$0x3] =	sbarrier.arrive $0xFFFF  }
0x55: {  	_ =	shalt  }

</sc_bundles>
